<compile_context>
chip_gen: v7x
topology: tpu7x:2x2x1
jax: 0.10.2.dev20260603
libtpu: 0.0.44.dev20260713+nightly
codegen_flags: <defaults>
</compile_context>

<pallas_src>
import jax
import jax.numpy as jnp
from jax.experimental import pallas as pl
from jax.experimental.pallas import tpu as pltpu
from jax.experimental.pallas import tpu_sc as plsc

_B, _S, _E, _H, _FC = 4, 2048, 768, 12, 3072
_hd = _E // _H
_K = _S // 2
_QB = 256
_nQB = _S // _QB
_SB = 512
_RB = 512
_GW = 128


def _qkv_body(src_ref, wt_ref, b_ref, q_ref, kt_ref, v_ref):
    r = (
        jnp.dot(src_ref[0], wt_ref[...], preferred_element_type=jnp.float32)
        + b_ref[...]
    )
    q_ref[0] = r[:, :_E]
    kt_ref[0] = r[:, _E:2 * _E].T
    v_ref[0] = r[:, 2 * _E:].astype(jnp.bfloat16)


def _qkv_proj(src, in_proj_w, in_proj_b):
    wt = in_proj_w.T
    return pl.pallas_call(
        _qkv_body,
        grid=(_B, _S // _SB),
        in_specs=[
            pl.BlockSpec((1, _SB, _E), lambda b, s: (b, s, 0)),
            pl.BlockSpec((_E, 3 * _E), lambda b, s: (0, 0)),
            pl.BlockSpec((3 * _E,), lambda b, s: (0,)),
        ],
        out_specs=[
            pl.BlockSpec((1, _SB, _E), lambda b, s: (b, s, 0)),
            pl.BlockSpec((1, _E, _SB), lambda b, s: (b, 0, s)),
            pl.BlockSpec((1, _SB, _E), lambda b, s: (b, s, 0)),
        ],
        out_shape=[
            jax.ShapeDtypeStruct((_B, _S, _E), jnp.float32),
            jax.ShapeDtypeStruct((_B, _E, _S), jnp.float32),
            jax.ShapeDtypeStruct((_B, _S, _E), jnp.bfloat16),
        ],
    )(src, wt, in_proj_b)


def _attn_body(q_ref, kt_ref, v_ref, ctx_ref, ks_ref, acc8_ref):
    qb = pl.program_id(1)

    @pl.when(qb == 0)
    def _():
        acc8_ref[...] = jnp.zeros_like(acc8_ref)

    w_sum = jnp.zeros((_QB, _S), jnp.float32)
    ctx_parts = []
    for h in range(_H):
        qh = q_ref[0, :, h * _hd:(h + 1) * _hd]
        kht = kt_ref[0, h * _hd:(h + 1) * _hd, :]
        s = jnp.dot(qh, kht, preferred_element_type=jnp.float32) / 8.0
        ex = jnp.exp(s)
        z = jnp.sum(ex, axis=1, keepdims=True)
        w = ex * (1.0 / z)
        w_sum = w_sum + w
        vh = v_ref[0, :, h * _hd:(h + 1) * _hd]
        ctx_parts.append(
            jax.lax.dot(w.astype(jnp.bfloat16), vh,
                        preferred_element_type=jnp.float32))
    ctx_ref[0] = jnp.concatenate(ctx_parts, axis=1)

    attn_blk = w_sum / 12.0
    acc = acc8_ref[...]
    for t in range(_QB // 8):
        acc = acc + attn_blk[t * 8:(t + 1) * 8, :]
    acc8_ref[...] = acc

    @pl.when(qb == _nQB - 1)
    def _():
        a = acc8_ref[...]
        b0 = a[0:1, :] + a[4:5, :]
        b1 = a[1:2, :] + a[5:6, :]
        b2 = a[2:3, :] + a[6:7, :]
        b3 = a[3:4, :] + a[7:8, :]
        ks_ref[0] = (b0 + b2) + (b1 + b3)


def _attention(q, kt, v):
    return pl.pallas_call(
        _attn_body,
        grid=(_B, _nQB),
        in_specs=[
            pl.BlockSpec((1, _QB, _E), lambda b, i: (b, i, 0)),
            pl.BlockSpec((1, _E, _S), lambda b, i: (b, 0, 0)),
            pl.BlockSpec((1, _S, _E), lambda b, i: (b, 0, 0)),
        ],
        out_specs=[
            pl.BlockSpec((1, _QB, _E), lambda b, i: (b, i, 0)),
            pl.BlockSpec((1, 1, _S), lambda b, i: (b, 0, 0)),
        ],
        out_shape=[
            jax.ShapeDtypeStruct((_B, _S, _E), jnp.float32),
            jax.ShapeDtypeStruct((_B, 1, _S), jnp.float32),
        ],
        scratch_shapes=[pltpu.VMEM((8, _S), jnp.float32)],
    )(q, kt, v)


def _cumsum_sublane(x):
    c = x
    sh = 1
    while sh < _S:
        c = c + jnp.pad(c, ((sh, 0), (0, 0)))[:_S, :]
        sh *= 2
    return c


def _select_body(ks_ref, idx_ref):
    b = pl.program_id(0)
    scores = ks_ref[0]
    bits = jax.lax.bitcast_convert_type(scores, jnp.int32)

    def step(_, carry):
        lo, hi = carry
        mid = lo + jax.lax.shift_right_logical(hi - lo + 1, 1)
        cnt = jnp.sum((bits >= mid).astype(jnp.int32), keepdims=True)
        take = cnt >= _K
        lo = jnp.where(take, mid, lo)
        hi = jnp.where(take, hi, mid - 1)
        return lo, hi

    lo0 = jnp.zeros((1, 1), jnp.int32)
    hi0 = jnp.full((1, 1), 0x7F7FFFFF, jnp.int32)
    lo, hi = jax.lax.fori_loop(0, 31, step, (lo0, hi0))
    t = lo
    gt = bits > t
    eq = bits == t
    m = jnp.sum(gt.astype(jnp.int32), keepdims=True)
    need = _K - m
    eq_rank = _cumsum_sublane(eq.astype(jnp.int32))
    sel = gt | (eq & (eq_rank <= need))
    rank = _cumsum_sublane(sel.astype(jnp.int32)) - 1
    j2 = jax.lax.broadcasted_iota(jnp.int32, (_S, 2 * _K), 1)
    jj = jax.lax.shift_right_logical(j2, 1)
    parity = jax.lax.broadcasted_iota(jnp.int32, (1, 2 * _K), 1) & 1
    s_iota = jax.lax.broadcasted_iota(jnp.int32, (_S, 1), 0)
    onehot = ((rank == jj) & sel).astype(jnp.int32)
    idxdup = jnp.sum(onehot * s_iota, axis=0, keepdims=True)
    idx_ref[0] = 2 * (idxdup + b * _S) + parity


def _select(ks_col):
    return pl.pallas_call(
        _select_body,
        grid=(_B,),
        in_specs=[pl.BlockSpec((1, _S, 1), lambda b: (b, 0, 0))],
        out_specs=pl.BlockSpec((1, 1, 2 * _K), lambda b: (b, 0, 0)),
        out_shape=jax.ShapeDtypeStruct((_B, 1, 2 * _K), jnp.int32),
    )(ks_col)


def _sc_gather_rows(data_half, gidx2):
    n = gidx2.shape[1]
    he = data_half.shape[1]

    @pl.kernel(
        out_type=jax.ShapeDtypeStruct((n, he), data_half.dtype),
        mesh=plsc.VectorSubcoreMesh(core_axis_name="c", subcore_axis_name="s"),
    )
    def k(x_hbm, i_hbm, o_hbm):
        def body(i_vmem, o_vmem):
            pltpu.sync_copy(x_hbm.at[i_vmem.at[0]], o_vmem)

        pltpu.emit_pipeline(
            body,
            grid=(n // _GW,),
            in_specs=[pl.BlockSpec((1, _GW), index_map=lambda i: (0, i))],
            out_specs=[pl.BlockSpec((_GW, he), index_map=lambda i: (i, 0))],
            core_axis_name=("c", "s"),
            dimension_semantics=(pltpu.PARALLEL,),
        )(i_hbm, o_hbm)

    return k(data_half, gidx2)


def _ln_rows(x, g, b):
    m = jnp.mean(x, axis=-1, keepdims=True)
    v = jnp.mean((x - m) ** 2, axis=-1, keepdims=True)
    return (x - m) / jnp.sqrt(v + 1e-5) * g + b


def _ffn_body(sg_ref, cg_ref, wo_ref, bo_ref, g1_ref, b1_ref, g2_ref, b2_ref,
              w1_ref, fb1_ref, w2_ref, fb2_ref, out_ref):
    xg = jnp.dot(cg_ref[...].astype(jnp.bfloat16), wo_ref[...],
                 preferred_element_type=jnp.float32) + bo_ref[...]
    y1 = _ln_rows(sg_ref[...] + xg, g1_ref[...], b1_ref[...])
    hp = jnp.dot(y1.astype(jnp.bfloat16), w1_ref[...],
                 preferred_element_type=jnp.float32) + fb1_ref[...]
    hh = hp * jax.nn.sigmoid(hp)
    ffo = jnp.dot(hh.astype(jnp.bfloat16), w2_ref[...],
                  preferred_element_type=jnp.float32) + fb2_ref[...]
    out_ref[...] = _ln_rows(y1 + ffo, g2_ref[...], b2_ref[...])


def _ffn(sg, cg, wo_t, bo, g1, b1, g2, b2, w1_t, fb1, w2_t, fb2):
    n = _B * _K
    row2 = lambda r: pl.BlockSpec(r.shape, lambda i: tuple(0 for _ in r.shape))
    return pl.pallas_call(
        _ffn_body,
        grid=(n // _RB,),
        in_specs=[
            pl.BlockSpec((_RB, _E), lambda i: (i, 0)),
            pl.BlockSpec((_RB, _E), lambda i: (i, 0)),
            row2(wo_t), row2(bo), row2(g1), row2(b1), row2(g2), row2(b2),
            row2(w1_t), row2(fb1), row2(w2_t), row2(fb2),
        ],
        out_specs=pl.BlockSpec((_RB, _E), lambda i: (i, 0)),
        out_shape=jax.ShapeDtypeStruct((n, _E), jnp.float32),
    )(sg, cg, wo_t, bo, g1, b1, g2, b2, w1_t, fb1, w2_t, fb2)


def kernel(src, src_pad, in_proj_w, in_proj_b, out_proj_w, out_proj_b,
           ln1_g, ln1_b, ln2_g, ln2_b, ff_w1, ff_b1, ff_w2, ff_b2):
    q, kt, v = _qkv_proj(src, in_proj_w, in_proj_b)
    ctx, ks = _attention(q, kt, v)

    gidx = _select(ks.reshape(_B, _S, 1))
    gidx_flat = gidx.reshape(1, 2 * _B * _K)

    n = _B * _K
    sg = _sc_gather_rows(src.reshape(2 * _B * _S, _E // 2),
                         gidx_flat).reshape(n, _E)
    cg = _sc_gather_rows(ctx.reshape(2 * _B * _S, _E // 2),
                         gidx_flat).reshape(n, _E)

    bf = jnp.bfloat16
    y = _ffn(
        sg, cg,
        out_proj_w.T.astype(bf), out_proj_b.reshape(1, _E),
        ln1_g.reshape(1, _E), ln1_b.reshape(1, _E),
        ln2_g.reshape(1, _E), ln2_b.reshape(1, _E),
        ff_w1.T.astype(bf), ff_b1.reshape(1, _FC),
        ff_w2.T.astype(bf), ff_b2.reshape(1, _E),
    )
    y = y.reshape(_B, _K, _E)
    y_pad = jnp.zeros((_B, _K), dtype=bool)
    return y, y_pad

# --- scband reference (transcript-rebuilt; emitter-appended) ---
"""Pipeline reference for scband-gated-encoder-layer-63041529971397 (READ-ONLY COPY).

The authoritative reference and input builder live on the scoring server;
editing this copy changes nothing except your own understanding.
"""

import jax, jax.numpy as jnp
import numpy as np

B, S, E, H, FC = 4, 2048, 768, 12, 3072
THROUGHPUT = 0.5
K = max(1, int(S * THROUGHPUT))


def setup_inputs(seed: int = 0):
    key = jax.random.key(seed)
    ks = jax.random.split(key, 8)
    s_in = 1.0 / np.sqrt(E)
    s_fc = 1.0 / np.sqrt(FC)
    return {
        "src": jax.random.normal(ks[0], (B, S, E), dtype=jnp.float32),
        "src_pad": jnp.zeros((B, S), dtype=bool),
        "in_proj_w": jax.random.uniform(ks[1], (3 * E, E), minval=-s_in, maxval=s_in, dtype=jnp.float32),
        "in_proj_b": jnp.zeros((3 * E,), jnp.float32),
        "out_proj_w": jax.random.uniform(ks[2], (E, E), minval=-s_in, maxval=s_in, dtype=jnp.float32),
        "out_proj_b": jnp.zeros((E,), jnp.float32),
        "ln1_g": jnp.ones((E,), jnp.float32),
        "ln1_b": jnp.zeros((E,), jnp.float32),
        "ln2_g": jnp.ones((E,), jnp.float32),
        "ln2_b": jnp.zeros((E,), jnp.float32),
        "ff_w1": jax.random.uniform(ks[3], (FC, E), minval=-s_in, maxval=s_in, dtype=jnp.float32),
        "ff_b1": jnp.zeros((FC,), jnp.float32),
        "ff_w2": jax.random.uniform(ks[4], (E, FC), minval=-s_fc, maxval=s_fc, dtype=jnp.float32),
        "ff_b2": jnp.zeros((E,), jnp.float32),
    }


def _ln(x, g, b):
    m = jnp.mean(x, axis=-1, keepdims=True)
    v = jnp.mean((x - m) ** 2, axis=-1, keepdims=True)
    return (x - m) / jnp.sqrt(v + 1e-5) * g + b


def _forward(src, src_pad, in_proj_w, in_proj_b, out_proj_w, out_proj_b, ln1_g, ln1_b, ln2_g, ln2_b, ff_w1, ff_b1, ff_w2, ff_b2):
    hd = E // H
    qkv = src @ in_proj_w.T + in_proj_b
    q, k_, v = jnp.split(qkv, 3, axis=-1)

    def heads(t):
        return t.reshape(B, S, H, hd).transpose(0, 2, 1, 3)

    q, k_, v = heads(q), heads(k_), heads(v)
    scores = (q @ k_.transpose(0, 1, 3, 2)) / np.sqrt(hd)
    scores = jnp.where(src_pad[:, None, None, :], -jnp.inf, scores)
    w = jax.nn.softmax(scores, axis=-1)
    ctx = (w @ v).transpose(0, 2, 1, 3).reshape(B, S, E)
    x = ctx @ out_proj_w.T + out_proj_b
    attn = jnp.mean(w, axis=1)  # average over heads -> [B, S, S]
    # AttentionGate: src_pad is all-False so every row has length S and k = K.
    # scores.sum(dim=0) in torch sums the query axis of attn[i,:j,:j] -> per-key score.
    key_scores = jax.lax.stop_gradient(attn).sum(axis=1)  # [B, S]
    _, idx = jax.lax.top_k(key_scores, K)
    idx = jnp.sort(idx, axis=1)  # [B, K]
    # y[gate.batch, gate.y] = x[gate.batch, gate.x]  (dense gather since all rows full)
    xg = jnp.take_along_axis(x, idx[:, :, None], axis=1)
    sg = jnp.take_along_axis(src, idx[:, :, None], axis=1)
    y = _ln(sg + xg, ln1_g, ln1_b)
    # feed-forward (dropout = identity in eval mode)
    h = jax.nn.silu(y @ ff_w1.T + ff_b1)
    ffo = h @ ff_w2.T + ff_b2
    y = _ln(y + ffo, ln2_g, ln2_b)
    return y


def reference(src, src_pad, in_proj_w, in_proj_b, out_proj_w, out_proj_b, ln1_g, ln1_b, ln2_g, ln2_b, ff_w1, ff_b1, ff_w2, ff_b2):
    y = _forward(src, src_pad, in_proj_w, in_proj_b, out_proj_w, out_proj_b, ln1_g, ln1_b, ln2_g, ln2_b, ff_w1, ff_b1, ff_w2, ff_b2)
    # every (batch, slot) pair is written, so y_pad is all False
    y_pad = jnp.zeros((B, K), dtype=bool)
    return y, y_pad

if __name__ == "__main__":
    import jax
    _d = setup_inputs()
    print(jax.jit(kernel)(*tuple(_d.values())))

</pallas_src>

<mosaic_0001>
#map = affine_map<(d0, d1) -> (0, 0)>
module attributes {stable_mosaic.version = 14 : i64} {
  func.func @k(%arg0: i32, %arg1: i32, %arg2: memref<16384x384xf32, #tpu.memory_space<hbm>>, %arg3: memref<1x8192xi32, #tpu.memory_space<hbm>>, %arg4: memref<8192x384xf32, #tpu.memory_space<hbm>>) attributes {dimension_semantics = [#tpu.dimension_semantics<core_parallel>, #tpu.dimension_semantics<subcore_parallel>], iteration_bounds = array<i64: 2, 16>, scalar_prefetch = 0 : i64, scratch_operands = 0 : i64, tpu.core_type = #tpu.core_type<sc_vector_subcore>, window_params = [{transform_indices = #map}, {transform_indices = #map}, {transform_indices = #map}]} {
    %mul3A = arith.constant 1 : i32
    %mul3A_0 = arith.muli %arg1, %mul3A : i32
    %add3A = arith.constant 0 : i32
    %add3A_1 = arith.addi %add3A, %mul3A_0 : i32
    %mul3A_2 = arith.constant 16 : i32
    %mul3A_3 = arith.muli %arg0, %mul3A_2 : i32
    %add3A_4 = arith.addi %add3A_1, %mul3A_3 : i32
    %mul3A_5 = arith.constant 2 : i32
    %mul3A_6 = arith.muli %add3A_4, %mul3A_5 : i32
    "tpu.region"() ({
      %run_scoped3A = memref.alloca() : memref<2x1x128xi32, #tpu.memory_space<vmem>>
      %run_scoped3A_7 = tpu.sem_alloc : memref<2x!tpu.dma_semaphore, #tpu.memory_space<semaphore_mem>>
      %run_scoped3A_8 = memref.alloca() : memref<2x128x384xf32, #tpu.memory_space<vmem>>
      %run_scoped3A_9 = tpu.sem_alloc : memref<2x!tpu.dma_semaphore, #tpu.memory_space<semaphore_mem>>
      %add3A_10 = arith.constant 0 : i32
      %add3A_11 = arith.addi %add3A_10, %mul3A_6 : i32
      %select_n3A = arith.constant true
      %select_n3A_12 = arith.constant 0 : i32
      %select_n3A_13 = arith.constant -1 : i32
      %select_n3A_14 = arith.select %select_n3A, %select_n3A_13, %select_n3A_12 : i32
      %eq3A = arith.constant -1 : i32
      %eq3A_15 = arith.cmpi eq, %select_n3A_14, %eq3A : i32
      %select_n3A_16 = arith.constant 1 : i32
      %select_n3A_17 = arith.select %eq3A_15, %select_n3A_16, %select_n3A_14 : i32
      %add3A_18 = arith.addi %select_n3A_17, %mul3A_6 : i32
      %select_n3A_19 = arith.constant true
      %select_n3A_20 = arith.constant 0 : i32
      %select_n3A_21 = arith.constant 1 : i32
      %select_n3A_22 = arith.select %select_n3A_19, %select_n3A_21, %select_n3A_20 : i32
      %eq3A_23 = arith.constant 2 : i32
      %eq3A_24 = arith.cmpi eq, %select_n3A_22, %eq3A_23 : i32
      %select_n3A_25 = arith.constant 0 : i32
      %select_n3A_26 = arith.select %eq3A_24, %select_n3A_25, %select_n3A_22 : i32
      %add3A_27 = arith.addi %select_n3A_26, %mul3A_6 : i32
      %add3A_28 = arith.constant 1 : i32
      %add3A_29 = arith.addi %select_n3A_26, %add3A_28 : i32
      %select_n3A_30 = arith.constant true
      %select_n3A_31 = arith.select %select_n3A_30, %add3A_29, %select_n3A_26 : i32
      %eq3A_32 = arith.constant 2 : i32
      %eq3A_33 = arith.cmpi eq, %select_n3A_31, %eq3A_32 : i32
      %select_n3A_34 = arith.constant 0 : i32
      %select_n3A_35 = arith.select %eq3A_33, %select_n3A_34, %select_n3A_31 : i32
      %add3A_36 = arith.addi %select_n3A_35, %mul3A_6 : i32
      "tpu.trace_start"() <{level = 10 : i32, message = "ep_initialize_0"}> : () -> ()
      %rem3A = arith.constant 0 : i32
      %rem3A_37 = arith.constant 2 : i32
      %rem3A_38 = arith.remui %rem3A, %rem3A_37 : i32
      %mul3A_39 = arith.constant 128 : i32
      %mul3A_40 = arith.muli %mul3A_39, %add3A_11 : i32
      %dma_start3A = arith.constant 0 : i32
      %dma_start3A_41 = arith.constant 0 : i32
      %dma_start3A_42 = tpu.memref_slice %run_scoped3A[%rem3A_38, %dma_start3A, %dma_start3A_41] : memref<2x1x128xi32, #tpu.memory_space<vmem>> -> memref<1x1x128xi32, #tpu.memory_space<vmem>>
      %dma_start3A_43 = tpu.memref_squeeze %dma_start3A_42 : memref<1x1x128xi32, #tpu.memory_space<vmem>> -> memref<1x128xi32, #tpu.memory_space<vmem>>
      %dma_start3A_44 = arith.constant 0 : i32
      %dma_start3A_45 = tpu.memref_slice %arg3[%dma_start3A_44, %mul3A_40] : memref<1x8192xi32, #tpu.memory_space<hbm>> -> memref<1x128xi32, #tpu.memory_space<hbm>>
      %dma_start3A_46 = tpu.memref_slice %run_scoped3A_7[%rem3A_38] : memref<2x!tpu.dma_semaphore, #tpu.memory_space<semaphore_mem>> -> memref<1x!tpu.dma_semaphore, #tpu.memory_space<semaphore_mem>>
      %dma_start3A_47 = tpu.memref_squeeze %dma_start3A_46 : memref<1x!tpu.dma_semaphore, #tpu.memory_space<semaphore_mem>> -> memref<!tpu.dma_semaphore, #tpu.memory_space<semaphore_mem>>
      %dma_start3A_48 = arith.constant 0 : i32
      %dma_start3A_49 = arith.constant 0 : i32
      %dma_start3A_50 = tpu.memref_slice %run_scoped3A[%rem3A_38, %dma_start3A_48, %dma_start3A_49] : memref<2x1x128xi32, #tpu.memory_space<vmem>> -> memref<1x1x128xi32, #tpu.memory_space<vmem>>
      %dma_start3A_51 = tpu.memref_squeeze %dma_start3A_50 : memref<1x1x128xi32, #tpu.memory_space<vmem>> -> memref<1x128xi32, #tpu.memory_space<vmem>>
      %dma_start3A_52 = arith.constant 0 : i32
      %dma_start3A_53 = tpu.memref_slice %arg3[%dma_start3A_52, %mul3A_40] : memref<1x8192xi32, #tpu.memory_space<hbm>> -> memref<1x128xi32, #tpu.memory_space<hbm>>
      tpu.enqueue_dma source(%dma_start3A_53 : memref<1x128xi32, #tpu.memory_space<hbm>>) target(%dma_start3A_51 : memref<1x128xi32, #tpu.memory_space<vmem>>) target_semaphore(%dma_start3A_47 : memref<!tpu.dma_semaphore, #tpu.memory_space<semaphore_mem>>)
      %add3A_54 = arith.constant 0 : i32
      %add3A_55 = arith.constant 1 : i32
      %add3A_56 = arith.addi %add3A_54, %add3A_55 : i32
      %select_n3A_57 = arith.constant true
      %select_n3A_58 = arith.constant 0 : i32
      %select_n3A_59 = arith.select %select_n3A_57, %add3A_56, %select_n3A_58 : i32
      "tpu.trace_stop"() : () -> ()
      %scan3A = arith.constant 0 : i32
      %scan3A_60 = arith.constant 0 : i32
      %scan3A_61 = arith.constant 0 : i32
      %scan3A_62 = arith.constant 0 : i32
      %scan3A_63 = arith.constant 0 : i32
      %scan3A_64 = arith.constant 2 : i32
      %scan3A_65 = arith.addi %scan3A_63, %scan3A_64 : i32
      %scan3A_66 = arith.constant 1 : i32
      %scan3A_67:5 = scf.for %scan3A_121 = %scan3A_63 to %scan3A_65 step %scan3A_66 iter_args(%scan3A_122 = %select_n3A_59, %scan3A_123 = %scan3A, %scan3A_124 = %scan3A_60, %scan3A_125 = %scan3A_61, %scan3A_126 = %scan3A_62) -> (i32, i32, i32, i32, i32)  : i32 {
        %eq3A_127 = arith.constant 0 : i32
        %eq3A_128 = arith.cmpi eq, %scan3A_121, %eq3A_127 : i32
        %eq3A_129 = arith.constant 1 : i32
        %eq3A_130 = arith.cmpi eq, %scan3A_121, %eq3A_129 : i32
        %add3A_131 = arith.addi %scan3A_126, %mul3A_6 : i32
        %sub3A_132 = arith.constant 1 : i32
        %sub3A_133 = arith.subi %scan3A_126, %sub3A_132 : i32
        %select_n3A_134 = arith.constant true
        %select_n3A_135 = arith.select %select_n3A_134, %sub3A_133, %scan3A_126 : i32
        %eq3A_136 = arith.constant -1 : i32
        %eq3A_137 = arith.cmpi eq, %select_n3A_135, %eq3A_136 : i32
        %select_n3A_138 = arith.constant 1 : i32
        %select_n3A_139 = arith.select %eq3A_137, %select_n3A_138, %select_n3A_135 : i32
        %add3A_140 = arith.addi %select_n3A_139, %mul3A_6 : i32
        %add3A_141 = arith.constant 1 : i32
        %add3A_142 = arith.addi %scan3A_126, %add3A_141 : i32
        %select_n3A_143 = arith.constant true
        %select_n3A_144 = arith.select %select_n3A_143, %add3A_142, %scan3A_126 : i32
        %eq3A_145 = arith.constant 2 : i32
        %eq3A_146 = arith.cmpi eq, %select_n3A_144, %eq3A_145 : i32
        %select_n3A_147 = arith.constant 0 : i32
        %select_n3A_148 = arith.select %eq3A_146, %select_n3A_147, %select_n3A_144 : i32
        %add3A_149 = arith.addi %select_n3A_148, %mul3A_6 : i32
        %add3A_150 = arith.constant 1 : i32
        %add3A_151 = arith.addi %select_n3A_148, %add3A_150 : i32
        %select_n3A_152 = arith.constant true
        %select_n3A_153 = arith.select %select_n3A_152, %add3A_151, %select_n3A_148 : i32
        %eq3A_154 = arith.constant 2 : i32
        %eq3A_155 = arith.cmpi eq, %select_n3A_153, %eq3A_154 : i32
        %select_n3A_156 = arith.constant 0 : i32
        %select_n3A_157 = arith.select %eq3A_155, %select_n3A_156, %select_n3A_153 : i32
        %add3A_158 = arith.addi %select_n3A_157, %mul3A_6 : i32
        %ne3A = arith.cmpi ne, %add3A_131, %add3A_149 : i32
        %or3A = arith.constant false
        %or3A_159 = arith.ori %or3A, %ne3A : i1
        %ge3A = arith.constant 1 : i32
        %ge3A_160 = arith.cmpi sge, %scan3A_121, %ge3A : i32
        %not3A = arith.constant true
        %not3A_161 = arith.xori %ge3A_160, %not3A : i1
        %and3A = arith.andi %or3A_159, %not3A_161 : i1
        %convert_element_type3A = arith.extui %and3A : i1 to i32
        %cond3A = arith.constant 0 : i32
        %cond3A_162 = arith.cmpi ne, %convert_element_type3A, %cond3A : i32
        scf.if %cond3A_162 {
          "tpu.trace_start"() <{level = 10 : i32, message = "ep_copy_in"}> : () -> ()
          %rem3A_264 = arith.constant 2 : i32
          %rem3A_265 = arith.remui %scan3A_122, %rem3A_264 : i32
          %mul3A_266 = arith.constant 128 : i32
          %mul3A_267 = arith.muli %mul3A_266, %add3A_149 : i32
          %dma_start3A_268 = arith.constant 0 : i32
          %dma_start3A_269 = arith.constant 0 : i32
          %dma_start3A_270 = tpu.memref_slice %run_scoped3A[%rem3A_265, %dma_start3A_268, %dma_start3A_269] : memref<2x1x128xi32, #tpu.memory_space<vmem>> -> memref<1x1x128xi32, #tpu.memory_space<vmem>>
          %dma_start3A_271 = tpu.memref_squeeze %dma_start3A_270 : memref<1x1x128xi32, #tpu.memory_space<vmem>> -> memref<1x128xi32, #tpu.memory_space<vmem>>
          %dma_start3A_272 = arith.constant 0 : i32
          %dma_start3A_273 = tpu.memref_slice %arg3[%dma_start3A_272, %mul3A_267] : memref<1x8192xi32, #tpu.memory_space<hbm>> -> memref<1x128xi32, #tpu.memory_space<hbm>>
          %dma_start3A_274 = tpu.memref_slice %run_scoped3A_7[%rem3A_265] : memref<2x!tpu.dma_semaphore, #tpu.memory_space<semaphore_mem>> -> memref<1x!tpu.dma_semaphore, #tpu.memory_space<semaphore_mem>>
          %dma_start3A_275 = tpu.memref_squeeze %dma_start3A_274 : memref<1x!tpu.dma_semaphore, #tpu.memory_space<semaphore_mem>> -> memref<!tpu.dma_semaphore, #tpu.memory_space<semaphore_mem>>
          %dma_start3A_276 = arith.constant 0 : i32
          %dma_start3A_277 = arith.constant 0 : i32
          %dma_start3A_278 = tpu.memref_slice %run_scoped3A[%rem3A_265, %dma_start3A_276, %dma_start3A_277] : memref<2x1x128xi32, #tpu.memory_space<vmem>> -> memref<1x1x128xi32, #tpu.memory_space<vmem>>
          %dma_start3A_279 = tpu.memref_squeeze %dma_start3A_278 : memref<1x1x128xi32, #tpu.memory_space<vmem>> -> memref<1x128xi32, #tpu.memory_space<vmem>>
          %dma_start3A_280 = arith.constant 0 : i32
          %dma_start3A_281 = tpu.memref_slice %arg3[%dma_start3A_280, %mul3A_267] : memref<1x8192xi32, #tpu.memory_space<hbm>> -> memref<1x128xi32, #tpu.memory_space<hbm>>
          tpu.enqueue_dma source(%dma_start3A_281 : memref<1x128xi32, #tpu.memory_space<hbm>>) target(%dma_start3A_279 : memref<1x128xi32, #tpu.memory_space<vmem>>) target_semaphore(%dma_start3A_275 : memref<!tpu.dma_semaphore, #tpu.memory_space<semaphore_mem>>)
          "tpu.trace_stop"() : () -> ()
        } else {
        }
        %and3A_163 = arith.constant true
        %and3A_164 = arith.andi %and3A, %and3A_163 : i1
        %add3A_165 = arith.constant 1 : i32
        %add3A_166 = arith.addi %scan3A_122, %add3A_165 : i32
        %select_n3A_167 = arith.select %and3A_164, %add3A_166, %scan3A_122 : i32
        %ne3A_168 = arith.cmpi ne, %add3A_131, %add3A_149 : i32
        %or3A_169 = arith.constant false
        %or3A_170 = arith.ori %or3A_169, %ne3A_168 : i1
        %or3A_171 = arith.constant false
        %or3A_172 = arith.ori %or3A_170, %or3A_171 : i1
        %ge3A_173 = arith.constant 1 : i32
        %ge3A_174 = arith.cmpi sge, %scan3A_121, %ge3A_173 : i32
        %not3A_175 = arith.constant true
        %not3A_176 = arith.xori %ge3A_174, %not3A_175 : i1
        %and3A_177 = arith.andi %or3A_172, %not3A_176 : i1
        %ne3A_178 = arith.cmpi ne, %add3A_131, %add3A_140 : i32
        %or3A_179 = arith.constant false
        %or3A_180 = arith.ori %or3A_179, %ne3A_178 : i1
        %or3A_181 = arith.ori %or3A_180, %eq3A_128 : i1
        %convert_element_type3A_182 = arith.extui %or3A_181 : i1 to i32
        %cond3A_183 = arith.constant 0 : i32
        %cond3A_184 = arith.cmpi ne, %convert_element_type3A_182, %cond3A_183 : i32
        scf.if %cond3A_184 {
          "tpu.trace_start"() <{level = 10 : i32, message = "ep_wait_in"}> : () -> ()
          %mul3A_264 = arith.constant 128 : i32
          %mul3A_265 = arith.muli %mul3A_264, %add3A_131 : i32
          %rem3A_266 = arith.constant 2 : i32
          %rem3A_267 = arith.remui %scan3A_123, %rem3A_266 : i32
          %dma_wait3A_268 = arith.constant 0 : i32
          %dma_wait3A_269 = arith.constant 0 : i32
          %dma_wait3A_270 = tpu.memref_slice %run_scoped3A[%rem3A_267, %dma_wait3A_268, %dma_wait3A_269] : memref<2x1x128xi32, #tpu.memory_space<vmem>> -> memref<1x1x128xi32, #tpu.memory_space<vmem>>
          %dma_wait3A_271 = tpu.memref_squeeze %dma_wait3A_270 : memref<1x1x128xi32, #tpu.memory_space<vmem>> -> memref<1x128xi32, #tpu.memory_space<vmem>>
          %dma_wait3A_272 = arith.constant 0 : i32
          %dma_wait3A_273 = tpu.memref_slice %arg3[%dma_wait3A_272, %mul3A_265] : memref<1x8192xi32, #tpu.memory_space<hbm>> -> memref<1x128xi32, #tpu.memory_space<hbm>>
          %dma_wait3A_274 = tpu.memref_slice %run_scoped3A_7[%rem3A_267] : memref<2x!tpu.dma_semaphore, #tpu.memory_space<semaphore_mem>> -> memref<1x!tpu.dma_semaphore, #tpu.memory_space<semaphore_mem>>
          %dma_wait3A_275 = tpu.memref_squeeze %dma_wait3A_274 : memref<1x!tpu.dma_semaphore, #tpu.memory_space<semaphore_mem>> -> memref<!tpu.dma_semaphore, #tpu.memory_space<semaphore_mem>>
          %dma_wait3A_276 = arith.constant 0 : i32
          %dma_wait3A_277 = arith.constant 0 : i32
          %dma_wait3A_278 = tpu.memref_slice %run_scoped3A[%rem3A_267, %dma_wait3A_276, %dma_wait3A_277] : memref<2x1x128xi32, #tpu.memory_space<vmem>> -> memref<1x1x128xi32, #tpu.memory_space<vmem>>
          %dma_wait3A_279 = tpu.memref_squeeze %dma_wait3A_278 : memref<1x1x128xi32, #tpu.memory_space<vmem>> -> memref<1x128xi32, #tpu.memory_space<vmem>>
          %dma_wait3A_280 = arith.constant 0 : i32
          %dma_wait3A_281 = tpu.memref_slice %arg3[%dma_wait3A_280, %mul3A_265] : memref<1x8192xi32, #tpu.memory_space<hbm>> -> memref<1x128xi32, #tpu.memory_space<hbm>>
          tpu.wait_dma2 semaphore(%dma_wait3A_275 : memref<!tpu.dma_semaphore, #tpu.memory_space<semaphore_mem>>) src(%dma_wait3A_281 : memref<1x128xi32, #tpu.memory_space<hbm>>) dst(%dma_wait3A_279 : memref<1x128xi32, #tpu.memory_space<vmem>>)
          "tpu.trace_stop"() : () -> ()
        } else {
        }
        %ne3A_185 = arith.cmpi ne, %add3A_131, %add3A_140 : i32
        %or3A_186 = arith.constant false
        %or3A_187 = arith.ori %or3A_186, %ne3A_185 : i1
        %or3A_188 = arith.constant false
        %or3A_189 = arith.ori %or3A_187, %or3A_188 : i1
        %or3A_190 = arith.ori %or3A_189, %eq3A_128 : i1
        %convert_element_type3A_191 = arith.extui %or3A_190 : i1 to i32
        %cond3A_192 = arith.constant 0 : i32
        %cond3A_193 = arith.cmpi ne, %convert_element_type3A_191, %cond3A_192 : i32
        scf.if %cond3A_193 {
        } else {
        }
        %rem3A_194 = arith.constant 2 : i32
        %rem3A_195 = arith.remui %scan3A_123, %rem3A_194 : i32
        %rem3A_196 = arith.constant 2 : i32
        %rem3A_197 = arith.remui %scan3A_124, %rem3A_196 : i32
        %run_scoped3A_198 = arith.constant 0 : i32
        "tpu.trace_start"() <{level = 10 : i32, message = "ep_run_kernel"}> : () -> ()
        "tpu.region"() ({
          %run_scoped3A_264 = tpu.sem_alloc : memref<!tpu.dma_semaphore, #tpu.memory_space<semaphore_mem>>
          %dma_start3A_265 = arith.constant 0 : i32
          %dma_start3A_266 = arith.constant 0 : i32
          %dma_start3A_267 = tpu.memref_slice %run_scoped3A_8[%rem3A_197, %dma_start3A_265, %dma_start3A_266] : memref<2x128x384xf32, #tpu.memory_space<vmem>> -> memref<1x128x384xf32, #tpu.memory_space<vmem>>
          %dma_start3A_268 = tpu.memref_squeeze %dma_start3A_267 : memref<1x128x384xf32, #tpu.memory_space<vmem>> -> memref<128x384xf32, #tpu.memory_space<vmem>>
          %dma_start3A_269 = arith.constant 0 : i32
          %dma_start3A_270 = arith.constant 0 : i32
          %dma_start3A_271 = tpu.memref_slice %run_scoped3A[%rem3A_195, %dma_start3A_269, %dma_start3A_270] : memref<2x1x128xi32, #tpu.memory_space<vmem>> -> memref<1x1x128xi32, #tpu.memory_space<vmem>>
          %dma_start3A_272 = tpu.memref_squeeze %dma_start3A_271 : memref<1x1x128xi32, #tpu.memory_space<vmem>> -> memref<1x128xi32, #tpu.memory_space<vmem>>
          %dma_start3A_273 = arith.constant 0 : i32
          %dma_start3A_274 = tpu.memref_slice %dma_start3A_272[%run_scoped3A_198, %dma_start3A_273] : memref<1x128xi32, #tpu.memory_space<vmem>> -> memref<1x128xi32, #tpu.memory_space<vmem>>
          %dma_start3A_275 = tpu.memref_squeeze %dma_start3A_274 : memref<1x128xi32, #tpu.memory_space<vmem>> -> memref<128xi32, #tpu.memory_space<vmem>>
          %dma_start3A_276 = arith.constant 0 : i32
          %dma_start3A_277 = arith.constant 0 : i32
          %dma_start3A_278 = tpu.memref_slice %arg2[%dma_start3A_276, %dma_start3A_277] : memref<16384x384xf32, #tpu.memory_space<hbm>> -> memref<16384x384xf32, #tpu.memory_space<hbm>>
          tpu.enqueue_indirect_dma source(%dma_start3A_278 : memref<16384x384xf32, #tpu.memory_space<hbm>>) target(%dma_start3A_268 : memref<128x384xf32, #tpu.memory_space<vmem>>) offsets(%dma_start3A_275 : memref<128xi32, #tpu.memory_space<vmem>>) semaphore(%run_scoped3A_264 : memref<!tpu.dma_semaphore, #tpu.memory_space<semaphore_mem>>)
          %dma_wait3A_279 = arith.constant 0 : i32
          %dma_wait3A_280 = arith.constant 0 : i32
          %dma_wait3A_281 = tpu.memref_slice %run_scoped3A_8[%rem3A_197, %dma_wait3A_279, %dma_wait3A_280] : memref<2x128x384xf32, #tpu.memory_space<vmem>> -> memref<1x128x384xf32, #tpu.memory_space<vmem>>
          %dma_wait3A_282 = tpu.memref_squeeze %dma_wait3A_281 : memref<1x128x384xf32, #tpu.memory_space<vmem>> -> memref<128x384xf32, #tpu.memory_space<vmem>>
          %dma_wait3A_283 = arith.constant 0 : i32
          %dma_wait3A_284 = arith.constant 0 : i32
          %dma_wait3A_285 = tpu.memref_slice %run_scoped3A[%rem3A_195, %dma_wait3A_283, %dma_wait3A_284] : memref<2x1x128xi32, #tpu.memory_space<vmem>> -> memref<1x1x128xi32, #tpu.memory_space<vmem>>
          %dma_wait3A_286 = tpu.memref_squeeze %dma_wait3A_285 : memref<1x1x128xi32, #tpu.memory_space<vmem>> -> memref<1x128xi32, #tpu.memory_space<vmem>>
          %dma_wait3A_287 = arith.constant 0 : i32
          %dma_wait3A_288 = tpu.memref_slice %dma_wait3A_286[%run_scoped3A_198, %dma_wait3A_287] : memref<1x128xi32, #tpu.memory_space<vmem>> -> memref<1x128xi32, #tpu.memory_space<vmem>>
          %dma_wait3A_289 = tpu.memref_squeeze %dma_wait3A_288 : memref<1x128xi32, #tpu.memory_space<vmem>> -> memref<128xi32, #tpu.memory_space<vmem>>
          %dma_wait3A_290 = arith.constant 0 : i32
          %dma_wait3A_291 = arith.constant 0 : i32
          %dma_wait3A_292 = tpu.memref_slice %arg2[%dma_wait3A_290, %dma_wait3A_291] : memref<16384x384xf32, #tpu.memory_space<hbm>> -> memref<16384x384xf32, #tpu.memory_space<hbm>>
          tpu.wait_indirect_dma semaphore(%run_scoped3A_264 : memref<!tpu.dma_semaphore, #tpu.memory_space<semaphore_mem>>) src(%dma_wait3A_292 : memref<16384x384xf32, #tpu.memory_space<hbm>>) dst(%dma_wait3A_282 : memref<128x384xf32, #tpu.memory_space<vmem>>)
          tpu.yield
        }) : () -> ()
        "tpu.trace_stop"() : () -> ()
        %ne3A_199 = arith.cmpi ne, %add3A_131, %add3A_149 : i32
        %or3A_200 = arith.constant false
        %or3A_201 = arith.ori %or3A_200, %ne3A_199 : i1
        %or3A_202 = arith.ori %or3A_201, %eq3A_130 : i1
        %convert_element_type3A_203 = arith.extui %or3A_202 : i1 to i32
        %cond3A_204 = arith.constant 0 : i32
        %cond3A_205 = arith.cmpi ne, %convert_element_type3A_203, %cond3A_204 : i32
        scf.if %cond3A_205 {
        } else {
        }
        %and3A_206 = arith.constant false
        %and3A_207 = arith.andi %or3A_202, %and3A_206 : i1
        %ne3A_208 = arith.cmpi ne, %add3A_131, %add3A_149 : i32
        %or3A_209 = arith.constant false
        %or3A_210 = arith.ori %or3A_209, %ne3A_208 : i1
        %or3A_211 = arith.constant false
        %or3A_212 = arith.ori %or3A_210, %or3A_211 : i1
        %or3A_213 = arith.ori %or3A_212, %eq3A_130 : i1
        %convert_element_type3A_214 = arith.extui %or3A_213 : i1 to i32
        %cond3A_215 = arith.constant 0 : i32
        %cond3A_216 = arith.cmpi ne, %convert_element_type3A_214, %cond3A_215 : i32
        scf.if %cond3A_216 {
          "tpu.trace_start"() <{level = 10 : i32, message = "ep_copy_out"}> : () -> ()
          %rem3A_264 = arith.constant 2 : i32
          %rem3A_265 = arith.remui %scan3A_124, %rem3A_264 : i32
          %mul3A_266 = arith.constant 128 : i32
          %mul3A_267 = arith.muli %mul3A_266, %add3A_131 : i32
          %dma_start3A_268 = arith.constant 0 : i32
          %dma_start3A_269 = arith.constant 0 : i32
          %dma_start3A_270 = tpu.memref_slice %run_scoped3A_8[%rem3A_265, %dma_start3A_268, %dma_start3A_269] : memref<2x128x384xf32, #tpu.memory_space<vmem>> -> memref<1x128x384xf32, #tpu.memory_space<vmem>>
          %dma_start3A_271 = tpu.memref_squeeze %dma_start3A_270 : memref<1x128x384xf32, #tpu.memory_space<vmem>> -> memref<128x384xf32, #tpu.memory_space<vmem>>
          %dma_start3A_272 = arith.constant 0 : i32
          %dma_start3A_273 = tpu.memref_slice %arg4[%mul3A_267, %dma_start3A_272] : memref<8192x384xf32, #tpu.memory_space<hbm>> -> memref<128x384xf32, #tpu.memory_space<hbm>>
          %dma_start3A_274 = tpu.memref_slice %run_scoped3A_9[%rem3A_265] : memref<2x!tpu.dma_semaphore, #tpu.memory_space<semaphore_mem>> -> memref<1x!tpu.dma_semaphore, #tpu.memory_space<semaphore_mem>>
          %dma_start3A_275 = tpu.memref_squeeze %dma_start3A_274 : memref<1x!tpu.dma_semaphore, #tpu.memory_space<semaphore_mem>> -> memref<!tpu.dma_semaphore, #tpu.memory_space<semaphore_mem>>
          %dma_start3A_276 = arith.constant 0 : i32
          %dma_start3A_277 = tpu.memref_slice %arg4[%mul3A_267, %dma_start3A_276] : memref<8192x384xf32, #tpu.memory_space<hbm>> -> memref<128x384xf32, #tpu.memory_space<hbm>>
          %dma_start3A_278 = arith.constant 0 : i32
          %dma_start3A_279 = arith.constant 0 : i32
          %dma_start3A_280 = tpu.memref_slice %run_scoped3A_8[%rem3A_265, %dma_start3A_278, %dma_start3A_279] : memref<2x128x384xf32, #tpu.memory_space<vmem>> -> memref<1x128x384xf32, #tpu.memory_space<vmem>>
          %dma_start3A_281 = tpu.memref_squeeze %dma_start3A_280 : memref<1x128x384xf32, #tpu.memory_space<vmem>> -> memref<128x384xf32, #tpu.memory_space<vmem>>
          tpu.enqueue_dma source(%dma_start3A_281 : memref<128x384xf32, #tpu.memory_space<vmem>>) target(%dma_start3A_277 : memref<128x384xf32, #tpu.memory_space<hbm>>) target_semaphore(%dma_start3A_275 : memref<!tpu.dma_semaphore, #tpu.memory_space<semaphore_mem>>)
          "tpu.trace_stop"() : () -> ()
        } else {
        }
        %and3A_217 = arith.constant true
        %and3A_218 = arith.andi %or3A_213, %and3A_217 : i1
        %add3A_219 = arith.constant 1 : i32
        %add3A_220 = arith.addi %scan3A_124, %add3A_219 : i32
        %select_n3A_221 = arith.select %and3A_218, %add3A_220, %scan3A_124 : i32
        %ne3A_222 = arith.cmpi ne, %add3A_131, %add3A_140 : i32
        %or3A_223 = arith.constant false
        %or3A_224 = arith.ori %or3A_223, %ne3A_222 : i1
        %not3A_225 = arith.constant true
        %not3A_226 = arith.xori %eq3A_128, %not3A_225 : i1
        %and3A_227 = arith.andi %or3A_224, %not3A_226 : i1
        %convert_element_type3A_228 = arith.extui %and3A_227 : i1 to i32
        %cond3A_229 = arith.constant 0 : i32
        %cond3A_230 = arith.cmpi ne, %convert_element_type3A_228, %cond3A_229 : i32
        scf.if %cond3A_230 {
        } else {
        }
        %and3A_231 = arith.constant false
        %and3A_232 = arith.andi %and3A_227, %and3A_231 : i1
        %ne3A_233 = arith.cmpi ne, %add3A_131, %add3A_140 : i32
        %or3A_234 = arith.constant false
        %or3A_235 = arith.ori %or3A_234, %ne3A_233 : i1
        %or3A_236 = arith.constant false
        %or3A_237 = arith.ori %or3A_235, %or3A_236 : i1
        %not3A_238 = arith.constant true
        %not3A_239 = arith.xori %eq3A_128, %not3A_238 : i1
        %and3A_240 = arith.andi %or3A_237, %not3A_239 : i1
        %convert_element_type3A_241 = arith.extui %and3A_240 : i1 to i32
        %cond3A_242 = arith.constant 0 : i32
        %cond3A_243 = arith.cmpi ne, %convert_element_type3A_241, %cond3A_242 : i32
        scf.if %cond3A_243 {
          "tpu.trace_start"() <{level = 10 : i32, message = "ep_wait_out"}> : () -> ()
          %rem3A_264 = arith.constant 2 : i32
          %rem3A_265 = arith.remui %scan3A_125, %rem3A_264 : i32
          %mul3A_266 = arith.constant 128 : i32
          %mul3A_267 = arith.muli %mul3A_266, %add3A_140 : i32
          %dma_wait3A_268 = arith.constant 0 : i32
          %dma_wait3A_269 = arith.constant 0 : i32
          %dma_wait3A_270 = tpu.memref_slice %run_scoped3A_8[%rem3A_265, %dma_wait3A_268, %dma_wait3A_269] : memref<2x128x384xf32, #tpu.memory_space<vmem>> -> memref<1x128x384xf32, #tpu.memory_space<vmem>>
          %dma_wait3A_271 = tpu.memref_squeeze %dma_wait3A_270 : memref<1x128x384xf32, #tpu.memory_space<vmem>> -> memref<128x384xf32, #tpu.memory_space<vmem>>
          %dma_wait3A_272 = arith.constant 0 : i32
          %dma_wait3A_273 = tpu.memref_slice %arg4[%mul3A_267, %dma_wait3A_272] : memref<8192x384xf32, #tpu.memory_space<hbm>> -> memref<128x384xf32, #tpu.memory_space<hbm>>
          %dma_wait3A_274 = tpu.memref_slice %run_scoped3A_9[%rem3A_265] : memref<2x!tpu.dma_semaphore, #tpu.memory_space<semaphore_mem>> -> memref<1x!tpu.dma_semaphore, #tpu.memory_space<semaphore_mem>>
          %dma_wait3A_275 = tpu.memref_squeeze %dma_wait3A_274 : memref<1x!tpu.dma_semaphore, #tpu.memory_space<semaphore_mem>> -> memref<!tpu.dma_semaphore, #tpu.memory_space<semaphore_mem>>
          %dma_wait3A_276 = arith.constant 0 : i32
          %dma_wait3A_277 = tpu.memref_slice %arg4[%mul3A_267, %dma_wait3A_276] : memref<8192x384xf32, #tpu.memory_space<hbm>> -> memref<128x384xf32, #tpu.memory_space<hbm>>
          %dma_wait3A_278 = arith.constant 0 : i32
          %dma_wait3A_279 = arith.constant 0 : i32
          %dma_wait3A_280 = tpu.memref_slice %run_scoped3A_8[%rem3A_265, %dma_wait3A_278, %dma_wait3A_279] : memref<2x128x384xf32, #tpu.memory_space<vmem>> -> memref<1x128x384xf32, #tpu.memory_space<vmem>>
          %dma_wait3A_281 = tpu.memref_squeeze %dma_wait3A_280 : memref<1x128x384xf32, #tpu.memory_space<vmem>> -> memref<128x384xf32, #tpu.memory_space<vmem>>
          tpu.wait_dma2 semaphore(%dma_wait3A_275 : memref<!tpu.dma_semaphore, #tpu.memory_space<semaphore_mem>>) src(%dma_wait3A_281 : memref<128x384xf32, #tpu.memory_space<vmem>>) dst(%dma_wait3A_277 : memref<128x384xf32, #tpu.memory_space<hbm>>)
          "tpu.trace_stop"() : () -> ()
        } else {
        }
        %and3A_244 = arith.constant true
        %and3A_245 = arith.andi %and3A_240, %and3A_244 : i1
        %add3A_246 = arith.constant 1 : i32
        %add3A_247 = arith.addi %scan3A_125, %add3A_246 : i32
        %select_n3A_248 = arith.select %and3A_245, %add3A_247, %scan3A_125 : i32
        %ne3A_249 = arith.cmpi ne, %add3A_131, %add3A_149 : i32
        %or3A_250 = arith.constant false
        %or3A_251 = arith.ori %or3A_250, %ne3A_249 : i1
        %or3A_252 = arith.ori %or3A_251, %eq3A_130 : i1
        %add3A_253 = arith.constant 1 : i32
        %add3A_254 = arith.addi %scan3A_123, %add3A_253 : i32
        %select_n3A_255 = arith.select %or3A_252, %add3A_254, %scan3A_123 : i32
        %add3A_256 = arith.constant 1 : i32
        %add3A_257 = arith.addi %scan3A_126, %add3A_256 : i32
        %select_n3A_258 = arith.constant true
        %select_n3A_259 = arith.select %select_n3A_258, %add3A_257, %scan3A_126 : i32
        %eq3A_260 = arith.constant 2 : i32
        %eq3A_261 = arith.cmpi eq, %select_n3A_259, %eq3A_260 : i32
        %select_n3A_262 = arith.constant 0 : i32
        %select_n3A_263 = arith.select %eq3A_261, %select_n3A_262, %select_n3A_259 : i32
        scf.yield %select_n3A_167, %select_n3A_255, %select_n3A_221, %select_n3A_248, %select_n3A_263 : i32, i32, i32, i32, i32
      }
      %scan3A_68 = arith.constant 2 : i32
      %sub3A = arith.constant 1 : i32
      %sub3A_69 = arith.subi %scan3A_67#4, %sub3A : i32
      %select_n3A_70 = arith.constant true
      %select_n3A_71 = arith.select %select_n3A_70, %sub3A_69, %scan3A_67#4 : i32
      %eq3A_72 = arith.constant -1 : i32
      %eq3A_73 = arith.cmpi eq, %select_n3A_71, %eq3A_72 : i32
      %select_n3A_74 = arith.constant 1 : i32
      %select_n3A_75 = arith.select %eq3A_73, %select_n3A_74, %select_n3A_71 : i32
      %add3A_76 = arith.addi %select_n3A_75, %mul3A_6 : i32
      %sub3A_77 = arith.constant 1 : i32
      %sub3A_78 = arith.subi %select_n3A_75, %sub3A_77 : i32
      %select_n3A_79 = arith.constant true
      %select_n3A_80 = arith.select %select_n3A_79, %sub3A_78, %select_n3A_75 : i32
      %eq3A_81 = arith.constant -1 : i32
      %eq3A_82 = arith.cmpi eq, %select_n3A_80, %eq3A_81 : i32
      %select_n3A_83 = arith.constant 1 : i32
      %select_n3A_84 = arith.select %eq3A_82, %select_n3A_83, %select_n3A_80 : i32
      %add3A_85 = arith.addi %select_n3A_84, %mul3A_6 : i32
      %add3A_86 = arith.constant 1 : i32
      %add3A_87 = arith.addi %select_n3A_75, %add3A_86 : i32
      %select_n3A_88 = arith.constant true
      %select_n3A_89 = arith.select %select_n3A_88, %add3A_87, %select_n3A_75 : i32
      %eq3A_90 = arith.constant 2 : i32
      %eq3A_91 = arith.cmpi eq, %select_n3A_89, %eq3A_90 : i32
      %select_n3A_92 = arith.constant 0 : i32
      %select_n3A_93 = arith.select %eq3A_91, %select_n3A_92, %select_n3A_89 : i32
      %add3A_94 = arith.addi %select_n3A_93, %mul3A_6 : i32
      %add3A_95 = arith.constant 1 : i32
      %add3A_96 = arith.addi %select_n3A_93, %add3A_95 : i32
      %select_n3A_97 = arith.constant true
      %select_n3A_98 = arith.select %select_n3A_97, %add3A_96, %select_n3A_93 : i32
      %eq3A_99 = arith.constant 2 : i32
      %eq3A_100 = arith.cmpi eq, %select_n3A_98, %eq3A_99 : i32
      %select_n3A_101 = arith.constant 0 : i32
      %select_n3A_102 = arith.select %eq3A_100, %select_n3A_101, %select_n3A_98 : i32
      %add3A_103 = arith.addi %select_n3A_102, %mul3A_6 : i32
      "tpu.trace_start"() <{level = 10 : i32, message = "ep_finalize"}> : () -> ()
      %rem3A_104 = arith.constant 2 : i32
      %rem3A_105 = arith.remui %scan3A_67#3, %rem3A_104 : i32
      %mul3A_106 = arith.constant 128 : i32
      %mul3A_107 = arith.muli %mul3A_106, %add3A_76 : i32
      %dma_wait3A = arith.constant 0 : i32
      %dma_wait3A_108 = arith.constant 0 : i32
      %dma_wait3A_109 = tpu.memref_slice %run_scoped3A_8[%rem3A_105, %dma_wait3A, %dma_wait3A_108] : memref<2x128x384xf32, #tpu.memory_space<vmem>> -> memref<1x128x384xf32, #tpu.memory_space<vmem>>
      %dma_wait3A_110 = tpu.memref_squeeze %dma_wait3A_109 : memref<1x128x384xf32, #tpu.memory_space<vmem>> -> memref<128x384xf32, #tpu.memory_space<vmem>>
      %dma_wait3A_111 = arith.constant 0 : i32
      %dma_wait3A_112 = tpu.memref_slice %arg4[%mul3A_107, %dma_wait3A_111] : memref<8192x384xf32, #tpu.memory_space<hbm>> -> memref<128x384xf32, #tpu.memory_space<hbm>>
      %dma_wait3A_113 = tpu.memref_slice %run_scoped3A_9[%rem3A_105] : memref<2x!tpu.dma_semaphore, #tpu.memory_space<semaphore_mem>> -> memref<1x!tpu.dma_semaphore, #tpu.memory_space<semaphore_mem>>
      %dma_wait3A_114 = tpu.memref_squeeze %dma_wait3A_113 : memref<1x!tpu.dma_semaphore, #tpu.memory_space<semaphore_mem>> -> memref<!tpu.dma_semaphore, #tpu.memory_space<semaphore_mem>>
      %dma_wait3A_115 = arith.constant 0 : i32
      %dma_wait3A_116 = tpu.memref_slice %arg4[%mul3A_107, %dma_wait3A_115] : memref<8192x384xf32, #tpu.memory_space<hbm>> -> memref<128x384xf32, #tpu.memory_space<hbm>>
      %dma_wait3A_117 = arith.constant 0 : i32
      %dma_wait3A_118 = arith.constant 0 : i32
      %dma_wait3A_119 = tpu.memref_slice %run_scoped3A_8[%rem3A_105, %dma_wait3A_117, %dma_wait3A_118] : memref<2x128x384xf32, #tpu.memory_space<vmem>> -> memref<1x128x384xf32, #tpu.memory_space<vmem>>
      %dma_wait3A_120 = tpu.memref_squeeze %dma_wait3A_119 : memref<1x128x384xf32, #tpu.memory_space<vmem>> -> memref<128x384xf32, #tpu.memory_space<vmem>>
      tpu.wait_dma2 semaphore(%dma_wait3A_114 : memref<!tpu.dma_semaphore, #tpu.memory_space<semaphore_mem>>) src(%dma_wait3A_120 : memref<128x384xf32, #tpu.memory_space<vmem>>) dst(%dma_wait3A_116 : memref<128x384xf32, #tpu.memory_space<hbm>>)
      "tpu.trace_stop"() : () -> ()
      tpu.yield
    }) : () -> ()
    return
  }
}

#map = affine_map<(d0, d1) -> (0, 0)>
module attributes {stable_mosaic.version = 14 : i64} {
  func.func @k(%arg0: i32, %arg1: i32, %arg2: memref<16384x384xf32, #tpu.memory_space<hbm>>, %arg3: memref<1x8192xi32, #tpu.memory_space<hbm>>, %arg4: memref<8192x384xf32, #tpu.memory_space<hbm>>) attributes {dimension_semantics = [#tpu.dimension_semantics<core_parallel>, #tpu.dimension_semantics<subcore_parallel>], iteration_bounds = array<i64: 2, 16>, scalar_prefetch = 0 : i64, scratch_operands = 0 : i64, tpu.core_type = #tpu.core_type<sc_vector_subcore>, window_params = [{transform_indices = #map}, {transform_indices = #map}, {transform_indices = #map}]} {
    %mul3A = arith.constant 1 : i32
    %mul3A_0 = arith.muli %arg1, %mul3A : i32
    %add3A = arith.constant 0 : i32
    %add3A_1 = arith.addi %add3A, %mul3A_0 : i32
    %mul3A_2 = arith.constant 16 : i32
    %mul3A_3 = arith.muli %arg0, %mul3A_2 : i32
    %add3A_4 = arith.addi %add3A_1, %mul3A_3 : i32
    %mul3A_5 = arith.constant 2 : i32
    %mul3A_6 = arith.muli %add3A_4, %mul3A_5 : i32
    "tpu.region"() ({
      %run_scoped3A = memref.alloca() : memref<2x1x128xi32, #tpu.memory_space<vmem>>
      %run_scoped3A_7 = tpu.sem_alloc : memref<2x!tpu.dma_semaphore, #tpu.memory_space<semaphore_mem>>
      %run_scoped3A_8 = memref.alloca() : memref<2x128x384xf32, #tpu.memory_space<vmem>>
      %run_scoped3A_9 = tpu.sem_alloc : memref<2x!tpu.dma_semaphore, #tpu.memory_space<semaphore_mem>>
      %add3A_10 = arith.constant 0 : i32
      %add3A_11 = arith.addi %add3A_10, %mul3A_6 : i32
      %select_n3A = arith.constant true
      %select_n3A_12 = arith.constant 0 : i32
      %select_n3A_13 = arith.constant -1 : i32
      %select_n3A_14 = arith.select %select_n3A, %select_n3A_13, %select_n3A_12 : i32
      %eq3A = arith.constant -1 : i32
      %eq3A_15 = arith.cmpi eq, %select_n3A_14, %eq3A : i32
      %select_n3A_16 = arith.constant 1 : i32
      %select_n3A_17 = arith.select %eq3A_15, %select_n3A_16, %select_n3A_14 : i32
      %add3A_18 = arith.addi %select_n3A_17, %mul3A_6 : i32
      %select_n3A_19 = arith.constant true
      %select_n3A_20 = arith.constant 0 : i32
      %select_n3A_21 = arith.constant 1 : i32
      %select_n3A_22 = arith.select %select_n3A_19, %select_n3A_21, %select_n3A_20 : i32
      %eq3A_23 = arith.constant 2 : i32
      %eq3A_24 = arith.cmpi eq, %select_n3A_22, %eq3A_23 : i32
      %select_n3A_25 = arith.constant 0 : i32
      %select_n3A_26 = arith.select %eq3A_24, %select_n3A_25, %select_n3A_22 : i32
      %add3A_27 = arith.addi %select_n3A_26, %mul3A_6 : i32
      %add3A_28 = arith.constant 1 : i32
      %add3A_29 = arith.addi %select_n3A_26, %add3A_28 : i32
      %select_n3A_30 = arith.constant true
      %select_n3A_31 = arith.select %select_n3A_30, %add3A_29, %select_n3A_26 : i32
      %eq3A_32 = arith.constant 2 : i32
      %eq3A_33 = arith.cmpi eq, %select_n3A_31, %eq3A_32 : i32
      %select_n3A_34 = arith.constant 0 : i32
      %select_n3A_35 = arith.select %eq3A_33, %select_n3A_34, %select_n3A_31 : i32
      %add3A_36 = arith.addi %select_n3A_35, %mul3A_6 : i32
      "tpu.trace_start"() <{level = 10 : i32, message = "ep_initialize_0"}> : () -> ()
      %rem3A = arith.constant 0 : i32
      %rem3A_37 = arith.constant 2 : i32
      %rem3A_38 = arith.remui %rem3A, %rem3A_37 : i32
      %mul3A_39 = arith.constant 128 : i32
      %mul3A_40 = arith.muli %mul3A_39, %add3A_11 : i32
      %dma_start3A = arith.constant 0 : i32
      %dma_start3A_41 = arith.constant 0 : i32
      %dma_start3A_42 = tpu.memref_slice %run_scoped3A[%rem3A_38, %dma_start3A, %dma_start3A_41] : memref<2x1x128xi32, #tpu.memory_space<vmem>> -> memref<1x1x128xi32, #tpu.memory_space<vmem>>
      %dma_start3A_43 = tpu.memref_squeeze %dma_start3A_42 : memref<1x1x128xi32, #tpu.memory_space<vmem>> -> memref<1x128xi32, #tpu.memory_space<vmem>>
      %dma_start3A_44 = arith.constant 0 : i32
      %dma_start3A_45 = tpu.memref_slice %arg3[%dma_start3A_44, %mul3A_40] : memref<1x8192xi32, #tpu.memory_space<hbm>> -> memref<1x128xi32, #tpu.memory_space<hbm>>
      %dma_start3A_46 = tpu.memref_slice %run_scoped3A_7[%rem3A_38] : memref<2x!tpu.dma_semaphore, #tpu.memory_space<semaphore_mem>> -> memref<1x!tpu.dma_semaphore, #tpu.memory_space<semaphore_mem>>
      %dma_start3A_47 = tpu.memref_squeeze %dma_start3A_46 : memref<1x!tpu.dma_semaphore, #tpu.memory_space<semaphore_mem>> -> memref<!tpu.dma_semaphore, #tpu.memory_space<semaphore_mem>>
      %dma_start3A_48 = arith.constant 0 : i32
      %dma_start3A_49 = arith.constant 0 : i32
      %dma_start3A_50 = tpu.memref_slice %run_scoped3A[%rem3A_38, %dma_start3A_48, %dma_start3A_49] : memref<2x1x128xi32, #tpu.memory_space<vmem>> -> memref<1x1x128xi32, #tpu.memory_space<vmem>>
      %dma_start3A_51 = tpu.memref_squeeze %dma_start3A_50 : memref<1x1x128xi32, #tpu.memory_space<vmem>> -> memref<1x128xi32, #tpu.memory_space<vmem>>
      %dma_start3A_52 = arith.constant 0 : i32
      %dma_start3A_53 = tpu.memref_slice %arg3[%dma_start3A_52, %mul3A_40] : memref<1x8192xi32, #tpu.memory_space<hbm>> -> memref<1x128xi32, #tpu.memory_space<hbm>>
      tpu.enqueue_dma source(%dma_start3A_53 : memref<1x128xi32, #tpu.memory_space<hbm>>) target(%dma_start3A_51 : memref<1x128xi32, #tpu.memory_space<vmem>>) target_semaphore(%dma_start3A_47 : memref<!tpu.dma_semaphore, #tpu.memory_space<semaphore_mem>>)
      %add3A_54 = arith.constant 0 : i32
      %add3A_55 = arith.constant 1 : i32
      %add3A_56 = arith.addi %add3A_54, %add3A_55 : i32
      %select_n3A_57 = arith.constant true
      %select_n3A_58 = arith.constant 0 : i32
      %select_n3A_59 = arith.select %select_n3A_57, %add3A_56, %select_n3A_58 : i32
      "tpu.trace_stop"() : () -> ()
      %scan3A = arith.constant 0 : i32
      %scan3A_60 = arith.constant 0 : i32
      %scan3A_61 = arith.constant 0 : i32
      %scan3A_62 = arith.constant 0 : i32
      %scan3A_63 = arith.constant 0 : i32
      %scan3A_64 = arith.constant 2 : i32
      %scan3A_65 = arith.addi %scan3A_63, %scan3A_64 : i32
      %scan3A_66 = arith.constant 1 : i32
      %scan3A_67:5 = scf.for %scan3A_121 = %scan3A_63 to %scan3A_65 step %scan3A_66 iter_args(%scan3A_122 = %select_n3A_59, %scan3A_123 = %scan3A, %scan3A_124 = %scan3A_60, %scan3A_125 = %scan3A_61, %scan3A_126 = %scan3A_62) -> (i32, i32, i32, i32, i32)  : i32 {
        %eq3A_127 = arith.constant 0 : i32
        %eq3A_128 = arith.cmpi eq, %scan3A_121, %eq3A_127 : i32
        %eq3A_129 = arith.constant 1 : i32
        %eq3A_130 = arith.cmpi eq, %scan3A_121, %eq3A_129 : i32
        %add3A_131 = arith.addi %scan3A_126, %mul3A_6 : i32
        %sub3A_132 = arith.constant 1 : i32
        %sub3A_133 = arith.subi %scan3A_126, %sub3A_132 : i32
        %select_n3A_134 = arith.constant true
        %select_n3A_135 = arith.select %select_n3A_134, %sub3A_133, %scan3A_126 : i32
        %eq3A_136 = arith.constant -1 : i32
        %eq3A_137 = arith.cmpi eq, %select_n3A_135, %eq3A_136 : i32
        %select_n3A_138 = arith.constant 1 : i32
        %select_n3A_139 = arith.select %eq3A_137, %select_n3A_138, %select_n3A_135 : i32
        %add3A_140 = arith.addi %select_n3A_139, %mul3A_6 : i32
        %add3A_141 = arith.constant 1 : i32
        %add3A_142 = arith.addi %scan3A_126, %add3A_141 : i32
        %select_n3A_143 = arith.constant true
        %select_n3A_144 = arith.select %select_n3A_143, %add3A_142, %scan3A_126 : i32
        %eq3A_145 = arith.constant 2 : i32
        %eq3A_146 = arith.cmpi eq, %select_n3A_144, %eq3A_145 : i32
        %select_n3A_147 = arith.constant 0 : i32
        %select_n3A_148 = arith.select %eq3A_146, %select_n3A_147, %select_n3A_144 : i32
        %add3A_149 = arith.addi %select_n3A_148, %mul3A_6 : i32
        %add3A_150 = arith.constant 1 : i32
        %add3A_151 = arith.addi %select_n3A_148, %add3A_150 : i32
        %select_n3A_152 = arith.constant true
        %select_n3A_153 = arith.select %select_n3A_152, %add3A_151, %select_n3A_148 : i32
        %eq3A_154 = arith.constant 2 : i32
        %eq3A_155 = arith.cmpi eq, %select_n3A_153, %eq3A_154 : i32
        %select_n3A_156 = arith.constant 0 : i32
        %select_n3A_157 = arith.select %eq3A_155, %select_n3A_156, %select_n3A_153 : i32
        %add3A_158 = arith.addi %select_n3A_157, %mul3A_6 : i32
        %ne3A = arith.cmpi ne, %add3A_131, %add3A_149 : i32
        %or3A = arith.constant false
        %or3A_159 = arith.ori %or3A, %ne3A : i1
        %ge3A = arith.constant 1 : i32
        %ge3A_160 = arith.cmpi sge, %scan3A_121, %ge3A : i32
        %not3A = arith.constant true
        %not3A_161 = arith.xori %ge3A_160, %not3A : i1
        %and3A = arith.andi %or3A_159, %not3A_161 : i1
        %convert_element_type3A = arith.extui %and3A : i1 to i32
        %cond3A = arith.constant 0 : i32
        %cond3A_162 = arith.cmpi ne, %convert_element_type3A, %cond3A : i32
        scf.if %cond3A_162 {
          "tpu.trace_start"() <{level = 10 : i32, message = "ep_copy_in"}> : () -> ()
          %rem3A_264 = arith.constant 2 : i32
          %rem3A_265 = arith.remui %scan3A_122, %rem3A_264 : i32
          %mul3A_266 = arith.constant 128 : i32
          %mul3A_267 = arith.muli %mul3A_266, %add3A_149 : i32
          %dma_start3A_268 = arith.constant 0 : i32
          %dma_start3A_269 = arith.constant 0 : i32
          %dma_start3A_270 = tpu.memref_slice %run_scoped3A[%rem3A_265, %dma_start3A_268, %dma_start3A_269] : memref<2x1x128xi32, #tpu.memory_space<vmem>> -> memref<1x1x128xi32, #tpu.memory_space<vmem>>
          %dma_start3A_271 = tpu.memref_squeeze %dma_start3A_270 : memref<1x1x128xi32, #tpu.memory_space<vmem>> -> memref<1x128xi32, #tpu.memory_space<vmem>>
          %dma_start3A_272 = arith.constant 0 : i32
          %dma_start3A_273 = tpu.memref_slice %arg3[%dma_start3A_272, %mul3A_267] : memref<1x8192xi32, #tpu.memory_space<hbm>> -> memref<1x128xi32, #tpu.memory_space<hbm>>
          %dma_start3A_274 = tpu.memref_slice %run_scoped3A_7[%rem3A_265] : memref<2x!tpu.dma_semaphore, #tpu.memory_space<semaphore_mem>> -> memref<1x!tpu.dma_semaphore, #tpu.memory_space<semaphore_mem>>
          %dma_start3A_275 = tpu.memref_squeeze %dma_start3A_274 : memref<1x!tpu.dma_semaphore, #tpu.memory_space<semaphore_mem>> -> memref<!tpu.dma_semaphore, #tpu.memory_space<semaphore_mem>>
          %dma_start3A_276 = arith.constant 0 : i32
          %dma_start3A_277 = arith.constant 0 : i32
          %dma_start3A_278 = tpu.memref_slice %run_scoped3A[%rem3A_265, %dma_start3A_276, %dma_start3A_277] : memref<2x1x128xi32, #tpu.memory_space<vmem>> -> memref<1x1x128xi32, #tpu.memory_space<vmem>>
          %dma_start3A_279 = tpu.memref_squeeze %dma_start3A_278 : memref<1x1x128xi32, #tpu.memory_space<vmem>> -> memref<1x128xi32, #tpu.memory_space<vmem>>
          %dma_start3A_280 = arith.constant 0 : i32
          %dma_start3A_281 = tpu.memref_slice %arg3[%dma_start3A_280, %mul3A_267] : memref<1x8192xi32, #tpu.memory_space<hbm>> -> memref<1x128xi32, #tpu.memory_space<hbm>>
          tpu.enqueue_dma source(%dma_start3A_281 : memref<1x128xi32, #tpu.memory_space<hbm>>) target(%dma_start3A_279 : memref<1x128xi32, #tpu.memory_space<vmem>>) target_semaphore(%dma_start3A_275 : memref<!tpu.dma_semaphore, #tpu.memory_space<semaphore_mem>>)
          "tpu.trace_stop"() : () -> ()
        } else {
        }
        %and3A_163 = arith.constant true
        %and3A_164 = arith.andi %and3A, %and3A_163 : i1
        %add3A_165 = arith.constant 1 : i32
        %add3A_166 = arith.addi %scan3A_122, %add3A_165 : i32
        %select_n3A_167 = arith.select %and3A_164, %add3A_166, %scan3A_122 : i32
        %ne3A_168 = arith.cmpi ne, %add3A_131, %add3A_149 : i32
        %or3A_169 = arith.constant false
        %or3A_170 = arith.ori %or3A_169, %ne3A_168 : i1
        %or3A_171 = arith.constant false
        %or3A_172 = arith.ori %or3A_170, %or3A_171 : i1
        %ge3A_173 = arith.constant 1 : i32
        %ge3A_174 = arith.cmpi sge, %scan3A_121, %ge3A_173 : i32
        %not3A_175 = arith.constant true
        %not3A_176 = arith.xori %ge3A_174, %not3A_175 : i1
        %and3A_177 = arith.andi %or3A_172, %not3A_176 : i1
        %ne3A_178 = arith.cmpi ne, %add3A_131, %add3A_140 : i32
        %or3A_179 = arith.constant false
        %or3A_180 = arith.ori %or3A_179, %ne3A_178 : i1
        %or3A_181 = arith.ori %or3A_180, %eq3A_128 : i1
        %convert_element_type3A_182 = arith.extui %or3A_181 : i1 to i32
        %cond3A_183 = arith.constant 0 : i32
        %cond3A_184 = arith.cmpi ne, %convert_element_type3A_182, %cond3A_183 : i32
        scf.if %cond3A_184 {
          "tpu.trace_start"() <{level = 10 : i32, message = "ep_wait_in"}> : () -> ()
          %mul3A_264 = arith.constant 128 : i32
          %mul3A_265 = arith.muli %mul3A_264, %add3A_131 : i32
          %rem3A_266 = arith.constant 2 : i32
          %rem3A_267 = arith.remui %scan3A_123, %rem3A_266 : i32
          %dma_wait3A_268 = arith.constant 0 : i32
          %dma_wait3A_269 = arith.constant 0 : i32
          %dma_wait3A_270 = tpu.memref_slice %run_scoped3A[%rem3A_267, %dma_wait3A_268, %dma_wait3A_269] : memref<2x1x128xi32, #tpu.memory_space<vmem>> -> memref<1x1x128xi32, #tpu.memory_space<vmem>>
          %dma_wait3A_271 = tpu.memref_squeeze %dma_wait3A_270 : memref<1x1x128xi32, #tpu.memory_space<vmem>> -> memref<1x128xi32, #tpu.memory_space<vmem>>
          %dma_wait3A_272 = arith.constant 0 : i32
          %dma_wait3A_273 = tpu.memref_slice %arg3[%dma_wait3A_272, %mul3A_265] : memref<1x8192xi32, #tpu.memory_space<hbm>> -> memref<1x128xi32, #tpu.memory_space<hbm>>
          %dma_wait3A_274 = tpu.memref_slice %run_scoped3A_7[%rem3A_267] : memref<2x!tpu.dma_semaphore, #tpu.memory_space<semaphore_mem>> -> memref<1x!tpu.dma_semaphore, #tpu.memory_space<semaphore_mem>>
          %dma_wait3A_275 = tpu.memref_squeeze %dma_wait3A_274 : memref<1x!tpu.dma_semaphore, #tpu.memory_space<semaphore_mem>> -> memref<!tpu.dma_semaphore, #tpu.memory_space<semaphore_mem>>
          %dma_wait3A_276 = arith.constant 0 : i32
          %dma_wait3A_277 = arith.constant 0 : i32
          %dma_wait3A_278 = tpu.memref_slice %run_scoped3A[%rem3A_267, %dma_wait3A_276, %dma_wait3A_277] : memref<2x1x128xi32, #tpu.memory_space<vmem>> -> memref<1x1x128xi32, #tpu.memory_space<vmem>>
          %dma_wait3A_279 = tpu.memref_squeeze %dma_wait3A_278 : memref<1x1x128xi32, #tpu.memory_space<vmem>> -> memref<1x128xi32, #tpu.memory_space<vmem>>
          %dma_wait3A_280 = arith.constant 0 : i32
          %dma_wait3A_281 = tpu.memref_slice %arg3[%dma_wait3A_280, %mul3A_265] : memref<1x8192xi32, #tpu.memory_space<hbm>> -> memref<1x128xi32, #tpu.memory_space<hbm>>
          tpu.wait_dma2 semaphore(%dma_wait3A_275 : memref<!tpu.dma_semaphore, #tpu.memory_space<semaphore_mem>>) src(%dma_wait3A_281 : memref<1x128xi32, #tpu.memory_space<hbm>>) dst(%dma_wait3A_279 : memref<1x128xi32, #tpu.memory_space<vmem>>)
          "tpu.trace_stop"() : () -> ()
        } else {
        }
        %ne3A_185 = arith.cmpi ne, %add3A_131, %add3A_140 : i32
        %or3A_186 = arith.constant false
        %or3A_187 = arith.ori %or3A_186, %ne3A_185 : i1
        %or3A_188 = arith.constant false
        %or3A_189 = arith.ori %or3A_187, %or3A_188 : i1
        %or3A_190 = arith.ori %or3A_189, %eq3A_128 : i1
        %convert_element_type3A_191 = arith.extui %or3A_190 : i1 to i32
        %cond3A_192 = arith.constant 0 : i32
        %cond3A_193 = arith.cmpi ne, %convert_element_type3A_191, %cond3A_192 : i32
        scf.if %cond3A_193 {
        } else {
        }
        %rem3A_194 = arith.constant 2 : i32
        %rem3A_195 = arith.remui %scan3A_123, %rem3A_194 : i32
        %rem3A_196 = arith.constant 2 : i32
        %rem3A_197 = arith.remui %scan3A_124, %rem3A_196 : i32
        %run_scoped3A_198 = arith.constant 0 : i32
        "tpu.trace_start"() <{level = 10 : i32, message = "ep_run_kernel"}> : () -> ()
        "tpu.region"() ({
          %run_scoped3A_264 = tpu.sem_alloc : memref<!tpu.dma_semaphore, #tpu.memory_space<semaphore_mem>>
          %dma_start3A_265 = arith.constant 0 : i32
          %dma_start3A_266 = arith.constant 0 : i32
          %dma_start3A_267 = tpu.memref_slice %run_scoped3A_8[%rem3A_197, %dma_start3A_265, %dma_start3A_266] : memref<2x128x384xf32, #tpu.memory_space<vmem>> -> memref<1x128x384xf32, #tpu.memory_space<vmem>>
          %dma_start3A_268 = tpu.memref_squeeze %dma_start3A_267 : memref<1x128x384xf32, #tpu.memory_space<vmem>> -> memref<128x384xf32, #tpu.memory_space<vmem>>
          %dma_start3A_269 = arith.constant 0 : i32
          %dma_start3A_270 = arith.constant 0 : i32
          %dma_start3A_271 = tpu.memref_slice %run_scoped3A[%rem3A_195, %dma_start3A_269, %dma_start3A_270] : memref<2x1x128xi32, #tpu.memory_space<vmem>> -> memref<1x1x128xi32, #tpu.memory_space<vmem>>
          %dma_start3A_272 = tpu.memref_squeeze %dma_start3A_271 : memref<1x1x128xi32, #tpu.memory_space<vmem>> -> memref<1x128xi32, #tpu.memory_space<vmem>>
          %dma_start3A_273 = arith.constant 0 : i32
          %dma_start3A_274 = tpu.memref_slice %dma_start3A_272[%run_scoped3A_198, %dma_start3A_273] : memref<1x128xi32, #tpu.memory_space<vmem>> -> memref<1x128xi32, #tpu.memory_space<vmem>>
          %dma_start3A_275 = tpu.memref_squeeze %dma_start3A_274 : memref<1x128xi32, #tpu.memory_space<vmem>> -> memref<128xi32, #tpu.memory_space<vmem>>
          %dma_start3A_276 = arith.constant 0 : i32
          %dma_start3A_277 = arith.constant 0 : i32
          %dma_start3A_278 = tpu.memref_slice %arg2[%dma_start3A_276, %dma_start3A_277] : memref<16384x384xf32, #tpu.memory_space<hbm>> -> memref<16384x384xf32, #tpu.memory_space<hbm>>
          tpu.enqueue_indirect_dma source(%dma_start3A_278 : memref<16384x384xf32, #tpu.memory_space<hbm>>) target(%dma_start3A_268 : memref<128x384xf32, #tpu.memory_space<vmem>>) offsets(%dma_start3A_275 : memref<128xi32, #tpu.memory_space<vmem>>) semaphore(%run_scoped3A_264 : memref<!tpu.dma_semaphore, #tpu.memory_space<semaphore_mem>>)
          %dma_wait3A_279 = arith.constant 0 : i32
          %dma_wait3A_280 = arith.constant 0 : i32
          %dma_wait3A_281 = tpu.memref_slice %run_scoped3A_8[%rem3A_197, %dma_wait3A_279, %dma_wait3A_280] : memref<2x128x384xf32, #tpu.memory_space<vmem>> -> memref<1x128x384xf32, #tpu.memory_space<vmem>>
          %dma_wait3A_282 = tpu.memref_squeeze %dma_wait3A_281 : memref<1x128x384xf32, #tpu.memory_space<vmem>> -> memref<128x384xf32, #tpu.memory_space<vmem>>
          %dma_wait3A_283 = arith.constant 0 : i32
          %dma_wait3A_284 = arith.constant 0 : i32
          %dma_wait3A_285 = tpu.memref_slice %run_scoped3A[%rem3A_195, %dma_wait3A_283, %dma_wait3A_284] : memref<2x1x128xi32, #tpu.memory_space<vmem>> -> memref<1x1x128xi32, #tpu.memory_space<vmem>>
          %dma_wait3A_286 = tpu.memref_squeeze %dma_wait3A_285 : memref<1x1x128xi32, #tpu.memory_space<vmem>> -> memref<1x128xi32, #tpu.memory_space<vmem>>
          %dma_wait3A_287 = arith.constant 0 : i32
          %dma_wait3A_288 = tpu.memref_slice %dma_wait3A_286[%run_scoped3A_198, %dma_wait3A_287] : memref<1x128xi32, #tpu.memory_space<vmem>> -> memref<1x128xi32, #tpu.memory_space<vmem>>
          %dma_wait3A_289 = tpu.memref_squeeze %dma_wait3A_288 : memref<1x128xi32, #tpu.memory_space<vmem>> -> memref<128xi32, #tpu.memory_space<vmem>>
          %dma_wait3A_290 = arith.constant 0 : i32
          %dma_wait3A_291 = arith.constant 0 : i32
          %dma_wait3A_292 = tpu.memref_slice %arg2[%dma_wait3A_290, %dma_wait3A_291] : memref<16384x384xf32, #tpu.memory_space<hbm>> -> memref<16384x384xf32, #tpu.memory_space<hbm>>
          tpu.wait_indirect_dma semaphore(%run_scoped3A_264 : memref<!tpu.dma_semaphore, #tpu.memory_space<semaphore_mem>>) src(%dma_wait3A_292 : memref<16384x384xf32, #tpu.memory_space<hbm>>) dst(%dma_wait3A_282 : memref<128x384xf32, #tpu.memory_space<vmem>>)
          tpu.yield
        }) : () -> ()
        "tpu.trace_stop"() : () -> ()
        %ne3A_199 = arith.cmpi ne, %add3A_131, %add3A_149 : i32
        %or3A_200 = arith.constant false
        %or3A_201 = arith.ori %or3A_200, %ne3A_199 : i1
        %or3A_202 = arith.ori %or3A_201, %eq3A_130 : i1
        %convert_element_type3A_203 = arith.extui %or3A_202 : i1 to i32
        %cond3A_204 = arith.constant 0 : i32
        %cond3A_205 = arith.cmpi ne, %convert_element_type3A_203, %cond3A_204 : i32
        scf.if %cond3A_205 {
        } else {
        }
        %and3A_206 = arith.constant false
        %and3A_207 = arith.andi %or3A_202, %and3A_206 : i1
        %ne3A_208 = arith.cmpi ne, %add3A_131, %add3A_149 : i32
        %or3A_209 = arith.constant false
        %or3A_210 = arith.ori %or3A_209, %ne3A_208 : i1
        %or3A_211 = arith.constant false
        %or3A_212 = arith.ori %or3A_210, %or3A_211 : i1
        %or3A_213 = arith.ori %or3A_212, %eq3A_130 : i1
        %convert_element_type3A_214 = arith.extui %or3A_213 : i1 to i32
        %cond3A_215 = arith.constant 0 : i32
        %cond3A_216 = arith.cmpi ne, %convert_element_type3A_214, %cond3A_215 : i32
        scf.if %cond3A_216 {
          "tpu.trace_start"() <{level = 10 : i32, message = "ep_copy_out"}> : () -> ()
          %rem3A_264 = arith.constant 2 : i32
          %rem3A_265 = arith.remui %scan3A_124, %rem3A_264 : i32
          %mul3A_266 = arith.constant 128 : i32
          %mul3A_267 = arith.muli %mul3A_266, %add3A_131 : i32
          %dma_start3A_268 = arith.constant 0 : i32
          %dma_start3A_269 = arith.constant 0 : i32
          %dma_start3A_270 = tpu.memref_slice %run_scoped3A_8[%rem3A_265, %dma_start3A_268, %dma_start3A_269] : memref<2x128x384xf32, #tpu.memory_space<vmem>> -> memref<1x128x384xf32, #tpu.memory_space<vmem>>
          %dma_start3A_271 = tpu.memref_squeeze %dma_start3A_270 : memref<1x128x384xf32, #tpu.memory_space<vmem>> -> memref<128x384xf32, #tpu.memory_space<vmem>>
          %dma_start3A_272 = arith.constant 0 : i32
          %dma_start3A_273 = tpu.memref_slice %arg4[%mul3A_267, %dma_start3A_272] : memref<8192x384xf32, #tpu.memory_space<hbm>> -> memref<128x384xf32, #tpu.memory_space<hbm>>
          %dma_start3A_274 = tpu.memref_slice %run_scoped3A_9[%rem3A_265] : memref<2x!tpu.dma_semaphore, #tpu.memory_space<semaphore_mem>> -> memref<1x!tpu.dma_semaphore, #tpu.memory_space<semaphore_mem>>
          %dma_start3A_275 = tpu.memref_squeeze %dma_start3A_274 : memref<1x!tpu.dma_semaphore, #tpu.memory_space<semaphore_mem>> -> memref<!tpu.dma_semaphore, #tpu.memory_space<semaphore_mem>>
          %dma_start3A_276 = arith.constant 0 : i32
          %dma_start3A_277 = tpu.memref_slice %arg4[%mul3A_267, %dma_start3A_276] : memref<8192x384xf32, #tpu.memory_space<hbm>> -> memref<128x384xf32, #tpu.memory_space<hbm>>
          %dma_start3A_278 = arith.constant 0 : i32
          %dma_start3A_279 = arith.constant 0 : i32
          %dma_start3A_280 = tpu.memref_slice %run_scoped3A_8[%rem3A_265, %dma_start3A_278, %dma_start3A_279] : memref<2x128x384xf32, #tpu.memory_space<vmem>> -> memref<1x128x384xf32, #tpu.memory_space<vmem>>
          %dma_start3A_281 = tpu.memref_squeeze %dma_start3A_280 : memref<1x128x384xf32, #tpu.memory_space<vmem>> -> memref<128x384xf32, #tpu.memory_space<vmem>>
          tpu.enqueue_dma source(%dma_start3A_281 : memref<128x384xf32, #tpu.memory_space<vmem>>) target(%dma_start3A_277 : memref<128x384xf32, #tpu.memory_space<hbm>>) target_semaphore(%dma_start3A_275 : memref<!tpu.dma_semaphore, #tpu.memory_space<semaphore_mem>>)
          "tpu.trace_stop"() : () -> ()
        } else {
        }
        %and3A_217 = arith.constant true
        %and3A_218 = arith.andi %or3A_213, %and3A_217 : i1
        %add3A_219 = arith.constant 1 : i32
        %add3A_220 = arith.addi %scan3A_124, %add3A_219 : i32
        %select_n3A_221 = arith.select %and3A_218, %add3A_220, %scan3A_124 : i32
        %ne3A_222 = arith.cmpi ne, %add3A_131, %add3A_140 : i32
        %or3A_223 = arith.constant false
        %or3A_224 = arith.ori %or3A_223, %ne3A_222 : i1
        %not3A_225 = arith.constant true
        %not3A_226 = arith.xori %eq3A_128, %not3A_225 : i1
        %and3A_227 = arith.andi %or3A_224, %not3A_226 : i1
        %convert_element_type3A_228 = arith.extui %and3A_227 : i1 to i32
        %cond3A_229 = arith.constant 0 : i32
        %cond3A_230 = arith.cmpi ne, %convert_element_type3A_228, %cond3A_229 : i32
        scf.if %cond3A_230 {
        } else {
        }
        %and3A_231 = arith.constant false
        %and3A_232 = arith.andi %and3A_227, %and3A_231 : i1
        %ne3A_233 = arith.cmpi ne, %add3A_131, %add3A_140 : i32
        %or3A_234 = arith.constant false
        %or3A_235 = arith.ori %or3A_234, %ne3A_233 : i1
        %or3A_236 = arith.constant false
        %or3A_237 = arith.ori %or3A_235, %or3A_236 : i1
        %not3A_238 = arith.constant true
        %not3A_239 = arith.xori %eq3A_128, %not3A_238 : i1
        %and3A_240 = arith.andi %or3A_237, %not3A_239 : i1
        %convert_element_type3A_241 = arith.extui %and3A_240 : i1 to i32
        %cond3A_242 = arith.constant 0 : i32
        %cond3A_243 = arith.cmpi ne, %convert_element_type3A_241, %cond3A_242 : i32
        scf.if %cond3A_243 {
          "tpu.trace_start"() <{level = 10 : i32, message = "ep_wait_out"}> : () -> ()
          %rem3A_264 = arith.constant 2 : i32
          %rem3A_265 = arith.remui %scan3A_125, %rem3A_264 : i32
          %mul3A_266 = arith.constant 128 : i32
          %mul3A_267 = arith.muli %mul3A_266, %add3A_140 : i32
          %dma_wait3A_268 = arith.constant 0 : i32
          %dma_wait3A_269 = arith.constant 0 : i32
          %dma_wait3A_270 = tpu.memref_slice %run_scoped3A_8[%rem3A_265, %dma_wait3A_268, %dma_wait3A_269] : memref<2x128x384xf32, #tpu.memory_space<vmem>> -> memref<1x128x384xf32, #tpu.memory_space<vmem>>
          %dma_wait3A_271 = tpu.memref_squeeze %dma_wait3A_270 : memref<1x128x384xf32, #tpu.memory_space<vmem>> -> memref<128x384xf32, #tpu.memory_space<vmem>>
          %dma_wait3A_272 = arith.constant 0 : i32
          %dma_wait3A_273 = tpu.memref_slice %arg4[%mul3A_267, %dma_wait3A_272] : memref<8192x384xf32, #tpu.memory_space<hbm>> -> memref<128x384xf32, #tpu.memory_space<hbm>>
          %dma_wait3A_274 = tpu.memref_slice %run_scoped3A_9[%rem3A_265] : memref<2x!tpu.dma_semaphore, #tpu.memory_space<semaphore_mem>> -> memref<1x!tpu.dma_semaphore, #tpu.memory_space<semaphore_mem>>
          %dma_wait3A_275 = tpu.memref_squeeze %dma_wait3A_274 : memref<1x!tpu.dma_semaphore, #tpu.memory_space<semaphore_mem>> -> memref<!tpu.dma_semaphore, #tpu.memory_space<semaphore_mem>>
          %dma_wait3A_276 = arith.constant 0 : i32
          %dma_wait3A_277 = tpu.memref_slice %arg4[%mul3A_267, %dma_wait3A_276] : memref<8192x384xf32, #tpu.memory_space<hbm>> -> memref<128x384xf32, #tpu.memory_space<hbm>>
          %dma_wait3A_278 = arith.constant 0 : i32
          %dma_wait3A_279 = arith.constant 0 : i32
          %dma_wait3A_280 = tpu.memref_slice %run_scoped3A_8[%rem3A_265, %dma_wait3A_278, %dma_wait3A_279] : memref<2x128x384xf32, #tpu.memory_space<vmem>> -> memref<1x128x384xf32, #tpu.memory_space<vmem>>
          %dma_wait3A_281 = tpu.memref_squeeze %dma_wait3A_280 : memref<1x128x384xf32, #tpu.memory_space<vmem>> -> memref<128x384xf32, #tpu.memory_space<vmem>>
          tpu.wait_dma2 semaphore(%dma_wait3A_275 : memref<!tpu.dma_semaphore, #tpu.memory_space<semaphore_mem>>) src(%dma_wait3A_281 : memref<128x384xf32, #tpu.memory_space<vmem>>) dst(%dma_wait3A_277 : memref<128x384xf32, #tpu.memory_space<hbm>>)
          "tpu.trace_stop"() : () -> ()
        } else {
        }
        %and3A_244 = arith.constant true
        %and3A_245 = arith.andi %and3A_240, %and3A_244 : i1
        %add3A_246 = arith.constant 1 : i32
        %add3A_247 = arith.addi %scan3A_125, %add3A_246 : i32
        %select_n3A_248 = arith.select %and3A_245, %add3A_247, %scan3A_125 : i32
        %ne3A_249 = arith.cmpi ne, %add3A_131, %add3A_149 : i32
        %or3A_250 = arith.constant false
        %or3A_251 = arith.ori %or3A_250, %ne3A_249 : i1
        %or3A_252 = arith.ori %or3A_251, %eq3A_130 : i1
        %add3A_253 = arith.constant 1 : i32
        %add3A_254 = arith.addi %scan3A_123, %add3A_253 : i32
        %select_n3A_255 = arith.select %or3A_252, %add3A_254, %scan3A_123 : i32
        %add3A_256 = arith.constant 1 : i32
        %add3A_257 = arith.addi %scan3A_126, %add3A_256 : i32
        %select_n3A_258 = arith.constant true
        %select_n3A_259 = arith.select %select_n3A_258, %add3A_257, %scan3A_126 : i32
        %eq3A_260 = arith.constant 2 : i32
        %eq3A_261 = arith.cmpi eq, %select_n3A_259, %eq3A_260 : i32
        %select_n3A_262 = arith.constant 0 : i32
        %select_n3A_263 = arith.select %eq3A_261, %select_n3A_262, %select_n3A_259 : i32
        scf.yield %select_n3A_167, %select_n3A_255, %select_n3A_221, %select_n3A_248, %select_n3A_263 : i32, i32, i32, i32, i32
      }
      %scan3A_68 = arith.constant 2 : i32
      %sub3A = arith.constant 1 : i32
      %sub3A_69 = arith.subi %scan3A_67#4, %sub3A : i32
      %select_n3A_70 = arith.constant true
      %select_n3A_71 = arith.select %select_n3A_70, %sub3A_69, %scan3A_67#4 : i32
      %eq3A_72 = arith.constant -1 : i32
      %eq3A_73 = arith.cmpi eq, %select_n3A_71, %eq3A_72 : i32
      %select_n3A_74 = arith.constant 1 : i32
      %select_n3A_75 = arith.select %eq3A_73, %select_n3A_74, %select_n3A_71 : i32
      %add3A_76 = arith.addi %select_n3A_75, %mul3A_6 : i32
      %sub3A_77 = arith.constant 1 : i32
      %sub3A_78 = arith.subi %select_n3A_75, %sub3A_77 : i32
      %select_n3A_79 = arith.constant true
      %select_n3A_80 = arith.select %select_n3A_79, %sub3A_78, %select_n3A_75 : i32
      %eq3A_81 = arith.constant -1 : i32
      %eq3A_82 = arith.cmpi eq, %select_n3A_80, %eq3A_81 : i32
      %select_n3A_83 = arith.constant 1 : i32
      %select_n3A_84 = arith.select %eq3A_82, %select_n3A_83, %select_n3A_80 : i32
      %add3A_85 = arith.addi %select_n3A_84, %mul3A_6 : i32
      %add3A_86 = arith.constant 1 : i32
      %add3A_87 = arith.addi %select_n3A_75, %add3A_86 : i32
      %select_n3A_88 = arith.constant true
      %select_n3A_89 = arith.select %select_n3A_88, %add3A_87, %select_n3A_75 : i32
      %eq3A_90 = arith.constant 2 : i32
      %eq3A_91 = arith.cmpi eq, %select_n3A_89, %eq3A_90 : i32
      %select_n3A_92 = arith.constant 0 : i32
      %select_n3A_93 = arith.select %eq3A_91, %select_n3A_92, %select_n3A_89 : i32
      %add3A_94 = arith.addi %select_n3A_93, %mul3A_6 : i32
      %add3A_95 = arith.constant 1 : i32
      %add3A_96 = arith.addi %select_n3A_93, %add3A_95 : i32
      %select_n3A_97 = arith.constant true
      %select_n3A_98 = arith.select %select_n3A_97, %add3A_96, %select_n3A_93 : i32
      %eq3A_99 = arith.constant 2 : i32
      %eq3A_100 = arith.cmpi eq, %select_n3A_98, %eq3A_99 : i32
      %select_n3A_101 = arith.constant 0 : i32
      %select_n3A_102 = arith.select %eq3A_100, %select_n3A_101, %select_n3A_98 : i32
      %add3A_103 = arith.addi %select_n3A_102, %mul3A_6 : i32
      "tpu.trace_start"() <{level = 10 : i32, message = "ep_finalize"}> : () -> ()
      %rem3A_104 = arith.constant 2 : i32
      %rem3A_105 = arith.remui %scan3A_67#3, %rem3A_104 : i32
      %mul3A_106 = arith.constant 128 : i32
      %mul3A_107 = arith.muli %mul3A_106, %add3A_76 : i32
      %dma_wait3A = arith.constant 0 : i32
      %dma_wait3A_108 = arith.constant 0 : i32
      %dma_wait3A_109 = tpu.memref_slice %run_scoped3A_8[%rem3A_105, %dma_wait3A, %dma_wait3A_108] : memref<2x128x384xf32, #tpu.memory_space<vmem>> -> memref<1x128x384xf32, #tpu.memory_space<vmem>>
      %dma_wait3A_110 = tpu.memref_squeeze %dma_wait3A_109 : memref<1x128x384xf32, #tpu.memory_space<vmem>> -> memref<128x384xf32, #tpu.memory_space<vmem>>
      %dma_wait3A_111 = arith.constant 0 : i32
      %dma_wait3A_112 = tpu.memref_slice %arg4[%mul3A_107, %dma_wait3A_111] : memref<8192x384xf32, #tpu.memory_space<hbm>> -> memref<128x384xf32, #tpu.memory_space<hbm>>
      %dma_wait3A_113 = tpu.memref_slice %run_scoped3A_9[%rem3A_105] : memref<2x!tpu.dma_semaphore, #tpu.memory_space<semaphore_mem>> -> memref<1x!tpu.dma_semaphore, #tpu.memory_space<semaphore_mem>>
      %dma_wait3A_114 = tpu.memref_squeeze %dma_wait3A_113 : memref<1x!tpu.dma_semaphore, #tpu.memory_space<semaphore_mem>> -> memref<!tpu.dma_semaphore, #tpu.memory_space<semaphore_mem>>
      %dma_wait3A_115 = arith.constant 0 : i32
      %dma_wait3A_116 = tpu.memref_slice %arg4[%mul3A_107, %dma_wait3A_115] : memref<8192x384xf32, #tpu.memory_space<hbm>> -> memref<128x384xf32, #tpu.memory_space<hbm>>
      %dma_wait3A_117 = arith.constant 0 : i32
      %dma_wait3A_118 = arith.constant 0 : i32
      %dma_wait3A_119 = tpu.memref_slice %run_scoped3A_8[%rem3A_105, %dma_wait3A_117, %dma_wait3A_118] : memref<2x128x384xf32, #tpu.memory_space<vmem>> -> memref<1x128x384xf32, #tpu.memory_space<vmem>>
      %dma_wait3A_120 = tpu.memref_squeeze %dma_wait3A_119 : memref<1x128x384xf32, #tpu.memory_space<vmem>> -> memref<128x384xf32, #tpu.memory_space<vmem>>
      tpu.wait_dma2 semaphore(%dma_wait3A_114 : memref<!tpu.dma_semaphore, #tpu.memory_space<semaphore_mem>>) src(%dma_wait3A_120 : memref<128x384xf32, #tpu.memory_space<vmem>>) dst(%dma_wait3A_116 : memref<128x384xf32, #tpu.memory_space<hbm>>)
      "tpu.trace_stop"() : () -> ()
      tpu.yield
    }) : () -> ()
    return
  }
}

module attributes {stable_mosaic.version = 14 : i64} {
  func.func @_attn_body(%arg0: i32, %arg1: i32, %arg2: memref<1x256x768xf32, #tpu.memory_space<vmem>>, %arg3: memref<1x768x2048xf32, #tpu.memory_space<vmem>>, %arg4: memref<1x2048x768xbf16, #tpu.memory_space<vmem>>, %arg5: memref<1x256x768xf32, #tpu.memory_space<vmem>>, %arg6: memref<1x1x2048xf32, #tpu.memory_space<vmem>>, %arg7: memref<8x2048xf32, #tpu.memory_space<vmem>>) attributes {dimension_semantics = [#tpu.dimension_semantics<arbitrary>, #tpu.dimension_semantics<arbitrary>], iteration_bounds = array<i64: 4, 8>, scalar_prefetch = 0 : i64, scratch_operands = 1 : i64, tpu.core_type = #tpu.core_type<tc>, window_params = [{transform_indices = @transform_0, window_bounds = array<i64: 1, 256, 768>}, {transform_indices = @transform_1, window_bounds = array<i64: 1, 768, 2048>}, {transform_indices = @transform_2, window_bounds = array<i64: 1, 2048, 768>}, {transform_indices = @transform_3, window_bounds = array<i64: 1, 256, 768>}, {transform_indices = @transform_4, window_bounds = array<i64: 1, 1, 2048>}]} {
    %eq3A = arith.constant 0 : i32
    %eq3A_0 = arith.cmpi eq, %arg1, %eq3A : i32
    %convert_element_type3A = arith.extui %eq3A_0 : i1 to i32
    %cond3A = arith.constant 0 : i32
    %cond3A_1 = arith.cmpi ne, %convert_element_type3A, %cond3A : i32
    scf.if %cond3A_1 {
      %broadcast_in_dim3A_474 = arith.constant 0.000000e+00 : f32
      %broadcast_in_dim3A_475 = vector.broadcast %broadcast_in_dim3A_474 : f32 to vector<8x2048xf32>
      %swap3A_476 = arith.constant 0 : index
      %swap3A_477 = arith.constant 0 : index
      %swap3A_478 = vector.load %arg7[%swap3A_476, %swap3A_477] : memref<8x2048xf32, #tpu.memory_space<vmem>>, vector<8x2048xf32>
      tpu.vector_store %arg7[%swap3A_476, %swap3A_477], %broadcast_in_dim3A_475 {strides = array<i32>} : memref<8x2048xf32, #tpu.memory_space<vmem>>, vector<8x2048xf32>,
    } else {
    }
    %broadcast_in_dim3A = arith.constant 0.000000e+00 : f32
    %broadcast_in_dim3A_2 = vector.broadcast %broadcast_in_dim3A : f32 to vector<256x2048xf32>
    %get3A = arith.constant 0 : index
    %get3A_3 = arith.constant 0 : index
    %get3A_4 = arith.constant 0 : index
    %get3A_5 = vector.load %arg2[%get3A, %get3A_3, %get3A_4] : memref<1x256x768xf32, #tpu.memory_space<vmem>>, vector<1x256x64xf32>
    %get3A_6 = vector.shape_cast %get3A_5 : vector<1x256x64xf32> to vector<256x64xf32>
    %get3A_7 = arith.constant 0 : index
    %get3A_8 = arith.constant 0 : index
    %get3A_9 = arith.constant 0 : index
    %get3A_10 = vector.load %arg3[%get3A_7, %get3A_8, %get3A_9] : memref<1x768x2048xf32, #tpu.memory_space<vmem>>, vector<1x64x2048xf32>
    %get3A_11 = vector.shape_cast %get3A_10 : vector<1x64x2048xf32> to vector<64x2048xf32>
    %dot_general3A = arith.constant dense<0.000000e+00> : vector<256x2048xf32>
    %dot_general3A_12 = tpu.matmul %get3A_6, %get3A_11, %dot_general3A {dimension_numbers = #tpu.dot_dimension_numbers<[1], [0], [0], [1], [0, 0, 1, 1], [], []>, transpose_lhs_hint = false} : vector<256x64xf32>, vector<64x2048xf32>, vector<256x2048xf32> -> vector<256x2048xf32>
    %div3A = arith.constant 8.000000e+00 : f32
    %div3A_13 = vector.broadcast %div3A : f32 to vector<256x2048xf32>
    %div3A_14 = arith.divf %dot_general3A_12, %div3A_13 : vector<256x2048xf32>
    %exp3A = math.exp %div3A_14 : vector<256x2048xf32>
    %reduce_sum3A = arith.constant dense<0.000000e+00> : vector<256xf32>
    %reduce_sum3A_15 = vector.multi_reduction <add>, %exp3A, %reduce_sum3A [1] : vector<256x2048xf32> to vector<256xf32>
    %broadcast_in_dim3A_16 = vector.shape_cast %reduce_sum3A_15 : vector<256xf32> to vector<256x1xf32>
    %div3A_17 = arith.constant 1.000000e+00 : f32
    %div3A_18 = vector.broadcast %div3A_17 : f32 to vector<256x1xf32>
    %div3A_19 = arith.divf %div3A_18, %broadcast_in_dim3A_16 : vector<256x1xf32>
    %mul3A = vector.broadcast %div3A_19 : vector<256x1xf32> to vector<256x2048xf32>
    %mul3A_20 = arith.mulf %exp3A, %mul3A : vector<256x2048xf32>
    %add3A = arith.addf %broadcast_in_dim3A_2, %mul3A_20 : vector<256x2048xf32>
    %get3A_21 = arith.constant 0 : index
    %get3A_22 = arith.constant 0 : index
    %get3A_23 = arith.constant 0 : index
    %get3A_24 = vector.load %arg4[%get3A_21, %get3A_22, %get3A_23] : memref<1x2048x768xbf16, #tpu.memory_space<vmem>>, vector<1x2048x64xbf16>
    %get3A_25 = vector.shape_cast %get3A_24 : vector<1x2048x64xbf16> to vector<2048x64xbf16>
    %convert_element_type3A_26 = arith.truncf %mul3A_20 : vector<256x2048xf32> to vector<256x2048xbf16>
    %dot_general3A_27 = arith.constant dense<0.000000e+00> : vector<256x64xf32>
    %dot_general3A_28 = tpu.matmul %convert_element_type3A_26, %get3A_25, %dot_general3A_27 {dimension_numbers = #tpu.dot_dimension_numbers<[1], [0], [0], [1], [0, 0, 1, 1], [], []>, transpose_lhs_hint = false} : vector<256x2048xbf16>, vector<2048x64xbf16>, vector<256x64xf32> -> vector<256x64xf32>
    %get3A_29 = arith.constant 0 : index
    %get3A_30 = arith.constant 0 : index
    %get3A_31 = arith.constant 64 : index
    %get3A_32 = vector.load %arg2[%get3A_29, %get3A_30, %get3A_31] : memref<1x256x768xf32, #tpu.memory_space<vmem>>, vector<1x256x64xf32>
    %get3A_33 = vector.shape_cast %get3A_32 : vector<1x256x64xf32> to vector<256x64xf32>
    %get3A_34 = arith.constant 0 : index
    %get3A_35 = arith.constant 64 : index
    %get3A_36 = arith.constant 0 : index
    %get3A_37 = vector.load %arg3[%get3A_34, %get3A_35, %get3A_36] : memref<1x768x2048xf32, #tpu.memory_space<vmem>>, vector<1x64x2048xf32>
    %get3A_38 = vector.shape_cast %get3A_37 : vector<1x64x2048xf32> to vector<64x2048xf32>
    %dot_general3A_39 = arith.constant dense<0.000000e+00> : vector<256x2048xf32>
    %dot_general3A_40 = tpu.matmul %get3A_33, %get3A_38, %dot_general3A_39 {dimension_numbers = #tpu.dot_dimension_numbers<[1], [0], [0], [1], [0, 0, 1, 1], [], []>, transpose_lhs_hint = false} : vector<256x64xf32>, vector<64x2048xf32>, vector<256x2048xf32> -> vector<256x2048xf32>
    %div3A_41 = arith.constant 8.000000e+00 : f32
    %div3A_42 = vector.broadcast %div3A_41 : f32 to vector<256x2048xf32>
    %div3A_43 = arith.divf %dot_general3A_40, %div3A_42 : vector<256x2048xf32>
    %exp3A_44 = math.exp %div3A_43 : vector<256x2048xf32>
    %reduce_sum3A_45 = arith.constant dense<0.000000e+00> : vector<256xf32>
    %reduce_sum3A_46 = vector.multi_reduction <add>, %exp3A_44, %reduce_sum3A_45 [1] : vector<256x2048xf32> to vector<256xf32>
    %broadcast_in_dim3A_47 = vector.shape_cast %reduce_sum3A_46 : vector<256xf32> to vector<256x1xf32>
    %div3A_48 = arith.constant 1.000000e+00 : f32
    %div3A_49 = vector.broadcast %div3A_48 : f32 to vector<256x1xf32>
    %div3A_50 = arith.divf %div3A_49, %broadcast_in_dim3A_47 : vector<256x1xf32>
    %mul3A_51 = vector.broadcast %div3A_50 : vector<256x1xf32> to vector<256x2048xf32>
    %mul3A_52 = arith.mulf %exp3A_44, %mul3A_51 : vector<256x2048xf32>
    %add3A_53 = arith.addf %add3A, %mul3A_52 : vector<256x2048xf32>
    %get3A_54 = arith.constant 0 : index
    %get3A_55 = arith.constant 0 : index
    %get3A_56 = arith.constant 64 : index
    %get3A_57 = vector.load %arg4[%get3A_54, %get3A_55, %get3A_56] : memref<1x2048x768xbf16, #tpu.memory_space<vmem>>, vector<1x2048x64xbf16>
    %get3A_58 = vector.shape_cast %get3A_57 : vector<1x2048x64xbf16> to vector<2048x64xbf16>
    %convert_element_type3A_59 = arith.truncf %mul3A_52 : vector<256x2048xf32> to vector<256x2048xbf16>
    %dot_general3A_60 = arith.constant dense<0.000000e+00> : vector<256x64xf32>
    %dot_general3A_61 = tpu.matmul %convert_element_type3A_59, %get3A_58, %dot_general3A_60 {dimension_numbers = #tpu.dot_dimension_numbers<[1], [0], [0], [1], [0, 0, 1, 1], [], []>, transpose_lhs_hint = false} : vector<256x2048xbf16>, vector<2048x64xbf16>, vector<256x64xf32> -> vector<256x64xf32>
    %get3A_62 = arith.constant 0 : index
    %get3A_63 = arith.constant 0 : index
    %get3A_64 = arith.constant 128 : index
    %get3A_65 = vector.load %arg2[%get3A_62, %get3A_63, %get3A_64] : memref<1x256x768xf32, #tpu.memory_space<vmem>>, vector<1x256x64xf32>
    %get3A_66 = vector.shape_cast %get3A_65 : vector<1x256x64xf32> to vector<256x64xf32>
    %get3A_67 = arith.constant 0 : index
    %get3A_68 = arith.constant 128 : index
    %get3A_69 = arith.constant 0 : index
    %get3A_70 = vector.load %arg3[%get3A_67, %get3A_68, %get3A_69] : memref<1x768x2048xf32, #tpu.memory_space<vmem>>, vector<1x64x2048xf32>
    %get3A_71 = vector.shape_cast %get3A_70 : vector<1x64x2048xf32> to vector<64x2048xf32>
    %dot_general3A_72 = arith.constant dense<0.000000e+00> : vector<256x2048xf32>
    %dot_general3A_73 = tpu.matmul %get3A_66, %get3A_71, %dot_general3A_72 {dimension_numbers = #tpu.dot_dimension_numbers<[1], [0], [0], [1], [0, 0, 1, 1], [], []>, transpose_lhs_hint = false} : vector<256x64xf32>, vector<64x2048xf32>, vector<256x2048xf32> -> vector<256x2048xf32>
    %div3A_74 = arith.constant 8.000000e+00 : f32
    %div3A_75 = vector.broadcast %div3A_74 : f32 to vector<256x2048xf32>
    %div3A_76 = arith.divf %dot_general3A_73, %div3A_75 : vector<256x2048xf32>
    %exp3A_77 = math.exp %div3A_76 : vector<256x2048xf32>
    %reduce_sum3A_78 = arith.constant dense<0.000000e+00> : vector<256xf32>
    %reduce_sum3A_79 = vector.multi_reduction <add>, %exp3A_77, %reduce_sum3A_78 [1] : vector<256x2048xf32> to vector<256xf32>
    %broadcast_in_dim3A_80 = vector.shape_cast %reduce_sum3A_79 : vector<256xf32> to vector<256x1xf32>
    %div3A_81 = arith.constant 1.000000e+00 : f32
    %div3A_82 = vector.broadcast %div3A_81 : f32 to vector<256x1xf32>
    %div3A_83 = arith.divf %div3A_82, %broadcast_in_dim3A_80 : vector<256x1xf32>
    %mul3A_84 = vector.broadcast %div3A_83 : vector<256x1xf32> to vector<256x2048xf32>
    %mul3A_85 = arith.mulf %exp3A_77, %mul3A_84 : vector<256x2048xf32>
    %add3A_86 = arith.addf %add3A_53, %mul3A_85 : vector<256x2048xf32>
    %get3A_87 = arith.constant 0 : index
    %get3A_88 = arith.constant 0 : index
    %get3A_89 = arith.constant 128 : index
    %get3A_90 = vector.load %arg4[%get3A_87, %get3A_88, %get3A_89] : memref<1x2048x768xbf16, #tpu.memory_space<vmem>>, vector<1x2048x64xbf16>
    %get3A_91 = vector.shape_cast %get3A_90 : vector<1x2048x64xbf16> to vector<2048x64xbf16>
    %convert_element_type3A_92 = arith.truncf %mul3A_85 : vector<256x2048xf32> to vector<256x2048xbf16>
    %dot_general3A_93 = arith.constant dense<0.000000e+00> : vector<256x64xf32>
    %dot_general3A_94 = tpu.matmul %convert_element_type3A_92, %get3A_91, %dot_general3A_93 {dimension_numbers = #tpu.dot_dimension_numbers<[1], [0], [0], [1], [0, 0, 1, 1], [], []>, transpose_lhs_hint = false} : vector<256x2048xbf16>, vector<2048x64xbf16>, vector<256x64xf32> -> vector<256x64xf32>
    %get3A_95 = arith.constant 0 : index
    %get3A_96 = arith.constant 0 : index
    %get3A_97 = arith.constant 192 : index
    %get3A_98 = vector.load %arg2[%get3A_95, %get3A_96, %get3A_97] : memref<1x256x768xf32, #tpu.memory_space<vmem>>, vector<1x256x64xf32>
    %get3A_99 = vector.shape_cast %get3A_98 : vector<1x256x64xf32> to vector<256x64xf32>
    %get3A_100 = arith.constant 0 : index
    %get3A_101 = arith.constant 192 : index
    %get3A_102 = arith.constant 0 : index
    %get3A_103 = vector.load %arg3[%get3A_100, %get3A_101, %get3A_102] : memref<1x768x2048xf32, #tpu.memory_space<vmem>>, vector<1x64x2048xf32>
    %get3A_104 = vector.shape_cast %get3A_103 : vector<1x64x2048xf32> to vector<64x2048xf32>
    %dot_general3A_105 = arith.constant dense<0.000000e+00> : vector<256x2048xf32>
    %dot_general3A_106 = tpu.matmul %get3A_99, %get3A_104, %dot_general3A_105 {dimension_numbers = #tpu.dot_dimension_numbers<[1], [0], [0], [1], [0, 0, 1, 1], [], []>, transpose_lhs_hint = false} : vector<256x64xf32>, vector<64x2048xf32>, vector<256x2048xf32> -> vector<256x2048xf32>
    %div3A_107 = arith.constant 8.000000e+00 : f32
    %div3A_108 = vector.broadcast %div3A_107 : f32 to vector<256x2048xf32>
    %div3A_109 = arith.divf %dot_general3A_106, %div3A_108 : vector<256x2048xf32>
    %exp3A_110 = math.exp %div3A_109 : vector<256x2048xf32>
    %reduce_sum3A_111 = arith.constant dense<0.000000e+00> : vector<256xf32>
    %reduce_sum3A_112 = vector.multi_reduction <add>, %exp3A_110, %reduce_sum3A_111 [1] : vector<256x2048xf32> to vector<256xf32>
    %broadcast_in_dim3A_113 = vector.shape_cast %reduce_sum3A_112 : vector<256xf32> to vector<256x1xf32>
    %div3A_114 = arith.constant 1.000000e+00 : f32
    %div3A_115 = vector.broadcast %div3A_114 : f32 to vector<256x1xf32>
    %div3A_116 = arith.divf %div3A_115, %broadcast_in_dim3A_113 : vector<256x1xf32>
    %mul3A_117 = vector.broadcast %div3A_116 : vector<256x1xf32> to vector<256x2048xf32>
    %mul3A_118 = arith.mulf %exp3A_110, %mul3A_117 : vector<256x2048xf32>
    %add3A_119 = arith.addf %add3A_86, %mul3A_118 : vector<256x2048xf32>
    %get3A_120 = arith.constant 0 : index
    %get3A_121 = arith.constant 0 : index
    %get3A_122 = arith.constant 192 : index
    %get3A_123 = vector.load %arg4[%get3A_120, %get3A_121, %get3A_122] : memref<1x2048x768xbf16, #tpu.memory_space<vmem>>, vector<1x2048x64xbf16>
    %get3A_124 = vector.shape_cast %get3A_123 : vector<1x2048x64xbf16> to vector<2048x64xbf16>
    %convert_element_type3A_125 = arith.truncf %mul3A_118 : vector<256x2048xf32> to vector<256x2048xbf16>
    %dot_general3A_126 = arith.constant dense<0.000000e+00> : vector<256x64xf32>
    %dot_general3A_127 = tpu.matmul %convert_element_type3A_125, %get3A_124, %dot_general3A_126 {dimension_numbers = #tpu.dot_dimension_numbers<[1], [0], [0], [1], [0, 0, 1, 1], [], []>, transpose_lhs_hint = false} : vector<256x2048xbf16>, vector<2048x64xbf16>, vector<256x64xf32> -> vector<256x64xf32>
    %get3A_128 = arith.constant 0 : index
    %get3A_129 = arith.constant 0 : index
    %get3A_130 = arith.constant 256 : index
    %get3A_131 = vector.load %arg2[%get3A_128, %get3A_129, %get3A_130] : memref<1x256x768xf32, #tpu.memory_space<vmem>>, vector<1x256x64xf32>
    %get3A_132 = vector.shape_cast %get3A_131 : vector<1x256x64xf32> to vector<256x64xf32>
    %get3A_133 = arith.constant 0 : index
    %get3A_134 = arith.constant 256 : index
    %get3A_135 = arith.constant 0 : index
    %get3A_136 = vector.load %arg3[%get3A_133, %get3A_134, %get3A_135] : memref<1x768x2048xf32, #tpu.memory_space<vmem>>, vector<1x64x2048xf32>
    %get3A_137 = vector.shape_cast %get3A_136 : vector<1x64x2048xf32> to vector<64x2048xf32>
    %dot_general3A_138 = arith.constant dense<0.000000e+00> : vector<256x2048xf32>
    %dot_general3A_139 = tpu.matmul %get3A_132, %get3A_137, %dot_general3A_138 {dimension_numbers = #tpu.dot_dimension_numbers<[1], [0], [0], [1], [0, 0, 1, 1], [], []>, transpose_lhs_hint = false} : vector<256x64xf32>, vector<64x2048xf32>, vector<256x2048xf32> -> vector<256x2048xf32>
    %div3A_140 = arith.constant 8.000000e+00 : f32
    %div3A_141 = vector.broadcast %div3A_140 : f32 to vector<256x2048xf32>
    %div3A_142 = arith.divf %dot_general3A_139, %div3A_141 : vector<256x2048xf32>
    %exp3A_143 = math.exp %div3A_142 : vector<256x2048xf32>
    %reduce_sum3A_144 = arith.constant dense<0.000000e+00> : vector<256xf32>
    %reduce_sum3A_145 = vector.multi_reduction <add>, %exp3A_143, %reduce_sum3A_144 [1] : vector<256x2048xf32> to vector<256xf32>
    %broadcast_in_dim3A_146 = vector.shape_cast %reduce_sum3A_145 : vector<256xf32> to vector<256x1xf32>
    %div3A_147 = arith.constant 1.000000e+00 : f32
    %div3A_148 = vector.broadcast %div3A_147 : f32 to vector<256x1xf32>
    %div3A_149 = arith.divf %div3A_148, %broadcast_in_dim3A_146 : vector<256x1xf32>
    %mul3A_150 = vector.broadcast %div3A_149 : vector<256x1xf32> to vector<256x2048xf32>
    %mul3A_151 = arith.mulf %exp3A_143, %mul3A_150 : vector<256x2048xf32>
    %add3A_152 = arith.addf %add3A_119, %mul3A_151 : vector<256x2048xf32>
    %get3A_153 = arith.constant 0 : index
    %get3A_154 = arith.constant 0 : index
    %get3A_155 = arith.constant 256 : index
    %get3A_156 = vector.load %arg4[%get3A_153, %get3A_154, %get3A_155] : memref<1x2048x768xbf16, #tpu.memory_space<vmem>>, vector<1x2048x64xbf16>
    %get3A_157 = vector.shape_cast %get3A_156 : vector<1x2048x64xbf16> to vector<2048x64xbf16>
    %convert_element_type3A_158 = arith.truncf %mul3A_151 : vector<256x2048xf32> to vector<256x2048xbf16>
    %dot_general3A_159 = arith.constant dense<0.000000e+00> : vector<256x64xf32>
    %dot_general3A_160 = tpu.matmul %convert_element_type3A_158, %get3A_157, %dot_general3A_159 {dimension_numbers = #tpu.dot_dimension_numbers<[1], [0], [0], [1], [0, 0, 1, 1], [], []>, transpose_lhs_hint = false} : vector<256x2048xbf16>, vector<2048x64xbf16>, vector<256x64xf32> -> vector<256x64xf32>
    %get3A_161 = arith.constant 0 : index
    %get3A_162 = arith.constant 0 : index
    %get3A_163 = arith.constant 320 : index
    %get3A_164 = vector.load %arg2[%get3A_161, %get3A_162, %get3A_163] : memref<1x256x768xf32, #tpu.memory_space<vmem>>, vector<1x256x64xf32>
    %get3A_165 = vector.shape_cast %get3A_164 : vector<1x256x64xf32> to vector<256x64xf32>
    %get3A_166 = arith.constant 0 : index
    %get3A_167 = arith.constant 320 : index
    %get3A_168 = arith.constant 0 : index
    %get3A_169 = vector.load %arg3[%get3A_166, %get3A_167, %get3A_168] : memref<1x768x2048xf32, #tpu.memory_space<vmem>>, vector<1x64x2048xf32>
    %get3A_170 = vector.shape_cast %get3A_169 : vector<1x64x2048xf32> to vector<64x2048xf32>
    %dot_general3A_171 = arith.constant dense<0.000000e+00> : vector<256x2048xf32>
    %dot_general3A_172 = tpu.matmul %get3A_165, %get3A_170, %dot_general3A_171 {dimension_numbers = #tpu.dot_dimension_numbers<[1], [0], [0], [1], [0, 0, 1, 1], [], []>, transpose_lhs_hint = false} : vector<256x64xf32>, vector<64x2048xf32>, vector<256x2048xf32> -> vector<256x2048xf32>
    %div3A_173 = arith.constant 8.000000e+00 : f32
    %div3A_174 = vector.broadcast %div3A_173 : f32 to vector<256x2048xf32>
    %div3A_175 = arith.divf %dot_general3A_172, %div3A_174 : vector<256x2048xf32>
    %exp3A_176 = math.exp %div3A_175 : vector<256x2048xf32>
    %reduce_sum3A_177 = arith.constant dense<0.000000e+00> : vector<256xf32>
    %reduce_sum3A_178 = vector.multi_reduction <add>, %exp3A_176, %reduce_sum3A_177 [1] : vector<256x2048xf32> to vector<256xf32>
    %broadcast_in_dim3A_179 = vector.shape_cast %reduce_sum3A_178 : vector<256xf32> to vector<256x1xf32>
    %div3A_180 = arith.constant 1.000000e+00 : f32
    %div3A_181 = vector.broadcast %div3A_180 : f32 to vector<256x1xf32>
    %div3A_182 = arith.divf %div3A_181, %broadcast_in_dim3A_179 : vector<256x1xf32>
    %mul3A_183 = vector.broadcast %div3A_182 : vector<256x1xf32> to vector<256x2048xf32>
    %mul3A_184 = arith.mulf %exp3A_176, %mul3A_183 : vector<256x2048xf32>
    %add3A_185 = arith.addf %add3A_152, %mul3A_184 : vector<256x2048xf32>
    %get3A_186 = arith.constant 0 : index
    %get3A_187 = arith.constant 0 : index
    %get3A_188 = arith.constant 320 : index
    %get3A_189 = vector.load %arg4[%get3A_186, %get3A_187, %get3A_188] : memref<1x2048x768xbf16, #tpu.memory_space<vmem>>, vector<1x2048x64xbf16>
    %get3A_190 = vector.shape_cast %get3A_189 : vector<1x2048x64xbf16> to vector<2048x64xbf16>
    %convert_element_type3A_191 = arith.truncf %mul3A_184 : vector<256x2048xf32> to vector<256x2048xbf16>
    %dot_general3A_192 = arith.constant dense<0.000000e+00> : vector<256x64xf32>
    %dot_general3A_193 = tpu.matmul %convert_element_type3A_191, %get3A_190, %dot_general3A_192 {dimension_numbers = #tpu.dot_dimension_numbers<[1], [0], [0], [1], [0, 0, 1, 1], [], []>, transpose_lhs_hint = false} : vector<256x2048xbf16>, vector<2048x64xbf16>, vector<256x64xf32> -> vector<256x64xf32>
    %get3A_194 = arith.constant 0 : index
    %get3A_195 = arith.constant 0 : index
    %get3A_196 = arith.constant 384 : index
    %get3A_197 = vector.load %arg2[%get3A_194, %get3A_195, %get3A_196] : memref<1x256x768xf32, #tpu.memory_space<vmem>>, vector<1x256x64xf32>
    %get3A_198 = vector.shape_cast %get3A_197 : vector<1x256x64xf32> to vector<256x64xf32>
    %get3A_199 = arith.constant 0 : index
    %get3A_200 = arith.constant 384 : index
    %get3A_201 = arith.constant 0 : index
    %get3A_202 = vector.load %arg3[%get3A_199, %get3A_200, %get3A_201] : memref<1x768x2048xf32, #tpu.memory_space<vmem>>, vector<1x64x2048xf32>
    %get3A_203 = vector.shape_cast %get3A_202 : vector<1x64x2048xf32> to vector<64x2048xf32>
    %dot_general3A_204 = arith.constant dense<0.000000e+00> : vector<256x2048xf32>
    %dot_general3A_205 = tpu.matmul %get3A_198, %get3A_203, %dot_general3A_204 {dimension_numbers = #tpu.dot_dimension_numbers<[1], [0], [0], [1], [0, 0, 1, 1], [], []>, transpose_lhs_hint = false} : vector<256x64xf32>, vector<64x2048xf32>, vector<256x2048xf32> -> vector<256x2048xf32>
    %div3A_206 = arith.constant 8.000000e+00 : f32
    %div3A_207 = vector.broadcast %div3A_206 : f32 to vector<256x2048xf32>
    %div3A_208 = arith.divf %dot_general3A_205, %div3A_207 : vector<256x2048xf32>
    %exp3A_209 = math.exp %div3A_208 : vector<256x2048xf32>
    %reduce_sum3A_210 = arith.constant dense<0.000000e+00> : vector<256xf32>
    %reduce_sum3A_211 = vector.multi_reduction <add>, %exp3A_209, %reduce_sum3A_210 [1] : vector<256x2048xf32> to vector<256xf32>
    %broadcast_in_dim3A_212 = vector.shape_cast %reduce_sum3A_211 : vector<256xf32> to vector<256x1xf32>
    %div3A_213 = arith.constant 1.000000e+00 : f32
    %div3A_214 = vector.broadcast %div3A_213 : f32 to vector<256x1xf32>
    %div3A_215 = arith.divf %div3A_214, %broadcast_in_dim3A_212 : vector<256x1xf32>
    %mul3A_216 = vector.broadcast %div3A_215 : vector<256x1xf32> to vector<256x2048xf32>
    %mul3A_217 = arith.mulf %exp3A_209, %mul3A_216 : vector<256x2048xf32>
    %add3A_218 = arith.addf %add3A_185, %mul3A_217 : vector<256x2048xf32>
    %get3A_219 = arith.constant 0 : index
    %get3A_220 = arith.constant 0 : index
    %get3A_221 = arith.constant 384 : index
    %get3A_222 = vector.load %arg4[%get3A_219, %get3A_220, %get3A_221] : memref<1x2048x768xbf16, #tpu.memory_space<vmem>>, vector<1x2048x64xbf16>
    %get3A_223 = vector.shape_cast %get3A_222 : vector<1x2048x64xbf16> to vector<2048x64xbf16>
    %convert_element_type3A_224 = arith.truncf %mul3A_217 : vector<256x2048xf32> to vector<256x2048xbf16>
    %dot_general3A_225 = arith.constant dense<0.000000e+00> : vector<256x64xf32>
    %dot_general3A_226 = tpu.matmul %convert_element_type3A_224, %get3A_223, %dot_general3A_225 {dimension_numbers = #tpu.dot_dimension_numbers<[1], [0], [0], [1], [0, 0, 1, 1], [], []>, transpose_lhs_hint = false} : vector<256x2048xbf16>, vector<2048x64xbf16>, vector<256x64xf32> -> vector<256x64xf32>
    %get3A_227 = arith.constant 0 : index
    %get3A_228 = arith.constant 0 : index
    %get3A_229 = arith.constant 448 : index
    %get3A_230 = vector.load %arg2[%get3A_227, %get3A_228, %get3A_229] : memref<1x256x768xf32, #tpu.memory_space<vmem>>, vector<1x256x64xf32>
    %get3A_231 = vector.shape_cast %get3A_230 : vector<1x256x64xf32> to vector<256x64xf32>
    %get3A_232 = arith.constant 0 : index
    %get3A_233 = arith.constant 448 : index
    %get3A_234 = arith.constant 0 : index
    %get3A_235 = vector.load %arg3[%get3A_232, %get3A_233, %get3A_234] : memref<1x768x2048xf32, #tpu.memory_space<vmem>>, vector<1x64x2048xf32>
    %get3A_236 = vector.shape_cast %get3A_235 : vector<1x64x2048xf32> to vector<64x2048xf32>
    %dot_general3A_237 = arith.constant dense<0.000000e+00> : vector<256x2048xf32>
    %dot_general3A_238 = tpu.matmul %get3A_231, %get3A_236, %dot_general3A_237 {dimension_numbers = #tpu.dot_dimension_numbers<[1], [0], [0], [1], [0, 0, 1, 1], [], []>, transpose_lhs_hint = false} : vector<256x64xf32>, vector<64x2048xf32>, vector<256x2048xf32> -> vector<256x2048xf32>
    %div3A_239 = arith.constant 8.000000e+00 : f32
    %div3A_240 = vector.broadcast %div3A_239 : f32 to vector<256x2048xf32>
    %div3A_241 = arith.divf %dot_general3A_238, %div3A_240 : vector<256x2048xf32>
    %exp3A_242 = math.exp %div3A_241 : vector<256x2048xf32>
    %reduce_sum3A_243 = arith.constant dense<0.000000e+00> : vector<256xf32>
    %reduce_sum3A_244 = vector.multi_reduction <add>, %exp3A_242, %reduce_sum3A_243 [1] : vector<256x2048xf32> to vector<256xf32>
    %broadcast_in_dim3A_245 = vector.shape_cast %reduce_sum3A_244 : vector<256xf32> to vector<256x1xf32>
    %div3A_246 = arith.constant 1.000000e+00 : f32
    %div3A_247 = vector.broadcast %div3A_246 : f32 to vector<256x1xf32>
    %div3A_248 = arith.divf %div3A_247, %broadcast_in_dim3A_245 : vector<256x1xf32>
    %mul3A_249 = vector.broadcast %div3A_248 : vector<256x1xf32> to vector<256x2048xf32>
    %mul3A_250 = arith.mulf %exp3A_242, %mul3A_249 : vector<256x2048xf32>
    %add3A_251 = arith.addf %add3A_218, %mul3A_250 : vector<256x2048xf32>
    %get3A_252 = arith.constant 0 : index
    %get3A_253 = arith.constant 0 : index
    %get3A_254 = arith.constant 448 : index
    %get3A_255 = vector.load %arg4[%get3A_252, %get3A_253, %get3A_254] : memref<1x2048x768xbf16, #tpu.memory_space<vmem>>, vector<1x2048x64xbf16>
    %get3A_256 = vector.shape_cast %get3A_255 : vector<1x2048x64xbf16> to vector<2048x64xbf16>
    %convert_element_type3A_257 = arith.truncf %mul3A_250 : vector<256x2048xf32> to vector<256x2048xbf16>
    %dot_general3A_258 = arith.constant dense<0.000000e+00> : vector<256x64xf32>
    %dot_general3A_259 = tpu.matmul %convert_element_type3A_257, %get3A_256, %dot_general3A_258 {dimension_numbers = #tpu.dot_dimension_numbers<[1], [0], [0], [1], [0, 0, 1, 1], [], []>, transpose_lhs_hint = false} : vector<256x2048xbf16>, vector<2048x64xbf16>, vector<256x64xf32> -> vector<256x64xf32>
    %get3A_260 = arith.constant 0 : index
    %get3A_261 = arith.constant 0 : index
    %get3A_262 = arith.constant 512 : index
    %get3A_263 = vector.load %arg2[%get3A_260, %get3A_261, %get3A_262] : memref<1x256x768xf32, #tpu.memory_space<vmem>>, vector<1x256x64xf32>
    %get3A_264 = vector.shape_cast %get3A_263 : vector<1x256x64xf32> to vector<256x64xf32>
    %get3A_265 = arith.constant 0 : index
    %get3A_266 = arith.constant 512 : index
    %get3A_267 = arith.constant 0 : index
    %get3A_268 = vector.load %arg3[%get3A_265, %get3A_266, %get3A_267] : memref<1x768x2048xf32, #tpu.memory_space<vmem>>, vector<1x64x2048xf32>
    %get3A_269 = vector.shape_cast %get3A_268 : vector<1x64x2048xf32> to vector<64x2048xf32>
    %dot_general3A_270 = arith.constant dense<0.000000e+00> : vector<256x2048xf32>
    %dot_general3A_271 = tpu.matmul %get3A_264, %get3A_269, %dot_general3A_270 {dimension_numbers = #tpu.dot_dimension_numbers<[1], [0], [0], [1], [0, 0, 1, 1], [], []>, transpose_lhs_hint = false} : vector<256x64xf32>, vector<64x2048xf32>, vector<256x2048xf32> -> vector<256x2048xf32>
    %div3A_272 = arith.constant 8.000000e+00 : f32
    %div3A_273 = vector.broadcast %div3A_272 : f32 to vector<256x2048xf32>
    %div3A_274 = arith.divf %dot_general3A_271, %div3A_273 : vector<256x2048xf32>
    %exp3A_275 = math.exp %div3A_274 : vector<256x2048xf32>
    %reduce_sum3A_276 = arith.constant dense<0.000000e+00> : vector<256xf32>
    %reduce_sum3A_277 = vector.multi_reduction <add>, %exp3A_275, %reduce_sum3A_276 [1] : vector<256x2048xf32> to vector<256xf32>
    %broadcast_in_dim3A_278 = vector.shape_cast %reduce_sum3A_277 : vector<256xf32> to vector<256x1xf32>
    %div3A_279 = arith.constant 1.000000e+00 : f32
    %div3A_280 = vector.broadcast %div3A_279 : f32 to vector<256x1xf32>
    %div3A_281 = arith.divf %div3A_280, %broadcast_in_dim3A_278 : vector<256x1xf32>
    %mul3A_282 = vector.broadcast %div3A_281 : vector<256x1xf32> to vector<256x2048xf32>
    %mul3A_283 = arith.mulf %exp3A_275, %mul3A_282 : vector<256x2048xf32>
    %add3A_284 = arith.addf %add3A_251, %mul3A_283 : vector<256x2048xf32>
    %get3A_285 = arith.constant 0 : index
    %get3A_286 = arith.constant 0 : index
    %get3A_287 = arith.constant 512 : index
    %get3A_288 = vector.load %arg4[%get3A_285, %get3A_286, %get3A_287] : memref<1x2048x768xbf16, #tpu.memory_space<vmem>>, vector<1x2048x64xbf16>
    %get3A_289 = vector.shape_cast %get3A_288 : vector<1x2048x64xbf16> to vector<2048x64xbf16>
    %convert_element_type3A_290 = arith.truncf %mul3A_283 : vector<256x2048xf32> to vector<256x2048xbf16>
    %dot_general3A_291 = arith.constant dense<0.000000e+00> : vector<256x64xf32>
    %dot_general3A_292 = tpu.matmul %convert_element_type3A_290, %get3A_289, %dot_general3A_291 {dimension_numbers = #tpu.dot_dimension_numbers<[1], [0], [0], [1], [0, 0, 1, 1], [], []>, transpose_lhs_hint = false} : vector<256x2048xbf16>, vector<2048x64xbf16>, vector<256x64xf32> -> vector<256x64xf32>
    %get3A_293 = arith.constant 0 : index
    %get3A_294 = arith.constant 0 : index
    %get3A_295 = arith.constant 576 : index
    %get3A_296 = vector.load %arg2[%get3A_293, %get3A_294, %get3A_295] : memref<1x256x768xf32, #tpu.memory_space<vmem>>, vector<1x256x64xf32>
    %get3A_297 = vector.shape_cast %get3A_296 : vector<1x256x64xf32> to vector<256x64xf32>
    %get3A_298 = arith.constant 0 : index
    %get3A_299 = arith.constant 576 : index
    %get3A_300 = arith.constant 0 : index
    %get3A_301 = vector.load %arg3[%get3A_298, %get3A_299, %get3A_300] : memref<1x768x2048xf32, #tpu.memory_space<vmem>>, vector<1x64x2048xf32>
    %get3A_302 = vector.shape_cast %get3A_301 : vector<1x64x2048xf32> to vector<64x2048xf32>
    %dot_general3A_303 = arith.constant dense<0.000000e+00> : vector<256x2048xf32>
    %dot_general3A_304 = tpu.matmul %get3A_297, %get3A_302, %dot_general3A_303 {dimension_numbers = #tpu.dot_dimension_numbers<[1], [0], [0], [1], [0, 0, 1, 1], [], []>, transpose_lhs_hint = false} : vector<256x64xf32>, vector<64x2048xf32>, vector<256x2048xf32> -> vector<256x2048xf32>
    %div3A_305 = arith.constant 8.000000e+00 : f32
    %div3A_306 = vector.broadcast %div3A_305 : f32 to vector<256x2048xf32>
    %div3A_307 = arith.divf %dot_general3A_304, %div3A_306 : vector<256x2048xf32>
    %exp3A_308 = math.exp %div3A_307 : vector<256x2048xf32>
    %reduce_sum3A_309 = arith.constant dense<0.000000e+00> : vector<256xf32>
    %reduce_sum3A_310 = vector.multi_reduction <add>, %exp3A_308, %reduce_sum3A_309 [1] : vector<256x2048xf32> to vector<256xf32>
    %broadcast_in_dim3A_311 = vector.shape_cast %reduce_sum3A_310 : vector<256xf32> to vector<256x1xf32>
    %div3A_312 = arith.constant 1.000000e+00 : f32
    %div3A_313 = vector.broadcast %div3A_312 : f32 to vector<256x1xf32>
    %div3A_314 = arith.divf %div3A_313, %broadcast_in_dim3A_311 : vector<256x1xf32>
    %mul3A_315 = vector.broadcast %div3A_314 : vector<256x1xf32> to vector<256x2048xf32>
    %mul3A_316 = arith.mulf %exp3A_308, %mul3A_315 : vector<256x2048xf32>
    %add3A_317 = arith.addf %add3A_284, %mul3A_316 : vector<256x2048xf32>
    %get3A_318 = arith.constant 0 : index
    %get3A_319 = arith.constant 0 : index
    %get3A_320 = arith.constant 576 : index
    %get3A_321 = vector.load %arg4[%get3A_318, %get3A_319, %get3A_320] : memref<1x2048x768xbf16, #tpu.memory_space<vmem>>, vector<1x2048x64xbf16>
    %get3A_322 = vector.shape_cast %get3A_321 : vector<1x2048x64xbf16> to vector<2048x64xbf16>
    %convert_element_type3A_323 = arith.truncf %mul3A_316 : vector<256x2048xf32> to vector<256x2048xbf16>
    %dot_general3A_324 = arith.constant dense<0.000000e+00> : vector<256x64xf32>
    %dot_general3A_325 = tpu.matmul %convert_element_type3A_323, %get3A_322, %dot_general3A_324 {dimension_numbers = #tpu.dot_dimension_numbers<[1], [0], [0], [1], [0, 0, 1, 1], [], []>, transpose_lhs_hint = false} : vector<256x2048xbf16>, vector<2048x64xbf16>, vector<256x64xf32> -> vector<256x64xf32>
    %get3A_326 = arith.constant 0 : index
    %get3A_327 = arith.constant 0 : index
    %get3A_328 = arith.constant 640 : index
    %get3A_329 = vector.load %arg2[%get3A_326, %get3A_327, %get3A_328] : memref<1x256x768xf32, #tpu.memory_space<vmem>>, vector<1x256x64xf32>
    %get3A_330 = vector.shape_cast %get3A_329 : vector<1x256x64xf32> to vector<256x64xf32>
    %get3A_331 = arith.constant 0 : index
    %get3A_332 = arith.constant 640 : index
    %get3A_333 = arith.constant 0 : index
    %get3A_334 = vector.load %arg3[%get3A_331, %get3A_332, %get3A_333] : memref<1x768x2048xf32, #tpu.memory_space<vmem>>, vector<1x64x2048xf32>
    %get3A_335 = vector.shape_cast %get3A_334 : vector<1x64x2048xf32> to vector<64x2048xf32>
    %dot_general3A_336 = arith.constant dense<0.000000e+00> : vector<256x2048xf32>
    %dot_general3A_337 = tpu.matmul %get3A_330, %get3A_335, %dot_general3A_336 {dimension_numbers = #tpu.dot_dimension_numbers<[1], [0], [0], [1], [0, 0, 1, 1], [], []>, transpose_lhs_hint = false} : vector<256x64xf32>, vector<64x2048xf32>, vector<256x2048xf32> -> vector<256x2048xf32>
    %div3A_338 = arith.constant 8.000000e+00 : f32
    %div3A_339 = vector.broadcast %div3A_338 : f32 to vector<256x2048xf32>
    %div3A_340 = arith.divf %dot_general3A_337, %div3A_339 : vector<256x2048xf32>
    %exp3A_341 = math.exp %div3A_340 : vector<256x2048xf32>
    %reduce_sum3A_342 = arith.constant dense<0.000000e+00> : vector<256xf32>
    %reduce_sum3A_343 = vector.multi_reduction <add>, %exp3A_341, %reduce_sum3A_342 [1] : vector<256x2048xf32> to vector<256xf32>
    %broadcast_in_dim3A_344 = vector.shape_cast %reduce_sum3A_343 : vector<256xf32> to vector<256x1xf32>
    %div3A_345 = arith.constant 1.000000e+00 : f32
    %div3A_346 = vector.broadcast %div3A_345 : f32 to vector<256x1xf32>
    %div3A_347 = arith.divf %div3A_346, %broadcast_in_dim3A_344 : vector<256x1xf32>
    %mul3A_348 = vector.broadcast %div3A_347 : vector<256x1xf32> to vector<256x2048xf32>
    %mul3A_349 = arith.mulf %exp3A_341, %mul3A_348 : vector<256x2048xf32>
    %add3A_350 = arith.addf %add3A_317, %mul3A_349 : vector<256x2048xf32>
    %get3A_351 = arith.constant 0 : index
    %get3A_352 = arith.constant 0 : index
    %get3A_353 = arith.constant 640 : index
    %get3A_354 = vector.load %arg4[%get3A_351, %get3A_352, %get3A_353] : memref<1x2048x768xbf16, #tpu.memory_space<vmem>>, vector<1x2048x64xbf16>
    %get3A_355 = vector.shape_cast %get3A_354 : vector<1x2048x64xbf16> to vector<2048x64xbf16>
    %convert_element_type3A_356 = arith.truncf %mul3A_349 : vector<256x2048xf32> to vector<256x2048xbf16>
    %dot_general3A_357 = arith.constant dense<0.000000e+00> : vector<256x64xf32>
    %dot_general3A_358 = tpu.matmul %convert_element_type3A_356, %get3A_355, %dot_general3A_357 {dimension_numbers = #tpu.dot_dimension_numbers<[1], [0], [0], [1], [0, 0, 1, 1], [], []>, transpose_lhs_hint = false} : vector<256x2048xbf16>, vector<2048x64xbf16>, vector<256x64xf32> -> vector<256x64xf32>
    %get3A_359 = arith.constant 0 : index
    %get3A_360 = arith.constant 0 : index
    %get3A_361 = arith.constant 704 : index
    %get3A_362 = vector.load %arg2[%get3A_359, %get3A_360, %get3A_361] : memref<1x256x768xf32, #tpu.memory_space<vmem>>, vector<1x256x64xf32>
    %get3A_363 = vector.shape_cast %get3A_362 : vector<1x256x64xf32> to vector<256x64xf32>
    %get3A_364 = arith.constant 0 : index
    %get3A_365 = arith.constant 704 : index
    %get3A_366 = arith.constant 0 : index
    %get3A_367 = vector.load %arg3[%get3A_364, %get3A_365, %get3A_366] : memref<1x768x2048xf32, #tpu.memory_space<vmem>>, vector<1x64x2048xf32>
    %get3A_368 = vector.shape_cast %get3A_367 : vector<1x64x2048xf32> to vector<64x2048xf32>
    %dot_general3A_369 = arith.constant dense<0.000000e+00> : vector<256x2048xf32>
    %dot_general3A_370 = tpu.matmul %get3A_363, %get3A_368, %dot_general3A_369 {dimension_numbers = #tpu.dot_dimension_numbers<[1], [0], [0], [1], [0, 0, 1, 1], [], []>, transpose_lhs_hint = false} : vector<256x64xf32>, vector<64x2048xf32>, vector<256x2048xf32> -> vector<256x2048xf32>
    %div3A_371 = arith.constant 8.000000e+00 : f32
    %div3A_372 = vector.broadcast %div3A_371 : f32 to vector<256x2048xf32>
    %div3A_373 = arith.divf %dot_general3A_370, %div3A_372 : vector<256x2048xf32>
    %exp3A_374 = math.exp %div3A_373 : vector<256x2048xf32>
    %reduce_sum3A_375 = arith.constant dense<0.000000e+00> : vector<256xf32>
    %reduce_sum3A_376 = vector.multi_reduction <add>, %exp3A_374, %reduce_sum3A_375 [1] : vector<256x2048xf32> to vector<256xf32>
    %broadcast_in_dim3A_377 = vector.shape_cast %reduce_sum3A_376 : vector<256xf32> to vector<256x1xf32>
    %div3A_378 = arith.constant 1.000000e+00 : f32
    %div3A_379 = vector.broadcast %div3A_378 : f32 to vector<256x1xf32>
    %div3A_380 = arith.divf %div3A_379, %broadcast_in_dim3A_377 : vector<256x1xf32>
    %mul3A_381 = vector.broadcast %div3A_380 : vector<256x1xf32> to vector<256x2048xf32>
    %mul3A_382 = arith.mulf %exp3A_374, %mul3A_381 : vector<256x2048xf32>
    %add3A_383 = arith.addf %add3A_350, %mul3A_382 : vector<256x2048xf32>
    %get3A_384 = arith.constant 0 : index
    %get3A_385 = arith.constant 0 : index
    %get3A_386 = arith.constant 704 : index
    %get3A_387 = vector.load %arg4[%get3A_384, %get3A_385, %get3A_386] : memref<1x2048x768xbf16, #tpu.memory_space<vmem>>, vector<1x2048x64xbf16>
    %get3A_388 = vector.shape_cast %get3A_387 : vector<1x2048x64xbf16> to vector<2048x64xbf16>
    %convert_element_type3A_389 = arith.truncf %mul3A_382 : vector<256x2048xf32> to vector<256x2048xbf16>
    %dot_general3A_390 = arith.constant dense<0.000000e+00> : vector<256x64xf32>
    %dot_general3A_391 = tpu.matmul %convert_element_type3A_389, %get3A_388, %dot_general3A_390 {dimension_numbers = #tpu.dot_dimension_numbers<[1], [0], [0], [1], [0, 0, 1, 1], [], []>, transpose_lhs_hint = false} : vector<256x2048xbf16>, vector<2048x64xbf16>, vector<256x64xf32> -> vector<256x64xf32>
    %concatenate3A = tpu.concatenate %dot_general3A_28, %dot_general3A_61, %dot_general3A_94, %dot_general3A_127, %dot_general3A_160, %dot_general3A_193, %dot_general3A_226, %dot_general3A_259, %dot_general3A_292, %dot_general3A_325, %dot_general3A_358, %dot_general3A_391 in 1 : vector<256x64xf32>, vector<256x64xf32>, vector<256x64xf32>, vector<256x64xf32>, vector<256x64xf32>, vector<256x64xf32>, vector<256x64xf32>, vector<256x64xf32>, vector<256x64xf32>, vector<256x64xf32>, vector<256x64xf32>, vector<256x64xf32> -> vector<256x768xf32>
    %swap3A = arith.constant 0 : index
    %swap3A_392 = arith.constant 0 : index
    %swap3A_393 = arith.constant 0 : index
    %swap3A_394 = vector.load %arg5[%swap3A, %swap3A_392, %swap3A_393] : memref<1x256x768xf32, #tpu.memory_space<vmem>>, vector<1x256x768xf32>
    %swap3A_395 = vector.shape_cast %swap3A_394 : vector<1x256x768xf32> to vector<256x768xf32>
    %swap3A_396 = vector.shape_cast %concatenate3A : vector<256x768xf32> to vector<1x256x768xf32>
    tpu.vector_store %arg5[%swap3A, %swap3A_392, %swap3A_393], %swap3A_396 {strides = array<i32>} : memref<1x256x768xf32, #tpu.memory_space<vmem>>, vector<1x256x768xf32>,
    %div3A_397 = arith.constant 1.200000e+01 : f32
    %div3A_398 = vector.broadcast %div3A_397 : f32 to vector<256x2048xf32>
    %div3A_399 = arith.divf %add3A_383, %div3A_398 : vector<256x2048xf32>
    %get3A_400 = arith.constant 0 : index
    %get3A_401 = arith.constant 0 : index
    %get3A_402 = vector.load %arg7[%get3A_400, %get3A_401] : memref<8x2048xf32, #tpu.memory_space<vmem>>, vector<8x2048xf32>
    %slice3A = vector.extract_strided_slice %div3A_399 {offsets = [0, 0], sizes = [8, 2048], strides = [1, 1]} : vector<256x2048xf32> to vector<8x2048xf32>
    %add3A_403 = arith.addf %get3A_402, %slice3A : vector<8x2048xf32>
    %slice3A_404 = vector.extract_strided_slice %div3A_399 {offsets = [8, 0], sizes = [8, 2048], strides = [1, 1]} : vector<256x2048xf32> to vector<8x2048xf32>
    %add3A_405 = arith.addf %add3A_403, %slice3A_404 : vector<8x2048xf32>
    %slice3A_406 = vector.extract_strided_slice %div3A_399 {offsets = [16, 0], sizes = [8, 2048], strides = [1, 1]} : vector<256x2048xf32> to vector<8x2048xf32>
    %add3A_407 = arith.addf %add3A_405, %slice3A_406 : vector<8x2048xf32>
    %slice3A_408 = vector.extract_strided_slice %div3A_399 {offsets = [24, 0], sizes = [8, 2048], strides = [1, 1]} : vector<256x2048xf32> to vector<8x2048xf32>
    %add3A_409 = arith.addf %add3A_407, %slice3A_408 : vector<8x2048xf32>
    %slice3A_410 = vector.extract_strided_slice %div3A_399 {offsets = [32, 0], sizes = [8, 2048], strides = [1, 1]} : vector<256x2048xf32> to vector<8x2048xf32>
    %add3A_411 = arith.addf %add3A_409, %slice3A_410 : vector<8x2048xf32>
    %slice3A_412 = vector.extract_strided_slice %div3A_399 {offsets = [40, 0], sizes = [8, 2048], strides = [1, 1]} : vector<256x2048xf32> to vector<8x2048xf32>
    %add3A_413 = arith.addf %add3A_411, %slice3A_412 : vector<8x2048xf32>
    %slice3A_414 = vector.extract_strided_slice %div3A_399 {offsets = [48, 0], sizes = [8, 2048], strides = [1, 1]} : vector<256x2048xf32> to vector<8x2048xf32>
    %add3A_415 = arith.addf %add3A_413, %slice3A_414 : vector<8x2048xf32>
    %slice3A_416 = vector.extract_strided_slice %div3A_399 {offsets = [56, 0], sizes = [8, 2048], strides = [1, 1]} : vector<256x2048xf32> to vector<8x2048xf32>
    %add3A_417 = arith.addf %add3A_415, %slice3A_416 : vector<8x2048xf32>
    %slice3A_418 = vector.extract_strided_slice %div3A_399 {offsets = [64, 0], sizes = [8, 2048], strides = [1, 1]} : vector<256x2048xf32> to vector<8x2048xf32>
    %add3A_419 = arith.addf %add3A_417, %slice3A_418 : vector<8x2048xf32>
    %slice3A_420 = vector.extract_strided_slice %div3A_399 {offsets = [72, 0], sizes = [8, 2048], strides = [1, 1]} : vector<256x2048xf32> to vector<8x2048xf32>
    %add3A_421 = arith.addf %add3A_419, %slice3A_420 : vector<8x2048xf32>
    %slice3A_422 = vector.extract_strided_slice %div3A_399 {offsets = [80, 0], sizes = [8, 2048], strides = [1, 1]} : vector<256x2048xf32> to vector<8x2048xf32>
    %add3A_423 = arith.addf %add3A_421, %slice3A_422 : vector<8x2048xf32>
    %slice3A_424 = vector.extract_strided_slice %div3A_399 {offsets = [88, 0], sizes = [8, 2048], strides = [1, 1]} : vector<256x2048xf32> to vector<8x2048xf32>
    %add3A_425 = arith.addf %add3A_423, %slice3A_424 : vector<8x2048xf32>
    %slice3A_426 = vector.extract_strided_slice %div3A_399 {offsets = [96, 0], sizes = [8, 2048], strides = [1, 1]} : vector<256x2048xf32> to vector<8x2048xf32>
    %add3A_427 = arith.addf %add3A_425, %slice3A_426 : vector<8x2048xf32>
    %slice3A_428 = vector.extract_strided_slice %div3A_399 {offsets = [104, 0], sizes = [8, 2048], strides = [1, 1]} : vector<256x2048xf32> to vector<8x2048xf32>
    %add3A_429 = arith.addf %add3A_427, %slice3A_428 : vector<8x2048xf32>
    %slice3A_430 = vector.extract_strided_slice %div3A_399 {offsets = [112, 0], sizes = [8, 2048], strides = [1, 1]} : vector<256x2048xf32> to vector<8x2048xf32>
    %add3A_431 = arith.addf %add3A_429, %slice3A_430 : vector<8x2048xf32>
    %slice3A_432 = vector.extract_strided_slice %div3A_399 {offsets = [120, 0], sizes = [8, 2048], strides = [1, 1]} : vector<256x2048xf32> to vector<8x2048xf32>
    %add3A_433 = arith.addf %add3A_431, %slice3A_432 : vector<8x2048xf32>
    %slice3A_434 = vector.extract_strided_slice %div3A_399 {offsets = [128, 0], sizes = [8, 2048], strides = [1, 1]} : vector<256x2048xf32> to vector<8x2048xf32>
    %add3A_435 = arith.addf %add3A_433, %slice3A_434 : vector<8x2048xf32>
    %slice3A_436 = vector.extract_strided_slice %div3A_399 {offsets = [136, 0], sizes = [8, 2048], strides = [1, 1]} : vector<256x2048xf32> to vector<8x2048xf32>
    %add3A_437 = arith.addf %add3A_435, %slice3A_436 : vector<8x2048xf32>
    %slice3A_438 = vector.extract_strided_slice %div3A_399 {offsets = [144, 0], sizes = [8, 2048], strides = [1, 1]} : vector<256x2048xf32> to vector<8x2048xf32>
    %add3A_439 = arith.addf %add3A_437, %slice3A_438 : vector<8x2048xf32>
    %slice3A_440 = vector.extract_strided_slice %div3A_399 {offsets = [152, 0], sizes = [8, 2048], strides = [1, 1]} : vector<256x2048xf32> to vector<8x2048xf32>
    %add3A_441 = arith.addf %add3A_439, %slice3A_440 : vector<8x2048xf32>
    %slice3A_442 = vector.extract_strided_slice %div3A_399 {offsets = [160, 0], sizes = [8, 2048], strides = [1, 1]} : vector<256x2048xf32> to vector<8x2048xf32>
    %add3A_443 = arith.addf %add3A_441, %slice3A_442 : vector<8x2048xf32>
    %slice3A_444 = vector.extract_strided_slice %div3A_399 {offsets = [168, 0], sizes = [8, 2048], strides = [1, 1]} : vector<256x2048xf32> to vector<8x2048xf32>
    %add3A_445 = arith.addf %add3A_443, %slice3A_444 : vector<8x2048xf32>
    %slice3A_446 = vector.extract_strided_slice %div3A_399 {offsets = [176, 0], sizes = [8, 2048], strides = [1, 1]} : vector<256x2048xf32> to vector<8x2048xf32>
    %add3A_447 = arith.addf %add3A_445, %slice3A_446 : vector<8x2048xf32>
    %slice3A_448 = vector.extract_strided_slice %div3A_399 {offsets = [184, 0], sizes = [8, 2048], strides = [1, 1]} : vector<256x2048xf32> to vector<8x2048xf32>
    %add3A_449 = arith.addf %add3A_447, %slice3A_448 : vector<8x2048xf32>
    %slice3A_450 = vector.extract_strided_slice %div3A_399 {offsets = [192, 0], sizes = [8, 2048], strides = [1, 1]} : vector<256x2048xf32> to vector<8x2048xf32>
    %add3A_451 = arith.addf %add3A_449, %slice3A_450 : vector<8x2048xf32>
    %slice3A_452 = vector.extract_strided_slice %div3A_399 {offsets = [200, 0], sizes = [8, 2048], strides = [1, 1]} : vector<256x2048xf32> to vector<8x2048xf32>
    %add3A_453 = arith.addf %add3A_451, %slice3A_452 : vector<8x2048xf32>
    %slice3A_454 = vector.extract_strided_slice %div3A_399 {offsets = [208, 0], sizes = [8, 2048], strides = [1, 1]} : vector<256x2048xf32> to vector<8x2048xf32>
    %add3A_455 = arith.addf %add3A_453, %slice3A_454 : vector<8x2048xf32>
    %slice3A_456 = vector.extract_strided_slice %div3A_399 {offsets = [216, 0], sizes = [8, 2048], strides = [1, 1]} : vector<256x2048xf32> to vector<8x2048xf32>
    %add3A_457 = arith.addf %add3A_455, %slice3A_456 : vector<8x2048xf32>
    %slice3A_458 = vector.extract_strided_slice %div3A_399 {offsets = [224, 0], sizes = [8, 2048], strides = [1, 1]} : vector<256x2048xf32> to vector<8x2048xf32>
    %add3A_459 = arith.addf %add3A_457, %slice3A_458 : vector<8x2048xf32>
    %slice3A_460 = vector.extract_strided_slice %div3A_399 {offsets = [232, 0], sizes = [8, 2048], strides = [1, 1]} : vector<256x2048xf32> to vector<8x2048xf32>
    %add3A_461 = arith.addf %add3A_459, %slice3A_460 : vector<8x2048xf32>
    %slice3A_462 = vector.extract_strided_slice %div3A_399 {offsets = [240, 0], sizes = [8, 2048], strides = [1, 1]} : vector<256x2048xf32> to vector<8x2048xf32>
    %add3A_463 = arith.addf %add3A_461, %slice3A_462 : vector<8x2048xf32>
    %slice3A_464 = vector.extract_strided_slice %div3A_399 {offsets = [248, 0], sizes = [8, 2048], strides = [1, 1]} : vector<256x2048xf32> to vector<8x2048xf32>
    %add3A_465 = arith.addf %add3A_463, %slice3A_464 : vector<8x2048xf32>
    %swap3A_466 = arith.constant 0 : index
    %swap3A_467 = arith.constant 0 : index
    %swap3A_468 = vector.load %arg7[%swap3A_466, %swap3A_467] : memref<8x2048xf32, #tpu.memory_space<vmem>>, vector<8x2048xf32>
    tpu.vector_store %arg7[%swap3A_466, %swap3A_467], %add3A_465 {strides = array<i32>} : memref<8x2048xf32, #tpu.memory_space<vmem>>, vector<8x2048xf32>,
    %eq3A_469 = arith.constant 7 : i32
    %eq3A_470 = arith.cmpi eq, %arg1, %eq3A_469 : i32
    %convert_element_type3A_471 = arith.extui %eq3A_470 : i1 to i32
    %cond3A_472 = arith.constant 0 : i32
    %cond3A_473 = arith.cmpi ne, %convert_element_type3A_471, %cond3A_472 : i32
    scf.if %cond3A_473 {
      %get3A_474 = arith.constant 0 : index
      %get3A_475 = arith.constant 0 : index
      %get3A_476 = vector.load %arg7[%get3A_474, %get3A_475] : memref<8x2048xf32, #tpu.memory_space<vmem>>, vector<8x2048xf32>
      %slice3A_477 = vector.extract_strided_slice %get3A_476 {offsets = [0, 0], sizes = [1, 2048], strides = [1, 1]} : vector<8x2048xf32> to vector<1x2048xf32>
      %slice3A_478 = vector.extract_strided_slice %get3A_476 {offsets = [4, 0], sizes = [1, 2048], strides = [1, 1]} : vector<8x2048xf32> to vector<1x2048xf32>
      %add3A_479 = arith.addf %slice3A_477, %slice3A_478 : vector<1x2048xf32>
      %slice3A_480 = vector.extract_strided_slice %get3A_476 {offsets = [1, 0], sizes = [1, 2048], strides = [1, 1]} : vector<8x2048xf32> to vector<1x2048xf32>
      %slice3A_481 = vector.extract_strided_slice %get3A_476 {offsets = [5, 0], sizes = [1, 2048], strides = [1, 1]} : vector<8x2048xf32> to vector<1x2048xf32>
      %add3A_482 = arith.addf %slice3A_480, %slice3A_481 : vector<1x2048xf32>
      %slice3A_483 = vector.extract_strided_slice %get3A_476 {offsets = [2, 0], sizes = [1, 2048], strides = [1, 1]} : vector<8x2048xf32> to vector<1x2048xf32>
      %slice3A_484 = vector.extract_strided_slice %get3A_476 {offsets = [6, 0], sizes = [1, 2048], strides = [1, 1]} : vector<8x2048xf32> to vector<1x2048xf32>
      %add3A_485 = arith.addf %slice3A_483, %slice3A_484 : vector<1x2048xf32>
      %slice3A_486 = vector.extract_strided_slice %get3A_476 {offsets = [3, 0], sizes = [1, 2048], strides = [1, 1]} : vector<8x2048xf32> to vector<1x2048xf32>
      %slice3A_487 = vector.extract_strided_slice %get3A_476 {offsets = [7, 0], sizes = [1, 2048], strides = [1, 1]} : vector<8x2048xf32> to vector<1x2048xf32>
      %add3A_488 = arith.addf %slice3A_486, %slice3A_487 : vector<1x2048xf32>
      %add3A_489 = arith.addf %add3A_479, %add3A_485 : vector<1x2048xf32>
      %add3A_490 = arith.addf %add3A_482, %add3A_488 : vector<1x2048xf32>
      %add3A_491 = arith.addf %add3A_489, %add3A_490 : vector<1x2048xf32>
      %swap3A_492 = arith.constant 0 : index
      %swap3A_493 = arith.constant 0 : index
      %swap3A_494 = arith.constant 0 : index
      %swap3A_495 = vector.load %arg6[%swap3A_492, %swap3A_493, %swap3A_494] : memref<1x1x2048xf32, #tpu.memory_space<vmem>>, vector<1x1x2048xf32>
      %swap3A_496 = vector.shape_cast %swap3A_495 : vector<1x1x2048xf32> to vector<1x2048xf32>
      %swap3A_497 = vector.shape_cast %add3A_491 : vector<1x2048xf32> to vector<1x1x2048xf32>
      tpu.vector_store %arg6[%swap3A_492, %swap3A_493, %swap3A_494], %swap3A_497 {strides = array<i32>} : memref<1x1x2048xf32, #tpu.memory_space<vmem>>, vector<1x1x2048xf32>,
    } else {
    }
    return
  }
  func.func @transform_0(%arg0: i32, %arg1: i32) -> (i32, i32, i32) {
    %c0_i32 = arith.constant 0 : i32
    %c0_i32_0 = arith.constant 0 : i32
    return %arg0, %arg1, %c0_i32 : i32, i32, i32
  }
  func.func @transform_1(%arg0: i32, %arg1: i32) -> (i32, i32, i32) {
    %c0_i32 = arith.constant 0 : i32
    %c0_i32_0 = arith.constant 0 : i32
    %c0_i32_1 = arith.constant 0 : i32
    return %arg0, %c0_i32, %c0_i32_0 : i32, i32, i32
  }
  func.func @transform_2(%arg0: i32, %arg1: i32) -> (i32, i32, i32) {
    %c0_i32 = arith.constant 0 : i32
    %c0_i32_0 = arith.constant 0 : i32
    %c0_i32_1 = arith.constant 0 : i32
    return %arg0, %c0_i32, %c0_i32_0 : i32, i32, i32
  }
  func.func @transform_3(%arg0: i32, %arg1: i32) -> (i32, i32, i32) {
    %c0_i32 = arith.constant 0 : i32
    %c0_i32_0 = arith.constant 0 : i32
    return %arg0, %arg1, %c0_i32 : i32, i32, i32
  }
  func.func @transform_4(%arg0: i32, %arg1: i32) -> (i32, i32, i32) {
    %c0_i32 = arith.constant 0 : i32
    %c0_i32_0 = arith.constant 0 : i32
    %c0_i32_1 = arith.constant 0 : i32
    return %arg0, %c0_i32, %c0_i32_0 : i32, i32, i32
  }
}

module attributes {stable_mosaic.version = 14 : i64} {
  func.func @_qkv_body(%arg0: i32, %arg1: i32, %arg2: memref<1x512x768xf32, #tpu.memory_space<vmem>>, %arg3: memref<768x2304xf32, #tpu.memory_space<vmem>>, %arg4: memref<2304xf32, #tpu.memory_space<vmem>>, %arg5: memref<1x512x768xf32, #tpu.memory_space<vmem>>, %arg6: memref<1x768x512xf32, #tpu.memory_space<vmem>>, %arg7: memref<1x512x768xbf16, #tpu.memory_space<vmem>>) attributes {dimension_semantics = [#tpu.dimension_semantics<arbitrary>, #tpu.dimension_semantics<arbitrary>], iteration_bounds = array<i64: 4, 4>, scalar_prefetch = 0 : i64, scratch_operands = 0 : i64, tpu.core_type = #tpu.core_type<tc>, window_params = [{transform_indices = @transform_0, window_bounds = array<i64: 1, 512, 768>}, {pipeline_mode = #tpu.pipeline_mode<synchronous>, transform_indices = @transform_1, window_bounds = array<i64: 768, 2304>}, {pipeline_mode = #tpu.pipeline_mode<synchronous>, transform_indices = @transform_2, window_bounds = array<i64: 2304>}, {transform_indices = @transform_3, window_bounds = array<i64: 1, 512, 768>}, {transform_indices = @transform_4, window_bounds = array<i64: 1, 768, 512>}, {transform_indices = @transform_5, window_bounds = array<i64: 1, 512, 768>}]} {
    %get3A = arith.constant 0 : index
    %get3A_0 = arith.constant 0 : index
    %get3A_1 = arith.constant 0 : index
    %get3A_2 = vector.load %arg2[%get3A, %get3A_0, %get3A_1] : memref<1x512x768xf32, #tpu.memory_space<vmem>>, vector<1x512x768xf32>
    %get3A_3 = vector.shape_cast %get3A_2 : vector<1x512x768xf32> to vector<512x768xf32>
    %get3A_4 = arith.constant 0 : index
    %get3A_5 = arith.constant 0 : index
    %get3A_6 = vector.load %arg3[%get3A_4, %get3A_5] : memref<768x2304xf32, #tpu.memory_space<vmem>>, vector<768x2304xf32>
    %dot_general3A = arith.constant dense<0.000000e+00> : vector<512x2304xf32>
    %dot_general3A_7 = tpu.matmul %get3A_3, %get3A_6, %dot_general3A {dimension_numbers = #tpu.dot_dimension_numbers<[1], [0], [0], [1], [0, 0, 1, 1], [], []>, transpose_lhs_hint = false} : vector<512x768xf32>, vector<768x2304xf32>, vector<512x2304xf32> -> vector<512x2304xf32>
    %get3A_8 = arith.constant 0 : index
    %get3A_9 = vector.load %arg4[%get3A_8] : memref<2304xf32, #tpu.memory_space<vmem>>, vector<2304xf32>
    %broadcast_in_dim3A = vector.shape_cast %get3A_9 : vector<2304xf32> to vector<1x2304xf32>
    %add3A = vector.broadcast %broadcast_in_dim3A : vector<1x2304xf32> to vector<512x2304xf32>
    %add3A_10 = arith.addf %dot_general3A_7, %add3A : vector<512x2304xf32>
    %slice3A = vector.extract_strided_slice %add3A_10 {offsets = [0, 0], sizes = [512, 768], strides = [1, 1]} : vector<512x2304xf32> to vector<512x768xf32>
    %swap3A = arith.constant 0 : index
    %swap3A_11 = arith.constant 0 : index
    %swap3A_12 = arith.constant 0 : index
    %swap3A_13 = vector.load %arg5[%swap3A, %swap3A_11, %swap3A_12] : memref<1x512x768xf32, #tpu.memory_space<vmem>>, vector<1x512x768xf32>
    %swap3A_14 = vector.shape_cast %swap3A_13 : vector<1x512x768xf32> to vector<512x768xf32>
    %swap3A_15 = vector.shape_cast %slice3A : vector<512x768xf32> to vector<1x512x768xf32>
    tpu.vector_store %arg5[%swap3A, %swap3A_11, %swap3A_12], %swap3A_15 {strides = array<i32>} : memref<1x512x768xf32, #tpu.memory_space<vmem>>, vector<1x512x768xf32>,
    %slice3A_16 = vector.extract_strided_slice %add3A_10 {offsets = [0, 768], sizes = [512, 768], strides = [1, 1]} : vector<512x2304xf32> to vector<512x768xf32>
    %transpose3A = tpu.transpose %slice3A_16, [1, 0] : vector<512x768xf32> -> vector<768x512xf32>
    %swap3A_17 = arith.constant 0 : index
    %swap3A_18 = arith.constant 0 : index
    %swap3A_19 = arith.constant 0 : index
    %swap3A_20 = vector.load %arg6[%swap3A_17, %swap3A_18, %swap3A_19] : memref<1x768x512xf32, #tpu.memory_space<vmem>>, vector<1x768x512xf32>
    %swap3A_21 = vector.shape_cast %swap3A_20 : vector<1x768x512xf32> to vector<768x512xf32>
    %swap3A_22 = vector.shape_cast %transpose3A : vector<768x512xf32> to vector<1x768x512xf32>
    tpu.vector_store %arg6[%swap3A_17, %swap3A_18, %swap3A_19], %swap3A_22 {strides = array<i32>} : memref<1x768x512xf32, #tpu.memory_space<vmem>>, vector<1x768x512xf32>,
    %slice3A_23 = vector.extract_strided_slice %add3A_10 {offsets = [0, 1536], sizes = [512, 768], strides = [1, 1]} : vector<512x2304xf32> to vector<512x768xf32>
    %convert_element_type3A = arith.truncf %slice3A_23 : vector<512x768xf32> to vector<512x768xbf16>
    %swap3A_24 = arith.constant 0 : index
    %swap3A_25 = arith.constant 0 : index
    %swap3A_26 = arith.constant 0 : index
    %swap3A_27 = vector.load %arg7[%swap3A_24, %swap3A_25, %swap3A_26] : memref<1x512x768xbf16, #tpu.memory_space<vmem>>, vector<1x512x768xbf16>
    %swap3A_28 = vector.shape_cast %swap3A_27 : vector<1x512x768xbf16> to vector<512x768xbf16>
    %swap3A_29 = vector.shape_cast %convert_element_type3A : vector<512x768xbf16> to vector<1x512x768xbf16>
    tpu.vector_store %arg7[%swap3A_24, %swap3A_25, %swap3A_26], %swap3A_29 {strides = array<i32>} : memref<1x512x768xbf16, #tpu.memory_space<vmem>>, vector<1x512x768xbf16>,
    return
  }
  func.func @transform_0(%arg0: i32, %arg1: i32) -> (i32, i32, i32) {
    %c0_i32 = arith.constant 0 : i32
    %c0_i32_0 = arith.constant 0 : i32
    return %arg0, %arg1, %c0_i32 : i32, i32, i32
  }
  func.func @transform_1(%arg0: i32, %arg1: i32) -> (i32, i32) {
    %c0_i32 = arith.constant 0 : i32
    %c0_i32_0 = arith.constant 0 : i32
    %c0_i32_1 = arith.constant 0 : i32
    return %c0_i32, %c0_i32_0 : i32, i32
  }
  func.func @transform_2(%arg0: i32, %arg1: i32) -> i32 {
    %c0_i32 = arith.constant 0 : i32
    %c0_i32_0 = arith.constant 0 : i32
    return %c0_i32 : i32
  }
  func.func @transform_3(%arg0: i32, %arg1: i32) -> (i32, i32, i32) {
    %c0_i32 = arith.constant 0 : i32
    %c0_i32_0 = arith.constant 0 : i32
    return %arg0, %arg1, %c0_i32 : i32, i32, i32
  }
  func.func @transform_4(%arg0: i32, %arg1: i32) -> (i32, i32, i32) {
    %c0_i32 = arith.constant 0 : i32
    %c0_i32_0 = arith.constant 0 : i32
    return %arg0, %c0_i32, %arg1 : i32, i32, i32
  }
  func.func @transform_5(%arg0: i32, %arg1: i32) -> (i32, i32, i32) {
    %c0_i32 = arith.constant 0 : i32
    %c0_i32_0 = arith.constant 0 : i32
    return %arg0, %arg1, %c0_i32 : i32, i32, i32
  }
}

module attributes {stable_mosaic.version = 14 : i64} {
  func.func @_select_body(%arg0: i32, %arg1: memref<1x2048x1xf32, #tpu.memory_space<vmem>>, %arg2: memref<1x1x2048xi32, #tpu.memory_space<vmem>>) attributes {dimension_semantics = [#tpu.dimension_semantics<arbitrary>], iteration_bounds = array<i64: 4>, scalar_prefetch = 0 : i64, scratch_operands = 0 : i64, tpu.core_type = #tpu.core_type<tc>, window_params = [{transform_indices = @transform_0, window_bounds = array<i64: 1, 2048, 1>}, {transform_indices = @transform_1, window_bounds = array<i64: 1, 1, 2048>}]} {
    %get3A = arith.constant 0 : index
    %get3A_0 = arith.constant 0 : index
    %get3A_1 = arith.constant 0 : index
    %get3A_2 = vector.load %arg1[%get3A, %get3A_0, %get3A_1] : memref<1x2048x1xf32, #tpu.memory_space<vmem>>, vector<1x2048x1xf32>
    %get3A_3 = vector.shape_cast %get3A_2 : vector<1x2048x1xf32> to vector<2048x1xf32>
    %bitcast_convert_type3A = tpu.bitcast %get3A_3 : vector<2048x1xf32> -> vector<2048x1xi32>
    %broadcast_in_dim3A = arith.constant 0 : i32
    %broadcast_in_dim3A_4 = vector.broadcast %broadcast_in_dim3A : i32 to vector<1x1xi32>
    %broadcast_in_dim3A_5 = arith.constant 2139095039 : i32
    %broadcast_in_dim3A_6 = vector.broadcast %broadcast_in_dim3A_5 : i32 to vector<1x1xi32>
    %scan3A = arith.constant 0 : i32
    %scan3A_7 = arith.constant 31 : i32
    %scan3A_8 = arith.addi %scan3A, %scan3A_7 : i32
    %scan3A_9 = arith.constant 1 : i32
    %scan3A_10:2 = scf.for %scan3A_161 = %scan3A to %scan3A_8 step %scan3A_9 iter_args(%scan3A_162 = %broadcast_in_dim3A_4, %scan3A_163 = %broadcast_in_dim3A_6) -> (vector<1x1xi32>, vector<1x1xi32>)  : i32 {
      %sub3A_164 = arith.subi %scan3A_163, %scan3A_162 : vector<1x1xi32>
      %add3A_165 = arith.constant 1 : i32
      %add3A_166 = vector.broadcast %add3A_165 : i32 to vector<1x1xi32>
      %add3A_167 = arith.addi %sub3A_164, %add3A_166 : vector<1x1xi32>
      %shift_right_logical3A_168 = arith.constant 1 : i32
      %shift_right_logical3A_169 = vector.broadcast %shift_right_logical3A_168 : i32 to vector<1x1xi32>
      %shift_right_logical3A_170 = arith.shrui %add3A_167, %shift_right_logical3A_169 : vector<1x1xi32>
      %add3A_171 = arith.addi %scan3A_162, %shift_right_logical3A_170 : vector<1x1xi32>
      %ge3A = vector.broadcast %add3A_171 : vector<1x1xi32> to vector<2048x1xi32>
      %ge3A_172 = arith.cmpi sge, %bitcast_convert_type3A, %ge3A : vector<2048x1xi32>
      %convert_element_type3A_173 = arith.extui %ge3A_172 : vector<2048x1xi1> to vector<2048x1xi32>
      %reduce_sum3A_174 = vector.shape_cast %convert_element_type3A_173 : vector<2048x1xi32> to vector<1x2048x1xi32>
      %reduce_sum3A_175 = arith.constant dense<0> : vector<1xi32>
      %reduce_sum3A_176 = vector.multi_reduction <add>, %reduce_sum3A_174, %reduce_sum3A_175 [1, 2] : vector<1x2048x1xi32> to vector<1xi32>
      %reduce_sum3A_177 = vector.shape_cast %reduce_sum3A_176 : vector<1xi32> to vector<1x1x1xi32>
      %reduce_sum3A_178 = vector.extract %reduce_sum3A_177[0, 0, 0] : i32 from vector<1x1x1xi32>
      %broadcast_in_dim3A_179 = vector.broadcast %reduce_sum3A_178 : i32 to vector<1x1xi32>
      %ge3A_180 = arith.constant 1024 : i32
      %ge3A_181 = vector.broadcast %ge3A_180 : i32 to vector<1x1xi32>
      %ge3A_182 = arith.cmpi sge, %broadcast_in_dim3A_179, %ge3A_181 : vector<1x1xi32>
      %select_n3A = arith.select %ge3A_182, %add3A_171, %scan3A_162 : vector<1x1xi1>, vector<1x1xi32>
      %sub3A_183 = arith.constant 1 : i32
      %sub3A_184 = vector.broadcast %sub3A_183 : i32 to vector<1x1xi32>
      %sub3A_185 = arith.subi %add3A_171, %sub3A_184 : vector<1x1xi32>
      %select_n3A_186 = arith.select %ge3A_182, %scan3A_163, %sub3A_185 : vector<1x1xi1>, vector<1x1xi32>
      scf.yield %select_n3A, %select_n3A_186 : vector<1x1xi32>, vector<1x1xi32>
    }
    %gt3A = vector.broadcast %scan3A_10#0 : vector<1x1xi32> to vector<2048x1xi32>
    %gt3A_11 = arith.cmpi sgt, %bitcast_convert_type3A, %gt3A : vector<2048x1xi32>
    %eq3A = vector.broadcast %scan3A_10#0 : vector<1x1xi32> to vector<2048x1xi32>
    %eq3A_12 = arith.cmpi eq, %bitcast_convert_type3A, %eq3A : vector<2048x1xi32>
    %convert_element_type3A = arith.extui %gt3A_11 : vector<2048x1xi1> to vector<2048x1xi32>
    %reduce_sum3A = vector.shape_cast %convert_element_type3A : vector<2048x1xi32> to vector<1x2048x1xi32>
    %reduce_sum3A_13 = arith.constant dense<0> : vector<1xi32>
    %reduce_sum3A_14 = vector.multi_reduction <add>, %reduce_sum3A, %reduce_sum3A_13 [1, 2] : vector<1x2048x1xi32> to vector<1xi32>
    %reduce_sum3A_15 = vector.shape_cast %reduce_sum3A_14 : vector<1xi32> to vector<1x1x1xi32>
    %reduce_sum3A_16 = vector.extract %reduce_sum3A_15[0, 0, 0] : i32 from vector<1x1x1xi32>
    %broadcast_in_dim3A_17 = vector.broadcast %reduce_sum3A_16 : i32 to vector<1x1xi32>
    %sub3A = arith.constant 1024 : i32
    %sub3A_18 = vector.broadcast %sub3A : i32 to vector<1x1xi32>
    %sub3A_19 = arith.subi %sub3A_18, %broadcast_in_dim3A_17 : vector<1x1xi32>
    %convert_element_type3A_20 = arith.extui %eq3A_12 : vector<2048x1xi1> to vector<2048x1xi32>
    %jit3A = arith.constant 0 : i32
    %pad3A = vector.broadcast %jit3A : i32 to vector<1x1xi32>
    %pad3A_21 = tpu.concatenate %pad3A, %convert_element_type3A_20 in 0 : vector<1x1xi32>, vector<2048x1xi32> -> vector<2049x1xi32>
    %slice3A = vector.extract_strided_slice %pad3A_21 {offsets = [0, 0], sizes = [2048, 1], strides = [1, 1]} : vector<2049x1xi32> to vector<2048x1xi32>
    %add3A = arith.addi %convert_element_type3A_20, %slice3A : vector<2048x1xi32>
    %jit3A_22 = arith.constant 0 : i32
    %pad3A_23 = vector.broadcast %jit3A_22 : i32 to vector<2x1xi32>
    %pad3A_24 = tpu.concatenate %pad3A_23, %add3A in 0 : vector<2x1xi32>, vector<2048x1xi32> -> vector<2050x1xi32>
    %slice3A_25 = vector.extract_strided_slice %pad3A_24 {offsets = [0, 0], sizes = [2048, 1], strides = [1, 1]} : vector<2050x1xi32> to vector<2048x1xi32>
    %add3A_26 = arith.addi %add3A, %slice3A_25 : vector<2048x1xi32>
    %jit3A_27 = arith.constant 0 : i32
    %pad3A_28 = vector.broadcast %jit3A_27 : i32 to vector<4x1xi32>
    %pad3A_29 = tpu.concatenate %pad3A_28, %add3A_26 in 0 : vector<4x1xi32>, vector<2048x1xi32> -> vector<2052x1xi32>
    %slice3A_30 = vector.extract_strided_slice %pad3A_29 {offsets = [0, 0], sizes = [2048, 1], strides = [1, 1]} : vector<2052x1xi32> to vector<2048x1xi32>
    %add3A_31 = arith.addi %add3A_26, %slice3A_30 : vector<2048x1xi32>
    %jit3A_32 = arith.constant 0 : i32
    %pad3A_33 = vector.broadcast %jit3A_32 : i32 to vector<8x1xi32>
    %pad3A_34 = tpu.concatenate %pad3A_33, %add3A_31 in 0 : vector<8x1xi32>, vector<2048x1xi32> -> vector<2056x1xi32>
    %slice3A_35 = vector.extract_strided_slice %pad3A_34 {offsets = [0, 0], sizes = [2048, 1], strides = [1, 1]} : vector<2056x1xi32> to vector<2048x1xi32>
    %add3A_36 = arith.addi %add3A_31, %slice3A_35 : vector<2048x1xi32>
    %jit3A_37 = arith.constant 0 : i32
    %pad3A_38 = vector.broadcast %jit3A_37 : i32 to vector<16x1xi32>
    %pad3A_39 = tpu.concatenate %pad3A_38, %add3A_36 in 0 : vector<16x1xi32>, vector<2048x1xi32> -> vector<2064x1xi32>
    %slice3A_40 = vector.extract_strided_slice %pad3A_39 {offsets = [0, 0], sizes = [2048, 1], strides = [1, 1]} : vector<2064x1xi32> to vector<2048x1xi32>
    %add3A_41 = arith.addi %add3A_36, %slice3A_40 : vector<2048x1xi32>
    %jit3A_42 = arith.constant 0 : i32
    %pad3A_43 = vector.broadcast %jit3A_42 : i32 to vector<32x1xi32>
    %pad3A_44 = tpu.concatenate %pad3A_43, %add3A_41 in 0 : vector<32x1xi32>, vector<2048x1xi32> -> vector<2080x1xi32>
    %slice3A_45 = vector.extract_strided_slice %pad3A_44 {offsets = [0, 0], sizes = [2048, 1], strides = [1, 1]} : vector<2080x1xi32> to vector<2048x1xi32>
    %add3A_46 = arith.addi %add3A_41, %slice3A_45 : vector<2048x1xi32>
    %jit3A_47 = arith.constant 0 : i32
    %pad3A_48 = vector.broadcast %jit3A_47 : i32 to vector<64x1xi32>
    %pad3A_49 = tpu.concatenate %pad3A_48, %add3A_46 in 0 : vector<64x1xi32>, vector<2048x1xi32> -> vector<2112x1xi32>
    %slice3A_50 = vector.extract_strided_slice %pad3A_49 {offsets = [0, 0], sizes = [2048, 1], strides = [1, 1]} : vector<2112x1xi32> to vector<2048x1xi32>
    %add3A_51 = arith.addi %add3A_46, %slice3A_50 : vector<2048x1xi32>
    %jit3A_52 = arith.constant 0 : i32
    %pad3A_53 = vector.broadcast %jit3A_52 : i32 to vector<128x1xi32>
    %pad3A_54 = tpu.concatenate %pad3A_53, %add3A_51 in 0 : vector<128x1xi32>, vector<2048x1xi32> -> vector<2176x1xi32>
    %slice3A_55 = vector.extract_strided_slice %pad3A_54 {offsets = [0, 0], sizes = [2048, 1], strides = [1, 1]} : vector<2176x1xi32> to vector<2048x1xi32>
    %add3A_56 = arith.addi %add3A_51, %slice3A_55 : vector<2048x1xi32>
    %jit3A_57 = arith.constant 0 : i32
    %pad3A_58 = vector.broadcast %jit3A_57 : i32 to vector<256x1xi32>
    %pad3A_59 = tpu.concatenate %pad3A_58, %add3A_56 in 0 : vector<256x1xi32>, vector<2048x1xi32> -> vector<2304x1xi32>
    %slice3A_60 = vector.extract_strided_slice %pad3A_59 {offsets = [0, 0], sizes = [2048, 1], strides = [1, 1]} : vector<2304x1xi32> to vector<2048x1xi32>
    %add3A_61 = arith.addi %add3A_56, %slice3A_60 : vector<2048x1xi32>
    %jit3A_62 = arith.constant 0 : i32
    %pad3A_63 = vector.broadcast %jit3A_62 : i32 to vector<512x1xi32>
    %pad3A_64 = tpu.concatenate %pad3A_63, %add3A_61 in 0 : vector<512x1xi32>, vector<2048x1xi32> -> vector<2560x1xi32>
    %slice3A_65 = vector.extract_strided_slice %pad3A_64 {offsets = [0, 0], sizes = [2048, 1], strides = [1, 1]} : vector<2560x1xi32> to vector<2048x1xi32>
    %add3A_66 = arith.addi %add3A_61, %slice3A_65 : vector<2048x1xi32>
    %jit3A_67 = arith.constant 0 : i32
    %pad3A_68 = vector.broadcast %jit3A_67 : i32 to vector<1024x1xi32>
    %pad3A_69 = tpu.concatenate %pad3A_68, %add3A_66 in 0 : vector<1024x1xi32>, vector<2048x1xi32> -> vector<3072x1xi32>
    %slice3A_70 = vector.extract_strided_slice %pad3A_69 {offsets = [0, 0], sizes = [2048, 1], strides = [1, 1]} : vector<3072x1xi32> to vector<2048x1xi32>
    %add3A_71 = arith.addi %add3A_66, %slice3A_70 : vector<2048x1xi32>
    %le3A = vector.broadcast %sub3A_19 : vector<1x1xi32> to vector<2048x1xi32>
    %le3A_72 = arith.cmpi sle, %add3A_71, %le3A : vector<2048x1xi32>
    %and3A = arith.andi %eq3A_12, %le3A_72 : vector<2048x1xi1>
    %or3A = arith.ori %gt3A_11, %and3A : vector<2048x1xi1>
    %convert_element_type3A_73 = arith.extui %or3A : vector<2048x1xi1> to vector<2048x1xi32>
    %jit3A_74 = arith.constant 0 : i32
    %pad3A_75 = vector.broadcast %jit3A_74 : i32 to vector<1x1xi32>
    %pad3A_76 = tpu.concatenate %pad3A_75, %convert_element_type3A_73 in 0 : vector<1x1xi32>, vector<2048x1xi32> -> vector<2049x1xi32>
    %slice3A_77 = vector.extract_strided_slice %pad3A_76 {offsets = [0, 0], sizes = [2048, 1], strides = [1, 1]} : vector<2049x1xi32> to vector<2048x1xi32>
    %add3A_78 = arith.addi %convert_element_type3A_73, %slice3A_77 : vector<2048x1xi32>
    %jit3A_79 = arith.constant 0 : i32
    %pad3A_80 = vector.broadcast %jit3A_79 : i32 to vector<2x1xi32>
    %pad3A_81 = tpu.concatenate %pad3A_80, %add3A_78 in 0 : vector<2x1xi32>, vector<2048x1xi32> -> vector<2050x1xi32>
    %slice3A_82 = vector.extract_strided_slice %pad3A_81 {offsets = [0, 0], sizes = [2048, 1], strides = [1, 1]} : vector<2050x1xi32> to vector<2048x1xi32>
    %add3A_83 = arith.addi %add3A_78, %slice3A_82 : vector<2048x1xi32>
    %jit3A_84 = arith.constant 0 : i32
    %pad3A_85 = vector.broadcast %jit3A_84 : i32 to vector<4x1xi32>
    %pad3A_86 = tpu.concatenate %pad3A_85, %add3A_83 in 0 : vector<4x1xi32>, vector<2048x1xi32> -> vector<2052x1xi32>
    %slice3A_87 = vector.extract_strided_slice %pad3A_86 {offsets = [0, 0], sizes = [2048, 1], strides = [1, 1]} : vector<2052x1xi32> to vector<2048x1xi32>
    %add3A_88 = arith.addi %add3A_83, %slice3A_87 : vector<2048x1xi32>
    %jit3A_89 = arith.constant 0 : i32
    %pad3A_90 = vector.broadcast %jit3A_89 : i32 to vector<8x1xi32>
    %pad3A_91 = tpu.concatenate %pad3A_90, %add3A_88 in 0 : vector<8x1xi32>, vector<2048x1xi32> -> vector<2056x1xi32>
    %slice3A_92 = vector.extract_strided_slice %pad3A_91 {offsets = [0, 0], sizes = [2048, 1], strides = [1, 1]} : vector<2056x1xi32> to vector<2048x1xi32>
    %add3A_93 = arith.addi %add3A_88, %slice3A_92 : vector<2048x1xi32>
    %jit3A_94 = arith.constant 0 : i32
    %pad3A_95 = vector.broadcast %jit3A_94 : i32 to vector<16x1xi32>
    %pad3A_96 = tpu.concatenate %pad3A_95, %add3A_93 in 0 : vector<16x1xi32>, vector<2048x1xi32> -> vector<2064x1xi32>
    %slice3A_97 = vector.extract_strided_slice %pad3A_96 {offsets = [0, 0], sizes = [2048, 1], strides = [1, 1]} : vector<2064x1xi32> to vector<2048x1xi32>
    %add3A_98 = arith.addi %add3A_93, %slice3A_97 : vector<2048x1xi32>
    %jit3A_99 = arith.constant 0 : i32
    %pad3A_100 = vector.broadcast %jit3A_99 : i32 to vector<32x1xi32>
    %pad3A_101 = tpu.concatenate %pad3A_100, %add3A_98 in 0 : vector<32x1xi32>, vector<2048x1xi32> -> vector<2080x1xi32>
    %slice3A_102 = vector.extract_strided_slice %pad3A_101 {offsets = [0, 0], sizes = [2048, 1], strides = [1, 1]} : vector<2080x1xi32> to vector<2048x1xi32>
    %add3A_103 = arith.addi %add3A_98, %slice3A_102 : vector<2048x1xi32>
    %jit3A_104 = arith.constant 0 : i32
    %pad3A_105 = vector.broadcast %jit3A_104 : i32 to vector<64x1xi32>
    %pad3A_106 = tpu.concatenate %pad3A_105, %add3A_103 in 0 : vector<64x1xi32>, vector<2048x1xi32> -> vector<2112x1xi32>
    %slice3A_107 = vector.extract_strided_slice %pad3A_106 {offsets = [0, 0], sizes = [2048, 1], strides = [1, 1]} : vector<2112x1xi32> to vector<2048x1xi32>
    %add3A_108 = arith.addi %add3A_103, %slice3A_107 : vector<2048x1xi32>
    %jit3A_109 = arith.constant 0 : i32
    %pad3A_110 = vector.broadcast %jit3A_109 : i32 to vector<128x1xi32>
    %pad3A_111 = tpu.concatenate %pad3A_110, %add3A_108 in 0 : vector<128x1xi32>, vector<2048x1xi32> -> vector<2176x1xi32>
    %slice3A_112 = vector.extract_strided_slice %pad3A_111 {offsets = [0, 0], sizes = [2048, 1], strides = [1, 1]} : vector<2176x1xi32> to vector<2048x1xi32>
    %add3A_113 = arith.addi %add3A_108, %slice3A_112 : vector<2048x1xi32>
    %jit3A_114 = arith.constant 0 : i32
    %pad3A_115 = vector.broadcast %jit3A_114 : i32 to vector<256x1xi32>
    %pad3A_116 = tpu.concatenate %pad3A_115, %add3A_113 in 0 : vector<256x1xi32>, vector<2048x1xi32> -> vector<2304x1xi32>
    %slice3A_117 = vector.extract_strided_slice %pad3A_116 {offsets = [0, 0], sizes = [2048, 1], strides = [1, 1]} : vector<2304x1xi32> to vector<2048x1xi32>
    %add3A_118 = arith.addi %add3A_113, %slice3A_117 : vector<2048x1xi32>
    %jit3A_119 = arith.constant 0 : i32
    %pad3A_120 = vector.broadcast %jit3A_119 : i32 to vector<512x1xi32>
    %pad3A_121 = tpu.concatenate %pad3A_120, %add3A_118 in 0 : vector<512x1xi32>, vector<2048x1xi32> -> vector<2560x1xi32>
    %slice3A_122 = vector.extract_strided_slice %pad3A_121 {offsets = [0, 0], sizes = [2048, 1], strides = [1, 1]} : vector<2560x1xi32> to vector<2048x1xi32>
    %add3A_123 = arith.addi %add3A_118, %slice3A_122 : vector<2048x1xi32>
    %jit3A_124 = arith.constant 0 : i32
    %pad3A_125 = vector.broadcast %jit3A_124 : i32 to vector<1024x1xi32>
    %pad3A_126 = tpu.concatenate %pad3A_125, %add3A_123 in 0 : vector<1024x1xi32>, vector<2048x1xi32> -> vector<3072x1xi32>
    %slice3A_127 = vector.extract_strided_slice %pad3A_126 {offsets = [0, 0], sizes = [2048, 1], strides = [1, 1]} : vector<3072x1xi32> to vector<2048x1xi32>
    %add3A_128 = arith.addi %add3A_123, %slice3A_127 : vector<2048x1xi32>
    %sub3A_129 = arith.constant 1 : i32
    %sub3A_130 = vector.broadcast %sub3A_129 : i32 to vector<2048x1xi32>
    %sub3A_131 = arith.subi %add3A_128, %sub3A_130 : vector<2048x1xi32>
    %iota3A = tpu.iota {dimensions = array<i32: 1>} : vector<2048x2048xi32>
    %shift_right_logical3A = arith.constant 1 : i32
    %shift_right_logical3A_132 = vector.broadcast %shift_right_logical3A : i32 to vector<2048x2048xi32>
    %shift_right_logical3A_133 = arith.shrui %iota3A, %shift_right_logical3A_132 : vector<2048x2048xi32>
    %iota3A_134 = tpu.iota {dimensions = array<i32: 1>} : vector<1x2048xi32>
    %and3A_135 = arith.constant 1 : i32
    %and3A_136 = vector.broadcast %and3A_135 : i32 to vector<1x2048xi32>
    %and3A_137 = arith.andi %iota3A_134, %and3A_136 : vector<1x2048xi32>
    %iota3A_138 = tpu.iota {dimensions = array<i32: 0>} : vector<2048x1xi32>
    %eq3A_139 = vector.broadcast %sub3A_131 : vector<2048x1xi32> to vector<2048x2048xi32>
    %eq3A_140 = arith.cmpi eq, %eq3A_139, %shift_right_logical3A_133 : vector<2048x2048xi32>
    %and3A_141 = vector.broadcast %or3A : vector<2048x1xi1> to vector<2048x2048xi1>
    %and3A_142 = arith.andi %eq3A_140, %and3A_141 : vector<2048x2048xi1>
    %convert_element_type3A_143 = arith.extui %and3A_142 : vector<2048x2048xi1> to vector<2048x2048xi32>
    %mul3A = vector.broadcast %iota3A_138 : vector<2048x1xi32> to vector<2048x2048xi32>
    %mul3A_144 = arith.muli %convert_element_type3A_143, %mul3A : vector<2048x2048xi32>
    %reduce_sum3A_145 = arith.constant dense<0> : vector<2048xi32>
    %reduce_sum3A_146 = vector.multi_reduction <add>, %mul3A_144, %reduce_sum3A_145 [0] : vector<2048x2048xi32> to vector<2048xi32>
    %broadcast_in_dim3A_147 = vector.shape_cast %reduce_sum3A_146 : vector<2048xi32> to vector<1x2048xi32>
    %mul3A_148 = arith.constant 2048 : i32
    %mul3A_149 = arith.muli %arg0, %mul3A_148 : i32
    %add3A_150 = vector.broadcast %mul3A_149 : i32 to vector<1x2048xi32>
    %add3A_151 = arith.addi %broadcast_in_dim3A_147, %add3A_150 : vector<1x2048xi32>
    %mul3A_152 = arith.constant 2 : i32
    %mul3A_153 = vector.broadcast %mul3A_152 : i32 to vector<1x2048xi32>
    %mul3A_154 = arith.muli %mul3A_153, %add3A_151 : vector<1x2048xi32>
    %add3A_155 = arith.addi %mul3A_154, %and3A_137 : vector<1x2048xi32>
    %swap3A = arith.constant 0 : index
    %swap3A_156 = arith.constant 0 : index
    %swap3A_157 = arith.constant 0 : index
    %swap3A_158 = vector.load %arg2[%swap3A, %swap3A_156, %swap3A_157] : memref<1x1x2048xi32, #tpu.memory_space<vmem>>, vector<1x1x2048xi32>
    %swap3A_159 = vector.shape_cast %swap3A_158 : vector<1x1x2048xi32> to vector<1x2048xi32>
    %swap3A_160 = vector.shape_cast %add3A_155 : vector<1x2048xi32> to vector<1x1x2048xi32>
    tpu.vector_store %arg2[%swap3A, %swap3A_156, %swap3A_157], %swap3A_160 {strides = array<i32>} : memref<1x1x2048xi32, #tpu.memory_space<vmem>>, vector<1x1x2048xi32>,
    return
  }
  func.func @transform_0(%arg0: i32) -> (i32, i32, i32) {
    %c0_i32 = arith.constant 0 : i32
    %c0_i32_0 = arith.constant 0 : i32
    %c0_i32_1 = arith.constant 0 : i32
    return %arg0, %c0_i32, %c0_i32_0 : i32, i32, i32
  }
  func.func @transform_1(%arg0: i32) -> (i32, i32, i32) {
    %c0_i32 = arith.constant 0 : i32
    %c0_i32_0 = arith.constant 0 : i32
    %c0_i32_1 = arith.constant 0 : i32
    return %arg0, %c0_i32, %c0_i32_0 : i32, i32, i32
  }
}

module attributes {stable_mosaic.version = 14 : i64} {
  func.func @_ffn_body(%arg0: i32, %arg1: memref<512x768xf32, #tpu.memory_space<vmem>>, %arg2: memref<512x768xf32, #tpu.memory_space<vmem>>, %arg3: memref<768x768xbf16, #tpu.memory_space<vmem>>, %arg4: memref<1x768xf32, #tpu.memory_space<vmem>>, %arg5: memref<1x768xf32, #tpu.memory_space<vmem>>, %arg6: memref<1x768xf32, #tpu.memory_space<vmem>>, %arg7: memref<1x768xf32, #tpu.memory_space<vmem>>, %arg8: memref<1x768xf32, #tpu.memory_space<vmem>>, %arg9: memref<768x3072xbf16, #tpu.memory_space<vmem>>, %arg10: memref<1x3072xf32, #tpu.memory_space<vmem>>, %arg11: memref<3072x768xbf16, #tpu.memory_space<vmem>>, %arg12: memref<1x768xf32, #tpu.memory_space<vmem>>, %arg13: memref<512x768xf32, #tpu.memory_space<vmem>>) attributes {dimension_semantics = [#tpu.dimension_semantics<arbitrary>], iteration_bounds = array<i64: 8>, scalar_prefetch = 0 : i64, scratch_operands = 0 : i64, tpu.core_type = #tpu.core_type<tc>, window_params = [{transform_indices = @transform_0, window_bounds = array<i64: 512, 768>}, {transform_indices = @transform_1, window_bounds = array<i64: 512, 768>}, {pipeline_mode = #tpu.pipeline_mode<synchronous>, transform_indices = @transform_2, window_bounds = array<i64: 768, 768>}, {pipeline_mode = #tpu.pipeline_mode<synchronous>, transform_indices = @transform_3, window_bounds = array<i64: 1, 768>}, {pipeline_mode = #tpu.pipeline_mode<synchronous>, transform_indices = @transform_4, window_bounds = array<i64: 1, 768>}, {pipeline_mode = #tpu.pipeline_mode<synchronous>, transform_indices = @transform_5, window_bounds = array<i64: 1, 768>}, {pipeline_mode = #tpu.pipeline_mode<synchronous>, transform_indices = @transform_6, window_bounds = array<i64: 1, 768>}, {pipeline_mode = #tpu.pipeline_mode<synchronous>, transform_indices = @transform_7, window_bounds = array<i64: 1, 768>}, {pipeline_mode = #tpu.pipeline_mode<synchronous>, transform_indices = @transform_8, window_bounds = array<i64: 768, 3072>}, {pipeline_mode = #tpu.pipeline_mode<synchronous>, transform_indices = @transform_9, window_bounds = array<i64: 1, 3072>}, {pipeline_mode = #tpu.pipeline_mode<synchronous>, transform_indices = @transform_10, window_bounds = array<i64: 3072, 768>}, {pipeline_mode = #tpu.pipeline_mode<synchronous>, transform_indices = @transform_11, window_bounds = array<i64: 1, 768>}, {transform_indices = @transform_12, window_bounds = array<i64: 512, 768>}]} {
    %get3A = arith.constant 0 : index
    %get3A_0 = arith.constant 0 : index
    %get3A_1 = vector.load %arg2[%get3A, %get3A_0] : memref<512x768xf32, #tpu.memory_space<vmem>>, vector<512x768xf32>
    %convert_element_type3A = arith.truncf %get3A_1 : vector<512x768xf32> to vector<512x768xbf16>
    %get3A_2 = arith.constant 0 : index
    %get3A_3 = arith.constant 0 : index
    %get3A_4 = vector.load %arg3[%get3A_2, %get3A_3] : memref<768x768xbf16, #tpu.memory_space<vmem>>, vector<768x768xbf16>
    %dot_general3A = arith.constant dense<0.000000e+00> : vector<512x768xf32>
    %dot_general3A_5 = tpu.matmul %convert_element_type3A, %get3A_4, %dot_general3A {dimension_numbers = #tpu.dot_dimension_numbers<[1], [0], [0], [1], [0, 0, 1, 1], [], []>, transpose_lhs_hint = false} : vector<512x768xbf16>, vector<768x768xbf16>, vector<512x768xf32> -> vector<512x768xf32>
    %get3A_6 = arith.constant 0 : index
    %get3A_7 = arith.constant 0 : index
    %get3A_8 = vector.load %arg4[%get3A_6, %get3A_7] : memref<1x768xf32, #tpu.memory_space<vmem>>, vector<1x768xf32>
    %add3A = vector.broadcast %get3A_8 : vector<1x768xf32> to vector<512x768xf32>
    %add3A_9 = arith.addf %dot_general3A_5, %add3A : vector<512x768xf32>
    %get3A_10 = arith.constant 0 : index
    %get3A_11 = arith.constant 0 : index
    %get3A_12 = vector.load %arg1[%get3A_10, %get3A_11] : memref<512x768xf32, #tpu.memory_space<vmem>>, vector<512x768xf32>
    %add3A_13 = arith.addf %get3A_12, %add3A_9 : vector<512x768xf32>
    %get3A_14 = arith.constant 0 : index
    %get3A_15 = arith.constant 0 : index
    %get3A_16 = vector.load %arg5[%get3A_14, %get3A_15] : memref<1x768xf32, #tpu.memory_space<vmem>>, vector<1x768xf32>
    %get3A_17 = arith.constant 0 : index
    %get3A_18 = arith.constant 0 : index
    %get3A_19 = vector.load %arg6[%get3A_17, %get3A_18] : memref<1x768xf32, #tpu.memory_space<vmem>>, vector<1x768xf32>
    %reduce_sum3A = arith.constant dense<0.000000e+00> : vector<512xf32>
    %reduce_sum3A_20 = vector.multi_reduction <add>, %add3A_13, %reduce_sum3A [1] : vector<512x768xf32> to vector<512xf32>
    %broadcast_in_dim3A = vector.shape_cast %reduce_sum3A_20 : vector<512xf32> to vector<512x1xf32>
    %div3A = arith.constant 7.680000e+02 : f32
    %div3A_21 = vector.broadcast %div3A : f32 to vector<512x1xf32>
    %div3A_22 = arith.divf %broadcast_in_dim3A, %div3A_21 : vector<512x1xf32>
    %sub3A = vector.broadcast %div3A_22 : vector<512x1xf32> to vector<512x768xf32>
    %sub3A_23 = arith.subf %add3A_13, %sub3A : vector<512x768xf32>
    %integer_pow3A = arith.mulf %sub3A_23, %sub3A_23 : vector<512x768xf32>
    %reduce_sum3A_24 = arith.constant dense<0.000000e+00> : vector<512xf32>
    %reduce_sum3A_25 = vector.multi_reduction <add>, %integer_pow3A, %reduce_sum3A_24 [1] : vector<512x768xf32> to vector<512xf32>
    %broadcast_in_dim3A_26 = vector.shape_cast %reduce_sum3A_25 : vector<512xf32> to vector<512x1xf32>
    %div3A_27 = arith.constant 7.680000e+02 : f32
    %div3A_28 = vector.broadcast %div3A_27 : f32 to vector<512x1xf32>
    %div3A_29 = arith.divf %broadcast_in_dim3A_26, %div3A_28 : vector<512x1xf32>
    %sub3A_30 = vector.broadcast %div3A_22 : vector<512x1xf32> to vector<512x768xf32>
    %sub3A_31 = arith.subf %add3A_13, %sub3A_30 : vector<512x768xf32>
    %add3A_32 = arith.constant 9.99999974E-6 : f32
    %add3A_33 = vector.broadcast %add3A_32 : f32 to vector<512x1xf32>
    %add3A_34 = arith.addf %div3A_29, %add3A_33 : vector<512x1xf32>
    %sqrt3A = math.sqrt %add3A_34 : vector<512x1xf32>
    %div3A_35 = vector.broadcast %sqrt3A : vector<512x1xf32> to vector<512x768xf32>
    %div3A_36 = arith.divf %sub3A_31, %div3A_35 : vector<512x768xf32>
    %mul3A = vector.broadcast %get3A_16 : vector<1x768xf32> to vector<512x768xf32>
    %mul3A_37 = arith.mulf %div3A_36, %mul3A : vector<512x768xf32>
    %add3A_38 = vector.broadcast %get3A_19 : vector<1x768xf32> to vector<512x768xf32>
    %add3A_39 = arith.addf %mul3A_37, %add3A_38 : vector<512x768xf32>
    %convert_element_type3A_40 = arith.truncf %add3A_39 : vector<512x768xf32> to vector<512x768xbf16>
    %get3A_41 = arith.constant 0 : index
    %get3A_42 = arith.constant 0 : index
    %get3A_43 = vector.load %arg9[%get3A_41, %get3A_42] : memref<768x3072xbf16, #tpu.memory_space<vmem>>, vector<768x3072xbf16>
    %dot_general3A_44 = arith.constant dense<0.000000e+00> : vector<512x3072xf32>
    %dot_general3A_45 = tpu.matmul %convert_element_type3A_40, %get3A_43, %dot_general3A_44 {dimension_numbers = #tpu.dot_dimension_numbers<[1], [0], [0], [1], [0, 0, 1, 1], [], []>, transpose_lhs_hint = false} : vector<512x768xbf16>, vector<768x3072xbf16>, vector<512x3072xf32> -> vector<512x3072xf32>
    %get3A_46 = arith.constant 0 : index
    %get3A_47 = arith.constant 0 : index
    %get3A_48 = vector.load %arg10[%get3A_46, %get3A_47] : memref<1x3072xf32, #tpu.memory_space<vmem>>, vector<1x3072xf32>
    %add3A_49 = vector.broadcast %get3A_48 : vector<1x3072xf32> to vector<512x3072xf32>
    %add3A_50 = arith.addf %dot_general3A_45, %add3A_49 : vector<512x3072xf32>
    %logistic3A = arith.negf %add3A_50 : vector<512x3072xf32>
    %logistic3A_51 = math.exp %logistic3A : vector<512x3072xf32>
    %logistic3A_52 = arith.constant 1.000000e+00 : f32
    %logistic3A_53 = vector.broadcast %logistic3A_52 : f32 to vector<512x3072xf32>
    %logistic3A_54 = arith.addf %logistic3A_53, %logistic3A_51 : vector<512x3072xf32>
    %logistic3A_55 = arith.divf %logistic3A_53, %logistic3A_54 : vector<512x3072xf32>
    %mul3A_56 = arith.mulf %add3A_50, %logistic3A_55 : vector<512x3072xf32>
    %convert_element_type3A_57 = arith.truncf %mul3A_56 : vector<512x3072xf32> to vector<512x3072xbf16>
    %get3A_58 = arith.constant 0 : index
    %get3A_59 = arith.constant 0 : index
    %get3A_60 = vector.load %arg11[%get3A_58, %get3A_59] : memref<3072x768xbf16, #tpu.memory_space<vmem>>, vector<3072x768xbf16>
    %dot_general3A_61 = arith.constant dense<0.000000e+00> : vector<512x768xf32>
    %dot_general3A_62 = tpu.matmul %convert_element_type3A_57, %get3A_60, %dot_general3A_61 {dimension_numbers = #tpu.dot_dimension_numbers<[1], [0], [0], [1], [0, 0, 1, 1], [], []>, transpose_lhs_hint = false} : vector<512x3072xbf16>, vector<3072x768xbf16>, vector<512x768xf32> -> vector<512x768xf32>
    %get3A_63 = arith.constant 0 : index
    %get3A_64 = arith.constant 0 : index
    %get3A_65 = vector.load %arg12[%get3A_63, %get3A_64] : memref<1x768xf32, #tpu.memory_space<vmem>>, vector<1x768xf32>
    %add3A_66 = vector.broadcast %get3A_65 : vector<1x768xf32> to vector<512x768xf32>
    %add3A_67 = arith.addf %dot_general3A_62, %add3A_66 : vector<512x768xf32>
    %add3A_68 = arith.addf %add3A_39, %add3A_67 : vector<512x768xf32>
    %get3A_69 = arith.constant 0 : index
    %get3A_70 = arith.constant 0 : index
    %get3A_71 = vector.load %arg7[%get3A_69, %get3A_70] : memref<1x768xf32, #tpu.memory_space<vmem>>, vector<1x768xf32>
    %get3A_72 = arith.constant 0 : index
    %get3A_73 = arith.constant 0 : index
    %get3A_74 = vector.load %arg8[%get3A_72, %get3A_73] : memref<1x768xf32, #tpu.memory_space<vmem>>, vector<1x768xf32>
    %reduce_sum3A_75 = arith.constant dense<0.000000e+00> : vector<512xf32>
    %reduce_sum3A_76 = vector.multi_reduction <add>, %add3A_68, %reduce_sum3A_75 [1] : vector<512x768xf32> to vector<512xf32>
    %broadcast_in_dim3A_77 = vector.shape_cast %reduce_sum3A_76 : vector<512xf32> to vector<512x1xf32>
    %div3A_78 = arith.constant 7.680000e+02 : f32
    %div3A_79 = vector.broadcast %div3A_78 : f32 to vector<512x1xf32>
    %div3A_80 = arith.divf %broadcast_in_dim3A_77, %div3A_79 : vector<512x1xf32>
    %sub3A_81 = vector.broadcast %div3A_80 : vector<512x1xf32> to vector<512x768xf32>
    %sub3A_82 = arith.subf %add3A_68, %sub3A_81 : vector<512x768xf32>
    %integer_pow3A_83 = arith.mulf %sub3A_82, %sub3A_82 : vector<512x768xf32>
    %reduce_sum3A_84 = arith.constant dense<0.000000e+00> : vector<512xf32>
    %reduce_sum3A_85 = vector.multi_reduction <add>, %integer_pow3A_83, %reduce_sum3A_84 [1] : vector<512x768xf32> to vector<512xf32>
    %broadcast_in_dim3A_86 = vector.shape_cast %reduce_sum3A_85 : vector<512xf32> to vector<512x1xf32>
    %div3A_87 = arith.constant 7.680000e+02 : f32
    %div3A_88 = vector.broadcast %div3A_87 : f32 to vector<512x1xf32>
    %div3A_89 = arith.divf %broadcast_in_dim3A_86, %div3A_88 : vector<512x1xf32>
    %sub3A_90 = vector.broadcast %div3A_80 : vector<512x1xf32> to vector<512x768xf32>
    %sub3A_91 = arith.subf %add3A_68, %sub3A_90 : vector<512x768xf32>
    %add3A_92 = arith.constant 9.99999974E-6 : f32
    %add3A_93 = vector.broadcast %add3A_92 : f32 to vector<512x1xf32>
    %add3A_94 = arith.addf %div3A_89, %add3A_93 : vector<512x1xf32>
    %sqrt3A_95 = math.sqrt %add3A_94 : vector<512x1xf32>
    %div3A_96 = vector.broadcast %sqrt3A_95 : vector<512x1xf32> to vector<512x768xf32>
    %div3A_97 = arith.divf %sub3A_91, %div3A_96 : vector<512x768xf32>
    %mul3A_98 = vector.broadcast %get3A_71 : vector<1x768xf32> to vector<512x768xf32>
    %mul3A_99 = arith.mulf %div3A_97, %mul3A_98 : vector<512x768xf32>
    %add3A_100 = vector.broadcast %get3A_74 : vector<1x768xf32> to vector<512x768xf32>
    %add3A_101 = arith.addf %mul3A_99, %add3A_100 : vector<512x768xf32>
    %swap3A = arith.constant 0 : index
    %swap3A_102 = arith.constant 0 : index
    %swap3A_103 = vector.load %arg13[%swap3A, %swap3A_102] : memref<512x768xf32, #tpu.memory_space<vmem>>, vector<512x768xf32>
    tpu.vector_store %arg13[%swap3A, %swap3A_102], %add3A_101 {strides = array<i32>} : memref<512x768xf32, #tpu.memory_space<vmem>>, vector<512x768xf32>,
    return
  }
  func.func @transform_0(%arg0: i32) -> (i32, i32) {
    %c0_i32 = arith.constant 0 : i32
    %c0_i32_0 = arith.constant 0 : i32
    return %arg0, %c0_i32 : i32, i32
  }
  func.func @transform_1(%arg0: i32) -> (i32, i32) {
    %c0_i32 = arith.constant 0 : i32
    %c0_i32_0 = arith.constant 0 : i32
    return %arg0, %c0_i32 : i32, i32
  }
  func.func @transform_2(%arg0: i32) -> (i32, i32) {
    %c0_i32 = arith.constant 0 : i32
    %c0_i32_0 = arith.constant 0 : i32
    %c0_i32_1 = arith.constant 0 : i32
    return %c0_i32, %c0_i32_0 : i32, i32
  }
  func.func @transform_3(%arg0: i32) -> (i32, i32) {
    %c0_i32 = arith.constant 0 : i32
    %c0_i32_0 = arith.constant 0 : i32
    %c0_i32_1 = arith.constant 0 : i32
    return %c0_i32, %c0_i32_0 : i32, i32
  }
  func.func @transform_4(%arg0: i32) -> (i32, i32) {
    %c0_i32 = arith.constant 0 : i32
    %c0_i32_0 = arith.constant 0 : i32
    %c0_i32_1 = arith.constant 0 : i32
    return %c0_i32, %c0_i32_0 : i32, i32
  }
  func.func @transform_5(%arg0: i32) -> (i32, i32) {
    %c0_i32 = arith.constant 0 : i32
    %c0_i32_0 = arith.constant 0 : i32
    %c0_i32_1 = arith.constant 0 : i32
    return %c0_i32, %c0_i32_0 : i32, i32
  }
  func.func @transform_6(%arg0: i32) -> (i32, i32) {
    %c0_i32 = arith.constant 0 : i32
    %c0_i32_0 = arith.constant 0 : i32
    %c0_i32_1 = arith.constant 0 : i32
    return %c0_i32, %c0_i32_0 : i32, i32
  }
  func.func @transform_7(%arg0: i32) -> (i32, i32) {
    %c0_i32 = arith.constant 0 : i32
    %c0_i32_0 = arith.constant 0 : i32
    %c0_i32_1 = arith.constant 0 : i32
    return %c0_i32, %c0_i32_0 : i32, i32
  }
  func.func @transform_8(%arg0: i32) -> (i32, i32) {
    %c0_i32 = arith.constant 0 : i32
    %c0_i32_0 = arith.constant 0 : i32
    %c0_i32_1 = arith.constant 0 : i32
    return %c0_i32, %c0_i32_0 : i32, i32
  }
  func.func @transform_9(%arg0: i32) -> (i32, i32) {
    %c0_i32 = arith.constant 0 : i32
    %c0_i32_0 = arith.constant 0 : i32
    %c0_i32_1 = arith.constant 0 : i32
    return %c0_i32, %c0_i32_0 : i32, i32
  }
  func.func @transform_10(%arg0: i32) -> (i32, i32) {
    %c0_i32 = arith.constant 0 : i32
    %c0_i32_0 = arith.constant 0 : i32
    %c0_i32_1 = arith.constant 0 : i32
    return %c0_i32, %c0_i32_0 : i32, i32
  }
  func.func @transform_11(%arg0: i32) -> (i32, i32) {
    %c0_i32 = arith.constant 0 : i32
    %c0_i32_0 = arith.constant 0 : i32
    %c0_i32_1 = arith.constant 0 : i32
    return %c0_i32, %c0_i32_0 : i32, i32
  }
  func.func @transform_12(%arg0: i32) -> (i32, i32) {
    %c0_i32 = arith.constant 0 : i32
    %c0_i32_0 = arith.constant 0 : i32
    return %arg0, %c0_i32 : i32, i32
  }
}

</mosaic_0001>

<sc_bundles>
// kernel: kernel.11.cloned.1.call-start
scs
__scs_entry_jumppad:
0x0: {  	(pc) =	sbr.rel $0x88, $3  }
0x1: {  	(tag) =	ssettag $0x0;
	lr =	simm.s32 $0x1  }
0x2: {  	[smem:$0x3F94] =	sst lr;
	_ =	strace $0xD0000000  }
0x3: {  	_ = 	snop  }
0x4: {  	_ = 	snop  }
0x5: {  	_ = 	snop  }
0x6: {  	_ = 	snop  }
0x7: {  	_ = 	snop  }
__scs_overlays_trampoline_lowered:
0x8: {  	[smem:$0x3FA3] =	sst s0  }
0x9: {  	[smem:$0x3FA4] =	sst s1  }
0xa: {  	[smem:$0x3FA5] =	sst s2  }
0xb: {  	[smem:$0x3FA6] =	sst s3  }
0xc: {  	[smem:$0x3FA7] =	sst s4  }
0xd: {  	[smem:$0x3FA8] =	sst s5  }
0xe: {  	[smem:$0x3FA9] =	sst s6  }
0xf: {  	[smem:$0x3FAA] =	sst s7  }
0x10: {  	[smem:$0x3FAB] =	sst s8  }
0x11: {  	[smem:$0x3FAC] =	sst s9;
	s0 =	simm.s32 @!p0 $0x0  }
0x12: {  	s1 =	sld [smem:$0x3F92];
	s0 =	simm.s32 @p0 $0x1  }
0x13: {  	[smem:$0x3FAD] =	sst s0;
	s0 =	simm.s32 @!p1 $0x0  }
0x14: {  	s2 =	sld [smem:$0x3F91];
	s0 =	simm.s32 @p1 $0x1  }
0x15: {  	[smem:$0x3FAE] =	sst s0;
	s0 =	simm.s32 @!p2 $0x0  }
0x16: {  	s3 =	sld [smem:$0x3FDB];
	s0 =	simm.s32 @p2 $0x1  }
0x17: {  	s4 =	simm.s32 $0x1BF5;
	[smem:$0x3FB0] =	sst s0  }
0x18: {  	s0 =	sld [smem:$0x3F93];
	_ =	swait.ge [sflag:s4], $0x0  }
0x19: {  	s7 =	sld [smem:$0x3F94]  }
0x1a: {  	s8 =	sadd.s32 $0xFFFFE003, lr  }
0x1b: {  	s9 =	sadd.s32 $0xFFFFFEF7, lr;
	s5 =	simm.s32 $0xFFFFFFFF;
	p2 =	slt.u32 s8, $0xFFFFF086  }
0x1c: {  	p1 =	slt.u32 s9, $0xF7A;
	s5 =	simm.s32 @!p2 $0x0  }
0x1d: {  	s5 =	simm.s32 @p1 $0x1;
	p0 =	seq.s32 s7, s2  }
0x1e: {  	s7 =	smul.u32 @!p0 $0xF7A, s2;
	p2 =	seq.s32 @!p0 s5, $0x0  }
0x1f: {  	s9 =	smul.u32 $0xF7A, s1;
	s8 =	simm.s32 @!p0 $0x1BF5;
	p2 =	por !p2, p0  }
0x20: {  	[sflag:s8] =	ssyncset.s32 @!p0 $0xFFFFF086;
	s6 =	sadd.s32 @!p0 s3, s7;
	s7 =	simm.s32 @!p0 $0x108  }
0x21: {  	s3 =	sadd.s32 s3, s9;
	s6 =	sadd.s32 @!p0 $0x88, s6;
	s7 =	simm.s32 @p2 $0x1082  }
0x22: {  	[simem:s7], [sflag:s8] =	dma.local @!p0 [hbm:s6], $0xF7A  }
0x23: {  	s9 =	sor.u32 $0xD0000000, s2;
	s6 =	simm.s32 $0x108;
	_ =	swait.ge @!p0 [sflag:s8], $0x0  }
0x24: {  	s3 =	sadd.s32 $0x88, s3;
	s6 =	simm.s32 @!p1 $0x1082;
	[sflag:s4] =	ssyncset.s32 $0xFFFFF086  }
0x25: {  	[simem:s6], [sflag:s4] =	dma.local [hbm:s3], $0xF7A  }
0x26: {  	[smem:$0x3F94] =	sst s1;
	(tag) =	ssettag s2;
	_ =	strace s9  }
0x27: {  	s1 =	sld [smem:$0x3FA4]  }
0x28: {  	s2 =	sld [smem:$0x3FA5]  }
0x29: {  	s4 =	sld [smem:$0x3FA7]  }
0x2a: {  	p0 =	seq.s32 s5, $0x0;
	s5 =	sld [smem:$0x3FA8]  }
0x2b: {  	s6 =	sld [smem:$0x3FA9]  }
0x2c: {  	s7 =	sld [smem:$0x3FAA]  }
0x2d: {  	s3 =	simm.s32 $0x108;
	s8 =	sld [smem:$0x3FAB]  }
0x2e: {  	s3 =	simm.s32 @!p0 $0x1082;
	s9 =	sld [smem:$0x3FAC]  }
0x2f: {  	lr =	sadd.s32 s0, s3;
	s0 =	sld [smem:$0x3FA3]  }
0x30: {  	s3 =	sld [smem:$0x3FA6]  }
0x31: {  	[smem:$0x3FAF] =	sst s10  }
0x32: {  	s10 =	sld [smem:$0x3FAD];
	_ =	sdelay $0x3  }
0x33: {  	p0 =	seq.s32 s10, $0x1;
	s10 =	sld [smem:$0x3FAF];
	_ =	sdelay $0x3  }
0x34: {  	[smem:$0x3FAF] =	sst s10  }
0x35: {  	s10 =	sld [smem:$0x3FAE];
	_ =	sdelay $0x3  }
0x36: {  	p1 =	seq.s32 s10, $0x1;
	s10 =	sld [smem:$0x3FAF];
	_ =	sdelay $0x3  }
0x37: {  	[smem:$0x3FAF] =	sst s10  }
0x38: {  	s10 =	sld [smem:$0x3FB0]  }
0x39: {  	_ = 	snop;
	(pc) =	sbr.ind lr, $3  }
0x3a: {  	_ = 	snop  }
0x3b: {  	_ = 	snop  }
0x3c: {  	p2 =	seq.s32 s10, $0x1;
	s10 =	sld [smem:$0x3FAF]  }
0x3d: {  	_ =	shalt  }
0x3e: {  	_ =	shalt  }
0x3f: {  	_ =	shalt  }
0x40: {  	_ =	shalt  }
0x41: {  	_ =	shalt  }
0x42: {  	_ =	shalt  }
0x43: {  	_ =	shalt  }
0x44: {  	_ =	shalt  }
0x45: {  	_ =	shalt  }
0x46: {  	_ =	shalt  }
0x47: {  	_ =	shalt  }
0x48: {  	_ =	shalt  }
0x49: {  	_ =	shalt  }
0x4a: {  	_ =	shalt  }
0x4b: {  	_ =	shalt  }
0x4c: {  	_ =	shalt  }
0x4d: {  	_ =	shalt  }
0x4e: {  	_ =	shalt  }
0x4f: {  	_ =	shalt  }
0x50: {  	_ =	shalt  }
0x51: {  	_ =	shalt  }
0x52: {  	_ =	shalt  }
0x53: {  	_ =	shalt  }
0x54: {  	_ =	shalt  }
0x55: {  	_ =	shalt  }
0x56: {  	_ =	shalt  }
0x57: {  	_ =	shalt  }
0x58: {  	_ =	shalt  }
0x59: {  	_ =	shalt  }
0x5a: {  	_ =	shalt  }
0x5b: {  	_ =	shalt  }
0x5c: {  	_ =	shalt  }
0x5d: {  	_ =	shalt  }
0x5e: {  	_ =	shalt  }
0x5f: {  	_ =	shalt  }
0x60: {  	_ =	shalt  }
0x61: {  	_ =	shalt  }
0x62: {  	_ =	shalt  }
0x63: {  	_ =	shalt  }
0x64: {  	_ =	shalt  }
0x65: {  	_ =	shalt  }
0x66: {  	_ =	shalt  }
0x67: {  	_ =	shalt  }
0x68: {  	_ =	shalt  }
0x69: {  	_ =	shalt  }
0x6a: {  	_ =	shalt  }
0x6b: {  	_ =	shalt  }
0x6c: {  	_ =	shalt  }
0x6d: {  	_ =	shalt  }
0x6e: {  	_ =	shalt  }
0x6f: {  	_ =	shalt  }
0x70: {  	_ =	shalt  }
0x71: {  	_ =	shalt  }
0x72: {  	_ =	shalt  }
0x73: {  	_ =	shalt  }
0x74: {  	_ =	shalt  }
0x75: {  	_ =	shalt  }
0x76: {  	_ =	shalt  }
0x77: {  	_ =	shalt  }
0x78: {  	_ =	shalt  }
0x79: {  	_ =	shalt  }
0x7a: {  	_ =	shalt  }
0x7b: {  	_ =	shalt  }
0x7c: {  	_ =	shalt  }
0x7d: {  	_ =	shalt  }
0x7e: {  	_ =	shalt  }
0x7f: {  	_ =	shalt  }
0x80: {  	_ =	shalt  }
0x81: {  	_ =	shalt  }
0x82: {  	_ =	shalt  }
0x83: {  	_ =	shalt  }
0x84: {  	_ =	shalt  }
0x85: {  	_ =	shalt  }
0x86: {  	_ =	shalt  }
0x87: {  	_ =	shalt  }
.Lfunc_end0:
.L_simem_size_0:
called_computation.1_lowered:
.L_overlay_start_0:
0x88: {  	s2 =	sld [smem:$0x3FD9]  }
0x89: {  	s3 =	sld [smem:$0x3FFE];
	_ =	sdelay $0x1  }
0x8a: {  	s1 =	srdreg.scid  }
0x8b: {  	s0 =	sand.u32 $0x1, s1  }
0x8c: {  	s16 =	sshll.u32 s0, $0xA;
	s2 =	sadd.s32 s3, s2  }
0x8d: {  	s2 =	sadd.s32 s2, s16  }
0x8e: {  	[smem:$0x3FBB] =	sst s2  }
0x8f: {  	_ = 	snop  }
0x90: {  	(tm) =	ssettm $0x1  }
0x91: {  	s17 =	sld [smem:$0x3FFB];
	_ =	sdelay $0x3  }
0x92: {  	_ =	strace s17  }
0x93: {  	s2 =	sld [smem:$0x3FFC];
	_ =	sdelay $0x3  }
0x94: {  	_ =	strace s2  }
0x95: {  	s2 =	sld [smem:$0x3FFD];
	_ =	sdelay $0x3  }
0x96: {  	_ =	strace s2  }
0x97: {  	_ =	strace $0x8FFFFFFF  }
0x98: {  	s18 =	sld [smem:$0x3FDB];
	_ =	sdelay $0x1  }
0x99: {  	s19 =	simm.s32 $_scs_section_size  }
0x9a: {  	s4 =	simm.s32 $_size__tile_overlayer_lowered;
	s5 =	simm.s32 $_tile_overlayer_lowered  }
0x9b: {  	s22 =	simm.s32 $0x1BFF;
	s21 =	sshll.u32 s5, $0x1;
	s2 =	sadd.s32 s19, s18  }
0x9c: {  	s6 =	simm.s32 $0x0;
	s20 =	sshll.u32 s4, $0x1;
	s4 =	sadd.s32 s21, s2  }
0x9d: {  	[timem:s6], [sflag:s22] =	dma.local [hbm:s4], s20  }
0x9e: {  	_ =	swait.ge [sflag:s22], s20  }
0x9f: {  	s3 =	ssub.s32 $0x0, s20;
	[sflag:s22] =	ssyncset.done $0x0  }
0xa0: {  	[sflag:s22] =	ssyncadd.s32 s3;
	_ =	sdelay $0x1  }
0xa1: {  	s23 =	simm.s32 $0x1B8B  }
0xa2: {  	_ =	swait.ge [sflag:s23], $0x1  }
0xa3: {  	[sflag:s23] =	ssyncset.done $0x0  }
0xa4: {  	s25 =	simm.s32 $0x1B8E;
	s24 =	sld [smem:$0x3FFE];
	[sflag:s23] =	ssyncadd.s32 $0xFFFFFFFF  }
0xa5: {  	s26 =	simm.s32 $execute0_lowered;
	[smem:$0x3FD2] =	sst s25  }
0xa6: {  	s4 =	sshll.u32 s26, $0x1;
	_ =	strace $0x80000046;
	[dreg:$0x1] =	wrdreg $0xFFFFFFFF  }
0xa7: {  	s28 =	simm.s32 $_size_execute0_lowered;
	s2 =	sadd.s32 s2, s4;
	[dreg:$0x0] =	wrdreg $0x0  }
0xa8: {  	s4 =	sshll.u32 s28, $0x1;
	[dreg:$0x2] =	wrdreg s2  }
0xa9: {  	[dreg:$0x3] =	wrdreg s4  }
0xaa: {  	[dreg:$0x4] =	wrdreg $0xC0  }
0xab: {  	_ =	task [dreg:s6], $0x5FFFF  }
0xac: {  	[dreg:$0x1] =	wrdreg $0xFFFFFFFF  }
0xad: {  	[dreg:$0x0] =	wrdreg $0x60  }
0xae: {  	[dreg:$0x2] =	wrdreg s24  }
0xaf: {  	[dreg:$0x3] =	wrdreg $0xA  }
0xb0: {  	_ =	task.clear_ibuf [dreg:s6], $0x4FFFF;
	_ =	strace $0x90000046  }
0xb1: {  	s29 =	simm.s32 $0xA;
	_ =	strace $0x8000004F  }
0xb2: {  	_ =	swait.ge [sflag:s29], $0x1  }
0xb3: {  	[sflag:s29] =	ssyncadd.s32 $0xFFFFFFFF  }
0xb4: {  	_ =	strace $0x9000004F  }
0xb5: {  	_ =	sfence  }
0xb6: {  	s30 =	sld [smem:$0x0];
	_ =	sdelay $0x2  }
0xb7: {  	s31 =	sshll.u32 s1, $0xD;
	s1 =	sshrl.u32 s1, $0x2  }
0xb8: {  	s3 =	sand.u32 $0x4000, s31;
	s1 =	sadd.s32 s1, s30  }
0xb9: {  	s0 =	sor.u32 s3, s0;
	s1 =	sshll.u32 s1, $0x11  }
0xba: {  	s0 =	sor.u32 s1, s0  }
0xbb: {  	s0 =	sadd.s32 $0x8F2B, s0  }
0xbc: {  	[sflag:s0] =	ssyncadd.remote.s32 $0x1  }
0xbd: {  	_ =	sfence.sel $0xFFFF  }
0xbe: {  	[dreg:$0x0] =	wrdreg $0xFFFFFFFF;
	(pc) =	sbr.abs _section_cstart, $3  }
0xbf: {  	[dreg:$0x1] =	wrdreg $0xFFFFFFFF  }
0xc0: {  	_ =	task.clear_ibuf [dreg:s6], $0x2FFFF;
	_ =	strace $0x9FFFFFFF  }
0xc1: {  	(tm) =	ssettm $0x7FFFFFFF  }
tec
execute0_lowered:
.L_overlay_start_1:
0x0: {  	(tag) =	ssettag $0x1  }
0x1: {  	s8 =	rddreg [dreg:$0x0]  }
0x2: {  	s0 =	rddreg [dreg:$0x1];
	s1 =	simm.s32 $0x0;
	s2 =	srdreg.scid  }
0x3: {  	s10 =	simm.s32 $0x5;
	s11 =	simm.s32 $0x4;
	s12 =	simm.s32 $0x0  }
0x4: {  	[smem:$0x7FF] =	sst s1;
	s3 =	sadd.s32 $0x4400, s8;
	s4 =	sadd.s32 $0x4000, s8  }
.Ltmp0:
0x5: {  	s5 =	sand.u32 $0x1, s2;
	s2 =	stileid.u32;
	(pc) =	sbr.rel .LBB2_1-.Ltmp0, $4  }
0x6: {  	_ =	strace $0x80000047;
	s6 =	ssub.s32 $0x2, s5;
	s7 =	sshll.u32 s5, $0x4  }
0x7: {  	v2 =	vlaneseq.u32;
	s5 =	sadd.s32 $0xC4400, s8;
	s9 =	sshrl.u32 s6, $0x1;
	s7 =	sor.u32 s2, s7  }
0x8: {  	vm0 =	vmmov $0xffff;
	vm1 =	vmmov $0xff;
	v1 =	vshrl.u32 v2, $0x3;
	s9 =	ssub.s32 s6, s9;
	s6 =	sshll.u32 s7, $0x1;
	s7 =	sshll.u32 s7, $0x5  }
0x9: {  	v0 =	vand.u32 $0x7, v2;
	v2 =	vor.u32 $0x8, v2;
	s8 =	sadd.s32 $0x4500, s8;
	v1 =	vmul.u32 $0x8, v1;
	s7 =	sadd.s32 s4, s7;
	s9 =	smax.u32 s9, $0x1  }
.LBB2_4:
0xa: {  	s13 =	sand.u32 $0x1, s13  }
0xb: {  	_ =	strace $0x8000004D;
	s13 =	sadd.s32 $0x3, s13  }
0xc: {  	_ =	swait.ge [sflag:s13], $0xC000  }
0xd: {  	[sflag:s13] =	ssyncset.done $0x0  }
0xe: {  	s12 =	sadd.s32 $0x1, s12;
	[sflag:s13] =	ssyncadd.s32 $0xFFFF4000  }
0xf: {  	p0 =	sne.s32 s12, s9;
	_ =	strace $0x9000004D  }
.Ltmp1:
0x10: {  	_ =	strace $0x8000004E;
	(pc) =	sbr.rel @!p0 .LBB2_5-.Ltmp1, $4  }
0x11: {  	_ =	swait.ge [sflag:s11], $0xC000  }
0x12: {  	[sflag:s11] =	ssyncset.done $0x0  }
0x13: {  	[sflag:s11] =	ssyncadd.s32 $0xFFFF4000  }
0x14: {  	_ =	strace $0x9000004E  }
.LBB2_1:
0x15: {  	_ =	strace $0x80000048  }
0x16: {  	p0 =	por $0x1, $0x1;
	p2 =	por $0x0, $0x0;
	s14 =	simm.s32 $0x0  }
0x17: {  	s13 =	simm.s32 $0x0;
	s18 =	simm.s32 $0x0;
	s15 =	simm.s32 $0x0  }
0x18: {  	[tilespmem:s1], [sflag:$0x1] =	stream.linear.gather [hbm4b:s7+s1], $0x80, $0x200038;
	[tilespmem:$0x18100] =	vst v63  }
0x19: {  	s16 =	simm.s32 $0x1;
	s17 =	simm.s32 $0x0;
	_ =	strace $0x90000048  }
.LBB2_2:
0x1a: {  	s19 =	smov.u32 s14;
	s14 =	sadd.s32 $0x1, s14  }
0x1b: {  	p1 =	seq.s32 s14, $0x2  }
0x1c: {  	s14 =	simm.s32 @p1 $0x0  }
0x1d: {  	p1 =	sne.s32 s19, s14  }
0x1e: {  	p1 =	por !p0, !p1  }
0x1f: {  	p1 =	por !p1, !p1  }
0x20: {  	s20 =	sadd.s32 @p1 s6, s14  }
0x21: {  	s21 =	sand.u32 @p1 $0x1, s16;
	s20 =	sshll.u32 @p1 s20, $0x4  }
0x22: {  	_ =	strace @p1 $0x80000049;
	s23 =	simm.s32 @p1 $0x0;
	s20 =	sand.u32 @p1 $0x1FFFFFF0, s20  }
0x23: {  	s22 =	sshll.u32 @p1 s21, $0x7;
	s21 =	sadd.s32 @p1 $0x1, s21;
	s20 =	sadd.s32 @p1 s4, s20  }
0x24: {  	[tilespmem:s22], [sflag:s21] =	stream.linear.gather @p1 [hbm4b:s20+s23], $0x80, $0x200038;
	[tilespmem:$0x18100] =	vst v63  }
0x25: {  	s23 =	sand.u32 $0x1, s15;
	_ =	strace @p1 $0x90000049  }
0x26: {  	s20 =	sadd.s32 $0x1, s23;
	_ =	strace $0x8000004A  }
0x27: {  	_ =	swait.ge [sflag:s20], $0x80  }
0x28: {  	[sflag:s20] =	ssyncset.done $0x0  }
0x29: {  	[sflag:s20] =	ssyncadd.s32 $0xFFFFFF80  }
0x2a: {  	s24 =	sshll.u32 s15, $0x7;
	_ =	strace $0x9000004A  }
0x2b: {  	s23 =	sand.u32 $0x80, s24;
	_ =	strace $0x8000004B  }
0x2c: {  	v3 =	vld [tilespmem:s23+$0x0];
	_ =	sdelay $0x4  }
0x2d: {  	v4 =	vshrl.u32 v3, $0x3  }
0x2e: {  	v4 =	vmul.u32 $0x18, v4  }
0x2f: {  	v3 =	vand.u32 $0x7, v3  }
0x30: {  	v3 =	vor.u32 v3, v4  }
0x31: {  	v4 =	vperm.xlane v3, v0;
	_ =	sdelay $0x1  }
0x32: {  	s20 =	sand.u32 $0x1, s18;
	v4 =	vadd.s32 v1, v4  }
0x33: {  	s25 =	smul.u32 $0x30000, s20  }
0x34: {  	v3 =	vperm.xlane v3, v2  }
0x35: {  	s22 =	sshrl.u32 s25, $0x2  }
0x36: {  	s21 =	sor.u32 $0x100, s22;
	v3 =	vadd.s32 v1, v3  }
0x37: {  	[tilespmem:s21], [sflag:$0x5] =	stream.indirect_vreg.gather [hbm4b:s3+s1], $0x80, v4, vm0, $0x2000b8;
	[tilespmem:$0x18100] =	vst v63  }
0x38: {  	s24 =	sor.u32 $0x900, s22  }
0x39: {  	[tilespmem:s24], [sflag:$0x5] =	stream.indirect_vreg.gather [hbm4b:s8+s1], $0x80, v4, vm1, $0x2000b8;
	[tilespmem:$0x18100] =	vst v63  }
0x3a: {  	s26 =	sor.u32 $0xD00, s22  }
0x3b: {  	[tilespmem:s26], [sflag:$0x5] =	stream.indirect_vreg.gather [hbm4b:s3+s1], $0x80, v3, vm0, $0x2000b8;
	[tilespmem:$0x18100] =	vst v63  }
0x3c: {  	s28 =	sor.u32 $0x1500, s22  }
0x3d: {  	[tilespmem:s28], [sflag:$0x5] =	stream.indirect_vreg.gather [hbm4b:s8+s1], $0x80, v3, vm1, $0x2000b8;
	[tilespmem:$0x18100] =	vst v63  }
0x3e: {  	v3 =	vld [tilespmem:s23+$0x10];
	_ =	sdelay $0x4  }
0x3f: {  	v57 =	vshrl.u32 v3, $0x3  }
0x40: {  	v4 =	vmul.u32 $0x18, v57  }
0x41: {  	v3 =	vand.u32 $0x7, v3  }
0x42: {  	v3 =	vor.u32 v3, v4  }
0x43: {  	v4 =	vperm.xlane v3, v0;
	_ =	sdelay $0x1  }
0x44: {  	v4 =	vadd.s32 v1, v4;
	_ =	sdelay $0x1  }
0x45: {  	v3 =	vperm.xlane v3, v2;
	_ =	sdelay $0x1  }
0x46: {  	s29 =	sor.u32 $0x1900, s22;
	v3 =	vadd.s32 v1, v3  }
0x47: {  	[tilespmem:s29], [sflag:$0x5] =	stream.indirect_vreg.gather [hbm4b:s3+s1], $0x80, v4, vm0, $0x2000b8;
	[tilespmem:$0x18100] =	vst v63  }
0x48: {  	s30 =	sor.u32 $0x2100, s22  }
0x49: {  	[tilespmem:s30], [sflag:$0x5] =	stream.indirect_vreg.gather [hbm4b:s8+s1], $0x80, v4, vm1, $0x2000b8;
	[tilespmem:$0x18100] =	vst v63  }
0x4a: {  	s31 =	sor.u32 $0x2500, s22  }
0x4b: {  	[tilespmem:s31], [sflag:$0x5] =	stream.indirect_vreg.gather [hbm4b:s3+s1], $0x80, v3, vm0, $0x2000b8;
	[tilespmem:$0x18100] =	vst v63  }
0x4c: {  	s25 =	sor.u32 $0x2D00, s22  }
0x4d: {  	[tilespmem:s25], [sflag:$0x5] =	stream.indirect_vreg.gather [hbm4b:s8+s1], $0x80, v3, vm1, $0x2000b8;
	[tilespmem:$0x18100] =	vst v63  }
0x4e: {  	v3 =	vld [tilespmem:s23+$0x20];
	_ =	sdelay $0x4  }
0x4f: {  	v58 =	vshrl.u32 v3, $0x3  }
0x50: {  	v4 =	vmul.u32 $0x18, v58  }
0x51: {  	v3 =	vand.u32 $0x7, v3  }
0x52: {  	v3 =	vor.u32 v3, v4  }
0x53: {  	v4 =	vperm.xlane v3, v0;
	_ =	sdelay $0x1  }
0x54: {  	v4 =	vadd.s32 v1, v4;
	_ =	sdelay $0x1  }
0x55: {  	v3 =	vperm.xlane v3, v2;
	_ =	sdelay $0x1  }
0x56: {  	s26 =	sor.u32 $0x3100, s22;
	v3 =	vadd.s32 v1, v3  }
0x57: {  	[tilespmem:s26], [sflag:$0x5] =	stream.indirect_vreg.gather [hbm4b:s3+s1], $0x80, v4, vm0, $0x2000b8;
	[tilespmem:$0x18100] =	vst v63  }
0x58: {  	s28 =	sor.u32 $0x3900, s22  }
0x59: {  	[tilespmem:s28], [sflag:$0x5] =	stream.indirect_vreg.gather [hbm4b:s8+s1], $0x80, v4, vm1, $0x2000b8;
	[tilespmem:$0x18100] =	vst v63  }
0x5a: {  	s29 =	sor.u32 $0x3D00, s22  }
0x5b: {  	[tilespmem:s29], [sflag:$0x5] =	stream.indirect_vreg.gather [hbm4b:s3+s1], $0x80, v3, vm0, $0x2000b8;
	[tilespmem:$0x18100] =	vst v63  }
0x5c: {  	s30 =	sadd.s32 $0x4500, s22  }
0x5d: {  	[tilespmem:s30], [sflag:$0x5] =	stream.indirect_vreg.gather [hbm4b:s8+s1], $0x80, v3, vm1, $0x2000b8;
	[tilespmem:$0x18100] =	vst v63  }
0x5e: {  	v3 =	vld [tilespmem:s23+$0x30];
	_ =	sdelay $0x4  }
0x5f: {  	v59 =	vshrl.u32 v3, $0x3  }
0x60: {  	v4 =	vmul.u32 $0x18, v59  }
0x61: {  	v3 =	vand.u32 $0x7, v3  }
0x62: {  	v3 =	vor.u32 v3, v4  }
0x63: {  	v4 =	vperm.xlane v3, v0;
	_ =	sdelay $0x1  }
0x64: {  	v4 =	vadd.s32 v1, v4;
	_ =	sdelay $0x1  }
0x65: {  	v3 =	vperm.xlane v3, v2;
	_ =	sdelay $0x1  }
0x66: {  	s31 =	sadd.s32 $0x4900, s22;
	v3 =	vadd.s32 v1, v3  }
0x67: {  	[tilespmem:s31], [sflag:$0x5] =	stream.indirect_vreg.gather [hbm4b:s3+s1], $0x80, v4, vm0, $0x2000b8;
	[tilespmem:$0x18100] =	vst v63  }
0x68: {  	s25 =	sadd.s32 $0x5100, s22  }
0x69: {  	[tilespmem:s25], [sflag:$0x5] =	stream.indirect_vreg.gather [hbm4b:s8+s1], $0x80, v4, vm1, $0x2000b8;
	[tilespmem:$0x18100] =	vst v63  }
0x6a: {  	s26 =	sadd.s32 $0x5500, s22  }
0x6b: {  	[tilespmem:s26], [sflag:$0x5] =	stream.indirect_vreg.gather [hbm4b:s3+s1], $0x80, v3, vm0, $0x2000b8;
	[tilespmem:$0x18100] =	vst v63  }
0x6c: {  	s28 =	sadd.s32 $0x5D00, s22  }
0x6d: {  	[tilespmem:s28], [sflag:$0x5] =	stream.indirect_vreg.gather [hbm4b:s8+s1], $0x80, v3, vm1, $0x2000b8;
	[tilespmem:$0x18100] =	vst v63  }
0x6e: {  	v3 =	vld [tilespmem:s23+$0x40];
	_ =	sdelay $0x4  }
0x6f: {  	v60 =	vshrl.u32 v3, $0x3  }
0x70: {  	v4 =	vmul.u32 $0x18, v60  }
0x71: {  	v3 =	vand.u32 $0x7, v3  }
0x72: {  	v3 =	vor.u32 v3, v4  }
0x73: {  	v4 =	vperm.xlane v3, v0;
	_ =	sdelay $0x1  }
0x74: {  	v4 =	vadd.s32 v1, v4;
	_ =	sdelay $0x1  }
0x75: {  	v3 =	vperm.xlane v3, v2;
	_ =	sdelay $0x1  }
0x76: {  	s29 =	sadd.s32 $0x6100, s22;
	v3 =	vadd.s32 v1, v3  }
0x77: {  	[tilespmem:s29], [sflag:$0x5] =	stream.indirect_vreg.gather [hbm4b:s3+s1], $0x80, v4, vm0, $0x2000b8;
	[tilespmem:$0x18100] =	vst v63  }
0x78: {  	s30 =	sadd.s32 $0x6900, s22  }
0x79: {  	[tilespmem:s30], [sflag:$0x5] =	stream.indirect_vreg.gather [hbm4b:s8+s1], $0x80, v4, vm1, $0x2000b8;
	[tilespmem:$0x18100] =	vst v63  }
0x7a: {  	s31 =	sadd.s32 $0x6D00, s22  }
0x7b: {  	[tilespmem:s31], [sflag:$0x5] =	stream.indirect_vreg.gather [hbm4b:s3+s1], $0x80, v3, vm0, $0x2000b8;
	[tilespmem:$0x18100] =	vst v63  }
0x7c: {  	s25 =	sadd.s32 $0x7500, s22  }
0x7d: {  	[tilespmem:s25], [sflag:$0x5] =	stream.indirect_vreg.gather [hbm4b:s8+s1], $0x80, v3, vm1, $0x2000b8;
	[tilespmem:$0x18100] =	vst v63  }
0x7e: {  	v3 =	vld [tilespmem:s23+$0x50];
	_ =	sdelay $0x4  }
0x7f: {  	v61 =	vshrl.u32 v3, $0x3  }
0x80: {  	v4 =	vmul.u32 $0x18, v61  }
0x81: {  	v3 =	vand.u32 $0x7, v3  }
0x82: {  	v3 =	vor.u32 v3, v4  }
0x83: {  	v4 =	vperm.xlane v3, v0;
	_ =	sdelay $0x1  }
0x84: {  	v4 =	vadd.s32 v1, v4;
	_ =	sdelay $0x1  }
0x85: {  	v3 =	vperm.xlane v3, v2;
	_ =	sdelay $0x1  }
0x86: {  	s26 =	sadd.s32 $0x7900, s22;
	v3 =	vadd.s32 v1, v3  }
0x87: {  	[tilespmem:s26], [sflag:$0x5] =	stream.indirect_vreg.gather [hbm4b:s3+s1], $0x80, v4, vm0, $0x2000b8;
	[tilespmem:$0x18100] =	vst v63  }
0x88: {  	s28 =	sadd.s32 $0x8100, s22  }
0x89: {  	[tilespmem:s28], [sflag:$0x5] =	stream.indirect_vreg.gather [hbm4b:s8+s1], $0x80, v4, vm1, $0x2000b8;
	[tilespmem:$0x18100] =	vst v63  }
0x8a: {  	s29 =	sadd.s32 $0x8500, s22  }
0x8b: {  	[tilespmem:s29], [sflag:$0x5] =	stream.indirect_vreg.gather [hbm4b:s3+s1], $0x80, v3, vm0, $0x2000b8;
	[tilespmem:$0x18100] =	vst v63  }
0x8c: {  	s30 =	sadd.s32 $0x8D00, s22  }
0x8d: {  	[tilespmem:s30], [sflag:$0x5] =	stream.indirect_vreg.gather [hbm4b:s8+s1], $0x80, v3, vm1, $0x2000b8;
	[tilespmem:$0x18100] =	vst v63  }
0x8e: {  	v3 =	vld [tilespmem:s23+$0x60];
	_ =	sdelay $0x4  }
0x8f: {  	v62 =	vshrl.u32 v3, $0x3  }
0x90: {  	v4 =	vmul.u32 $0x18, v62  }
0x91: {  	v3 =	vand.u32 $0x7, v3  }
0x92: {  	v3 =	vor.u32 v3, v4  }
0x93: {  	v4 =	vperm.xlane v3, v0;
	_ =	sdelay $0x1  }
0x94: {  	v4 =	vadd.s32 v1, v4;
	_ =	sdelay $0x1  }
0x95: {  	v3 =	vperm.xlane v3, v2;
	_ =	sdelay $0x1  }
0x96: {  	s31 =	sadd.s32 $0x9100, s22;
	v3 =	vadd.s32 v1, v3  }
0x97: {  	[tilespmem:s31], [sflag:$0x5] =	stream.indirect_vreg.gather [hbm4b:s3+s1], $0x80, v4, vm0, $0x2000b8;
	[tilespmem:$0x18100] =	vst v63  }
0x98: {  	s25 =	sadd.s32 $0x9900, s22  }
0x99: {  	[tilespmem:s25], [sflag:$0x5] =	stream.indirect_vreg.gather [hbm4b:s8+s1], $0x80, v4, vm1, $0x2000b8;
	[tilespmem:$0x18100] =	vst v63  }
0x9a: {  	s26 =	sadd.s32 $0x9D00, s22  }
0x9b: {  	[tilespmem:s26], [sflag:$0x5] =	stream.indirect_vreg.gather [hbm4b:s3+s1], $0x80, v3, vm0, $0x2000b8;
	[tilespmem:$0x18100] =	vst v63  }
0x9c: {  	s28 =	sadd.s32 $0xA500, s22  }
0x9d: {  	[tilespmem:s28], [sflag:$0x5] =	stream.indirect_vreg.gather [hbm4b:s8+s1], $0x80, v3, vm1, $0x2000b8;
	[tilespmem:$0x18100] =	vst v63  }
0x9e: {  	v3 =	vld [tilespmem:s23+$0x70];
	_ =	sdelay $0x4  }
0x9f: {  	v63 =	vshrl.u32 v3, $0x3  }
0xa0: {  	v4 =	vmul.u32 $0x18, v63  }
0xa1: {  	v3 =	vand.u32 $0x7, v3  }
0xa2: {  	v3 =	vor.u32 v3, v4  }
0xa3: {  	v4 =	vperm.xlane v3, v0;
	_ =	sdelay $0x1  }
0xa4: {  	v4 =	vadd.s32 v1, v4;
	_ =	sdelay $0x1  }
0xa5: {  	v3 =	vperm.xlane v3, v2;
	_ =	sdelay $0x1  }
0xa6: {  	s29 =	sadd.s32 $0xA900, s22;
	v3 =	vadd.s32 v1, v3  }
0xa7: {  	[tilespmem:s29], [sflag:$0x5] =	stream.indirect_vreg.gather [hbm4b:s3+s1], $0x80, v4, vm0, $0x2000b8;
	[tilespmem:$0x18100] =	vst v63  }
0xa8: {  	s30 =	sadd.s32 $0xB100, s22  }
0xa9: {  	[tilespmem:s30], [sflag:$0x5] =	stream.indirect_vreg.gather [hbm4b:s8+s1], $0x80, v4, vm1, $0x2000b8;
	[tilespmem:$0x18100] =	vst v63  }
0xaa: {  	p2 =	por !p2, !p2;
	p3 =	seq.s32 s19, s14;
	s31 =	sadd.s32 $0xB500, s22  }
0xab: {  	[tilespmem:s31], [sflag:$0x5] =	stream.indirect_vreg.gather [hbm4b:s3+s1], $0x80, v3, vm0, $0x2000b8;
	[tilespmem:$0x18100] =	vst v63  }
0xac: {  	p2 =	por !p2, !p3;
	s22 =	sadd.s32 $0xBD00, s22  }
0xad: {  	[tilespmem:s22], [sflag:$0x5] =	stream.indirect_vreg.gather [hbm4b:s8+s1], $0x80, v3, vm1, $0x2000b8;
	[tilespmem:$0x18100] =	vst v63  }
0xae: {  	s19 =	sadd.s32 s6, s19;
	p2 =	por !p2, !p2;
	_ =	swait.ge [sflag:s10], $0xC000  }
0xaf: {  	s19 =	smul.u32 @!p2 $0x1800, s19;
	p0 =	por p2, p0;
	[sflag:s10] =	ssyncset.done $0x0  }
.Ltmp2:
0xb0: {  	[sflag:s10] =	ssyncadd.s32 $0xFFFF4000;
	(pc) =	sbr.rel @!p0 .LBB2_4-.Ltmp2, $4  }
0xb1: {  	s19 =	sadd.s32 @!p2 s5, s19;
	_ =	strace $0x9000004B  }
0xb2: {  	s20 =	sadd.s32 @!p2 $0x3, s20;
	s22 =	simm.s32 @!p2 $0x0;
	_ =	strace @!p2 $0x8000004C  }
0xb3: {  	[hbm4b:s19+s22] =	stream.linear.scatter @!p2 [tilespmem:s21], [sflag:s20], $0xC000, $0x200038;
	[tilespmem:$0x18100] =	vst v63  }
0xb4: {  	_ =	strace @!p2 $0x9000004C  }
.Ltmp3:
0xb5: {  	s19 =	simm.s32 $0x1;
	(pc) =	sbr.rel .LBB2_2-.Ltmp3, $4  }
0xb6: {  	s20 =	simm.s32 @!p2 $0x1;
	s13 =	sadd.s32 s17, s13;
	s19 =	simm.s32 @!p1 $0x0  }
0xb7: {  	s17 =	simm.s32 $0x1;
	s16 =	sadd.s32 s19, s16;
	s19 =	sadd.s32 @!p2 $0x1, s18  }
0xb8: {  	p0 =	por $0x0, $0x0;
	s20 =	simm.s32 @p2 $0x0;
	s19 =	smov.u32 @p2 s18  }
0xb9: {  	s15 =	sadd.s32 s15, s20;
	p2 =	por $0x1, $0x1;
	s18 =	smov.u32 s19  }
.LBB2_5:
0xba: {  	_ =	sfence.sel $0x180000  }
0xbb: {  	[bflag:$0x0] =	sbarrier.arrive $0xFFFF  }
0xbc: {  	p0 =	sne.s32 s2, $0x0;
	_ =	strace $0x90000047  }
0xbd: {  	s0 =	sadd.s32 @!p0 $0x100000, s0;
	[bflag:$0x2] =	sbarrier.arrive $0xFFFF  }
0xbe: {  	[sflag:s0] =	ssyncadd.tile.s32 @!p0 $0x1;
	_ =	shalt  }
.Lfunc_end2:
_tile_overlayer_lowered:
.L_overlay_start_2:
0xbf: {  	(tag) =	ssettag $0x2  }
0xc0: {  	s0 =	rddreg [dreg:$0x0];
	s2 =	stileid.u32  }
0xc1: {  	s1 =	rddreg [dreg:$0x1];
	p0 =	sne.s32 s2, $0x0  }
0xc2: {  	s3 =	rddreg [dreg:$0x2];
	[bflag:$0x3] =	sbarrier.arrive $0xFFFF;
	s2 =	simm.s32 @!p0 $0x1C01  }
0xc3: {  	[timem:s3], [sflag:s2] =	dma.local @!p0 [hbm:s0], s1  }
0xc4: {  	s0 =	simm.s32 @!p0 $0x1  }
0xc5: {  	_ =	swait.ge @!p0 [sflag:s0], s1  }
0xc6: {  	s1 =	ssub.s32 @!p0 $0x0, s1;
	[sflag:s0] =	ssyncset.done @!p0 $0x0  }
0xc7: {  	[sflag:s0] =	ssyncadd.s32 @!p0 s1  }
0xc8: {  	[bflag:$0x3] =	sbarrier.arrive $0xFFFF  }
0xc9: {  	_ =	shalt  }

// kernel: kernel.8.cloned.1.call-start
scs
__scs_entry_jumppad:
0x0: {  	(pc) =	sbr.rel $0x88, $3  }
0x1: {  	(tag) =	ssettag $0x0;
	lr =	simm.s32 $0x1  }
0x2: {  	[smem:$0x3F94] =	sst lr;
	_ =	strace $0xD0000000  }
0x3: {  	_ = 	snop  }
0x4: {  	_ = 	snop  }
0x5: {  	_ = 	snop  }
0x6: {  	_ = 	snop  }
0x7: {  	_ = 	snop  }
__scs_overlays_trampoline_lowered:
0x8: {  	[smem:$0x3FA3] =	sst s0  }
0x9: {  	[smem:$0x3FA4] =	sst s1  }
0xa: {  	[smem:$0x3FA5] =	sst s2  }
0xb: {  	[smem:$0x3FA6] =	sst s3  }
0xc: {  	[smem:$0x3FA7] =	sst s4  }
0xd: {  	[smem:$0x3FA8] =	sst s5  }
0xe: {  	[smem:$0x3FA9] =	sst s6  }
0xf: {  	[smem:$0x3FAA] =	sst s7  }
0x10: {  	[smem:$0x3FAB] =	sst s8  }
0x11: {  	[smem:$0x3FAC] =	sst s9;
	s0 =	simm.s32 @!p0 $0x0  }
0x12: {  	s1 =	sld [smem:$0x3F92];
	s0 =	simm.s32 @p0 $0x1  }
0x13: {  	[smem:$0x3FAD] =	sst s0;
	s0 =	simm.s32 @!p1 $0x0  }
0x14: {  	s2 =	sld [smem:$0x3F91];
	s0 =	simm.s32 @p1 $0x1  }
0x15: {  	[smem:$0x3FAE] =	sst s0;
	s0 =	simm.s32 @!p2 $0x0  }
0x16: {  	s3 =	sld [smem:$0x3FDB];
	s0 =	simm.s32 @p2 $0x1  }
0x17: {  	s4 =	simm.s32 $0x1BF5;
	[smem:$0x3FB0] =	sst s0  }
0x18: {  	s0 =	sld [smem:$0x3F93];
	_ =	swait.ge [sflag:s4], $0x0  }
0x19: {  	s7 =	sld [smem:$0x3F94]  }
0x1a: {  	s8 =	sadd.s32 $0xFFFFE003, lr  }
0x1b: {  	s9 =	sadd.s32 $0xFFFFFEF7, lr;
	s5 =	simm.s32 $0xFFFFFFFF;
	p2 =	slt.u32 s8, $0xFFFFF086  }
0x1c: {  	p1 =	slt.u32 s9, $0xF7A;
	s5 =	simm.s32 @!p2 $0x0  }
0x1d: {  	s5 =	simm.s32 @p1 $0x1;
	p0 =	seq.s32 s7, s2  }
0x1e: {  	s7 =	smul.u32 @!p0 $0xF7A, s2;
	p2 =	seq.s32 @!p0 s5, $0x0  }
0x1f: {  	s9 =	smul.u32 $0xF7A, s1;
	s8 =	simm.s32 @!p0 $0x1BF5;
	p2 =	por !p2, p0  }
0x20: {  	[sflag:s8] =	ssyncset.s32 @!p0 $0xFFFFF086;
	s6 =	sadd.s32 @!p0 s3, s7;
	s7 =	simm.s32 @!p0 $0x108  }
0x21: {  	s3 =	sadd.s32 s3, s9;
	s6 =	sadd.s32 @!p0 $0x88, s6;
	s7 =	simm.s32 @p2 $0x1082  }
0x22: {  	[simem:s7], [sflag:s8] =	dma.local @!p0 [hbm:s6], $0xF7A  }
0x23: {  	s9 =	sor.u32 $0xD0000000, s2;
	s6 =	simm.s32 $0x108;
	_ =	swait.ge @!p0 [sflag:s8], $0x0  }
0x24: {  	s3 =	sadd.s32 $0x88, s3;
	s6 =	simm.s32 @!p1 $0x1082;
	[sflag:s4] =	ssyncset.s32 $0xFFFFF086  }
0x25: {  	[simem:s6], [sflag:s4] =	dma.local [hbm:s3], $0xF7A  }
0x26: {  	[smem:$0x3F94] =	sst s1;
	(tag) =	ssettag s2;
	_ =	strace s9  }
0x27: {  	s1 =	sld [smem:$0x3FA4]  }
0x28: {  	s2 =	sld [smem:$0x3FA5]  }
0x29: {  	s4 =	sld [smem:$0x3FA7]  }
0x2a: {  	p0 =	seq.s32 s5, $0x0;
	s5 =	sld [smem:$0x3FA8]  }
0x2b: {  	s6 =	sld [smem:$0x3FA9]  }
0x2c: {  	s7 =	sld [smem:$0x3FAA]  }
0x2d: {  	s3 =	simm.s32 $0x108;
	s8 =	sld [smem:$0x3FAB]  }
0x2e: {  	s3 =	simm.s32 @!p0 $0x1082;
	s9 =	sld [smem:$0x3FAC]  }
0x2f: {  	lr =	sadd.s32 s0, s3;
	s0 =	sld [smem:$0x3FA3]  }
0x30: {  	s3 =	sld [smem:$0x3FA6]  }
0x31: {  	[smem:$0x3FAF] =	sst s10  }
0x32: {  	s10 =	sld [smem:$0x3FAD];
	_ =	sdelay $0x3  }
0x33: {  	p0 =	seq.s32 s10, $0x1;
	s10 =	sld [smem:$0x3FAF];
	_ =	sdelay $0x3  }
0x34: {  	[smem:$0x3FAF] =	sst s10  }
0x35: {  	s10 =	sld [smem:$0x3FAE];
	_ =	sdelay $0x3  }
0x36: {  	p1 =	seq.s32 s10, $0x1;
	s10 =	sld [smem:$0x3FAF];
	_ =	sdelay $0x3  }
0x37: {  	[smem:$0x3FAF] =	sst s10  }
0x38: {  	s10 =	sld [smem:$0x3FB0]  }
0x39: {  	_ = 	snop;
	(pc) =	sbr.ind lr, $3  }
0x3a: {  	_ = 	snop  }
0x3b: {  	_ = 	snop  }
0x3c: {  	p2 =	seq.s32 s10, $0x1;
	s10 =	sld [smem:$0x3FAF]  }
0x3d: {  	_ =	shalt  }
0x3e: {  	_ =	shalt  }
0x3f: {  	_ =	shalt  }
0x40: {  	_ =	shalt  }
0x41: {  	_ =	shalt  }
0x42: {  	_ =	shalt  }
0x43: {  	_ =	shalt  }
0x44: {  	_ =	shalt  }
0x45: {  	_ =	shalt  }
0x46: {  	_ =	shalt  }
0x47: {  	_ =	shalt  }
0x48: {  	_ =	shalt  }
0x49: {  	_ =	shalt  }
0x4a: {  	_ =	shalt  }
0x4b: {  	_ =	shalt  }
0x4c: {  	_ =	shalt  }
0x4d: {  	_ =	shalt  }
0x4e: {  	_ =	shalt  }
0x4f: {  	_ =	shalt  }
0x50: {  	_ =	shalt  }
0x51: {  	_ =	shalt  }
0x52: {  	_ =	shalt  }
0x53: {  	_ =	shalt  }
0x54: {  	_ =	shalt  }
0x55: {  	_ =	shalt  }
0x56: {  	_ =	shalt  }
0x57: {  	_ =	shalt  }
0x58: {  	_ =	shalt  }
0x59: {  	_ =	shalt  }
0x5a: {  	_ =	shalt  }
0x5b: {  	_ =	shalt  }
0x5c: {  	_ =	shalt  }
0x5d: {  	_ =	shalt  }
0x5e: {  	_ =	shalt  }
0x5f: {  	_ =	shalt  }
0x60: {  	_ =	shalt  }
0x61: {  	_ =	shalt  }
0x62: {  	_ =	shalt  }
0x63: {  	_ =	shalt  }
0x64: {  	_ =	shalt  }
0x65: {  	_ =	shalt  }
0x66: {  	_ =	shalt  }
0x67: {  	_ =	shalt  }
0x68: {  	_ =	shalt  }
0x69: {  	_ =	shalt  }
0x6a: {  	_ =	shalt  }
0x6b: {  	_ =	shalt  }
0x6c: {  	_ =	shalt  }
0x6d: {  	_ =	shalt  }
0x6e: {  	_ =	shalt  }
0x6f: {  	_ =	shalt  }
0x70: {  	_ =	shalt  }
0x71: {  	_ =	shalt  }
0x72: {  	_ =	shalt  }
0x73: {  	_ =	shalt  }
0x74: {  	_ =	shalt  }
0x75: {  	_ =	shalt  }
0x76: {  	_ =	shalt  }
0x77: {  	_ =	shalt  }
0x78: {  	_ =	shalt  }
0x79: {  	_ =	shalt  }
0x7a: {  	_ =	shalt  }
0x7b: {  	_ =	shalt  }
0x7c: {  	_ =	shalt  }
0x7d: {  	_ =	shalt  }
0x7e: {  	_ =	shalt  }
0x7f: {  	_ =	shalt  }
0x80: {  	_ =	shalt  }
0x81: {  	_ =	shalt  }
0x82: {  	_ =	shalt  }
0x83: {  	_ =	shalt  }
0x84: {  	_ =	shalt  }
0x85: {  	_ =	shalt  }
0x86: {  	_ =	shalt  }
0x87: {  	_ =	shalt  }
.Lfunc_end0:
.L_simem_size_0:
called_computation_lowered:
.L_overlay_start_0:
0x88: {  	s2 =	sld [smem:$0x3FD9]  }
0x89: {  	s3 =	sld [smem:$0x3FFE];
	_ =	sdelay $0x1  }
0x8a: {  	s1 =	srdreg.scid  }
0x8b: {  	s0 =	sand.u32 $0x1, s1  }
0x8c: {  	s15 =	sshll.u32 s0, $0xA;
	s2 =	sadd.s32 s3, s2  }
0x8d: {  	s2 =	sadd.s32 s2, s15  }
0x8e: {  	[smem:$0x3FBB] =	sst s2  }
0x8f: {  	_ = 	snop  }
0x90: {  	s2 =	sld [smem:$0x3FD0];
	_ =	sdelay $0x2  }
0x91: {  	s16 =	simm.s32 $0xB;
	s4 =	simm.s32 $0x10  }
0x92: {  	[smem:s4], [sflag:s16] =	dma.local [hbm:s2], $0x1  }
0x93: {  	_ =	swait.eq [sflag:s16], $0x1  }
0x94: {  	[sflag:s16] =	ssyncset.done $0x0  }
0x95: {  	[sflag:s16] =	ssyncadd.s32 $0xFFFFFFFF  }
0x96: {  	s17 =	sld [smem:$0x10];
	(tm) =	ssettm $0x1  }
0x97: {  	s18 =	sld [smem:$0x3FFB];
	_ =	sdelay $0x3  }
0x98: {  	_ =	strace s18  }
0x99: {  	s2 =	sld [smem:$0x3FFC];
	_ =	sdelay $0x3  }
0x9a: {  	_ =	strace s2  }
0x9b: {  	s2 =	sld [smem:$0x3FFD];
	_ =	sdelay $0x3  }
0x9c: {  	_ =	strace s2  }
0x9d: {  	_ =	strace $0x8FFFFFFF  }
0x9e: {  	s19 =	sld [smem:$0x3FDB];
	_ =	sdelay $0x1  }
0x9f: {  	s20 =	simm.s32 $_scs_section_size  }
0xa0: {  	s5 =	simm.s32 $_size__tile_overlayer_lowered;
	s6 =	simm.s32 $_tile_overlayer_lowered  }
0xa1: {  	s7 =	simm.s32 $0x1BFF;
	s21 =	sshll.u32 s6, $0x1;
	s4 =	sadd.s32 s20, s19  }
0xa2: {  	s22 =	simm.s32 $0x0;
	s5 =	sshll.u32 s5, $0x1;
	s6 =	sadd.s32 s21, s4  }
0xa3: {  	[timem:s22], [sflag:s7] =	dma.local [hbm:s6], s5  }
0xa4: {  	_ =	swait.ge [sflag:s7], s5  }
0xa5: {  	s5 =	ssub.s32 $0x0, s5;
	[sflag:s7] =	ssyncset.done $0x0  }
0xa6: {  	[sflag:s7] =	ssyncadd.s32 s5;
	_ =	sdelay $0x1  }
0xa7: {  	s23 =	simm.s32 $0x1B8B  }
0xa8: {  	_ =	swait.ge [sflag:s23], $0x1  }
0xa9: {  	[sflag:s23] =	ssyncset.done $0x0  }
0xaa: {  	[sflag:s23] =	ssyncadd.s32 $0xFFFFFFFF  }
0xab: {  	s5 =	sld [smem:$0x0]  }
0xac: {  	s6 =	sand.u32 $0xFFFFFFFE, s1  }
0xad: {  	p0 =	sne.s32 s1, s6  }
0xae: {  	s6 =	sshll.u32 @p0 s6, $0xE  }
0xaf: {  	s6 =	sadd.s32 @p0 $0x11B8D, s6;
	s7 =	sshll.u32 @p0 s5, $0x11  }
0xb0: {  	s6 =	sor.u32 @p0 s7, s6  }
0xb1: {  	[sflag:s6] =	ssyncadd.remote.s32 @p0 $0x1;
	_ =	sdelay $0x1  }
0xb2: {  	s6 =	simm.s32 @p0 $0x1B8D  }
0xb3: {  	_ =	swait.eq @p0 [sflag:s6], $0x1  }
0xb4: {  	[sflag:s6] =	ssyncadd.s32 @p0 $0xFFFFFFFF  }
0xb5: {  	s7 =	sshll.u32 @!p0 s1, $0xE  }
0xb6: {  	s7 =	sor.u32 @!p0 $0x4000, s7;
	s6 =	simm.s32 @!p0 $0x1B8D  }
0xb7: {  	s5 =	sshll.u32 @!p0 s5, $0x11;
	s7 =	sadd.s32 @!p0 $0x11B8D, s7;
	_ =	swait.eq @!p0 [sflag:s6], $0x1  }
0xb8: {  	s5 =	sor.u32 @!p0 s5, s7;
	[sflag:s6] =	ssyncadd.s32 @!p0 $0xFFFFFFFF  }
0xb9: {  	s25 =	simm.s32 $0x1B8E;
	s24 =	sld [smem:$0x3FFE];
	[sflag:s5] =	ssyncadd.remote.s32 @!p0 $0x1  }
0xba: {  	s26 =	simm.s32 $execute0_lowered;
	[smem:$0x3FD2] =	sst s25  }
0xbb: {  	s6 =	sshll.u32 s26, $0x1;
	_ =	strace $0x80000050;
	[dreg:$0x1] =	wrdreg $0xFFFFFFFF  }
0xbc: {  	s28 =	simm.s32 $_size_execute0_lowered;
	s4 =	sadd.s32 s4, s6;
	[dreg:$0x0] =	wrdreg $0x0  }
0xbd: {  	s6 =	sshll.u32 s28, $0x1;
	[dreg:$0x2] =	wrdreg s4  }
0xbe: {  	[dreg:$0x3] =	wrdreg s6  }
0xbf: {  	[dreg:$0x4] =	wrdreg $0xC0  }
0xc0: {  	_ =	task [dreg:s22], $0x5FFFF  }
0xc1: {  	[dreg:$0x1] =	wrdreg $0xFFFFFFFF  }
0xc2: {  	[dreg:$0x0] =	wrdreg $0x60  }
0xc3: {  	[dreg:$0x2] =	wrdreg s24  }
0xc4: {  	[dreg:$0x3] =	wrdreg s17  }
0xc5: {  	[dreg:$0x4] =	wrdreg $0x9  }
0xc6: {  	_ =	task.clear_ibuf [dreg:s22], $0x5FFFF;
	_ =	strace $0x90000050  }
0xc7: {  	s29 =	simm.s32 $0x9;
	_ =	strace $0x80000059  }
0xc8: {  	_ =	swait.ge [sflag:s29], $0x1  }
0xc9: {  	[sflag:s29] =	ssyncadd.s32 $0xFFFFFFFF  }
0xca: {  	_ =	strace $0x90000059  }
0xcb: {  	_ =	sfence  }
0xcc: {  	s30 =	sld [smem:$0x0];
	_ =	sdelay $0x2  }
0xcd: {  	s31 =	sshll.u32 s1, $0xD;
	s1 =	sshrl.u32 s1, $0x2  }
0xce: {  	s4 =	sand.u32 $0x4000, s31;
	s1 =	sadd.s32 s1, s30  }
0xcf: {  	s0 =	sor.u32 s4, s0;
	s1 =	sshll.u32 s1, $0x11  }
0xd0: {  	s0 =	sor.u32 s1, s0  }
0xd1: {  	s0 =	sadd.s32 $0x8F2B, s0  }
0xd2: {  	[sflag:s0] =	ssyncadd.remote.s32 $0x1  }
0xd3: {  	_ =	sfence.sel $0xFFFF  }
0xd4: {  	[dreg:$0x0] =	wrdreg $0xFFFFFFFF;
	(pc) =	sbr.abs _section_cstart, $3  }
0xd5: {  	[dreg:$0x1] =	wrdreg $0xFFFFFFFF  }
0xd6: {  	_ =	task.clear_ibuf [dreg:s22], $0x2FFFF;
	_ =	strace $0x9FFFFFFF  }
0xd7: {  	(tm) =	ssettm $0x7FFFFFFF  }
tec
execute0_lowered:
.L_overlay_start_1:
0x0: {  	(tag) =	ssettag $0x1  }
0x1: {  	s8 =	rddreg [dreg:$0x0]  }
0x2: {  	s1 =	rddreg [dreg:$0x1]  }
0x3: {  	s0 =	rddreg [dreg:$0x2];
	s2 =	simm.s32 $0x0  }
0x4: {  	s3 =	srdreg.scid;
	s10 =	simm.s32 $0x5;
	s11 =	simm.s32 $0x4  }
0x5: {  	s12 =	simm.s32 $0x0;
	[smem:$0x7FF] =	sst s2;
	s4 =	sadd.s32 $0x124400, s8  }
.Ltmp0:
0x6: {  	s5 =	sand.u32 $0x1, s3;
	s3 =	stileid.u32;
	(pc) =	sbr.rel .LBB2_1-.Ltmp0, $4  }
0x7: {  	_ =	strace $0x80000051;
	s6 =	ssub.s32 $0x2, s5;
	s7 =	sshll.u32 s5, $0x4  }
0x8: {  	v2 =	vlaneseq.u32;
	s5 =	sadd.s32 $0x4000, s8;
	s9 =	sshrl.u32 s6, $0x1;
	s7 =	sor.u32 s3, s7  }
0x9: {  	vm0 =	vmmov $0xffff;
	vm1 =	vmmov $0xff;
	v1 =	vshrl.u32 v2, $0x3;
	s9 =	ssub.s32 s6, s9;
	s6 =	sshll.u32 s7, $0x1;
	s7 =	sshll.u32 s7, $0x5  }
0xa: {  	v0 =	vand.u32 $0x7, v2;
	v2 =	vor.u32 $0x8, v2;
	s8 =	sadd.s32 $0x124500, s8;
	v1 =	vmul.u32 $0x8, v1;
	s7 =	sadd.s32 s5, s7;
	s9 =	smax.u32 s9, $0x1  }
.LBB2_4:
0xb: {  	s13 =	sand.u32 $0x1, s13  }
0xc: {  	_ =	strace $0x80000057;
	s13 =	sadd.s32 $0x3, s13  }
0xd: {  	_ =	swait.ge [sflag:s13], $0xC000  }
0xe: {  	[sflag:s13] =	ssyncset.done $0x0  }
0xf: {  	s12 =	sadd.s32 $0x1, s12;
	[sflag:s13] =	ssyncadd.s32 $0xFFFF4000  }
0x10: {  	p0 =	sne.s32 s12, s9;
	_ =	strace $0x90000057  }
.Ltmp1:
0x11: {  	_ =	strace $0x80000058;
	(pc) =	sbr.rel @!p0 .LBB2_5-.Ltmp1, $4  }
0x12: {  	_ =	swait.ge [sflag:s11], $0xC000  }
0x13: {  	[sflag:s11] =	ssyncset.done $0x0  }
0x14: {  	[sflag:s11] =	ssyncadd.s32 $0xFFFF4000  }
0x15: {  	_ =	strace $0x90000058  }
.LBB2_1:
0x16: {  	_ =	strace $0x80000052  }
0x17: {  	p0 =	por $0x1, $0x1;
	p2 =	por $0x0, $0x0;
	s14 =	simm.s32 $0x0  }
0x18: {  	s13 =	simm.s32 $0x0;
	s18 =	simm.s32 $0x0;
	s15 =	simm.s32 $0x0  }
0x19: {  	[tilespmem:s2], [sflag:$0x1] =	stream.linear.gather [hbm4b:s7+s2], $0x80, $0x200038;
	[tilespmem:$0x18100] =	vst v63  }
0x1a: {  	s16 =	simm.s32 $0x1;
	s17 =	simm.s32 $0x0;
	_ =	strace $0x90000052  }
.LBB2_2:
0x1b: {  	s19 =	smov.u32 s14;
	s14 =	sadd.s32 $0x1, s14  }
0x1c: {  	p1 =	seq.s32 s14, $0x2  }
0x1d: {  	s14 =	simm.s32 @p1 $0x0  }
0x1e: {  	p1 =	sne.s32 s19, s14  }
0x1f: {  	p1 =	por !p0, !p1  }
0x20: {  	p1 =	por !p1, !p1  }
0x21: {  	s20 =	sadd.s32 @p1 s6, s14  }
0x22: {  	s21 =	sand.u32 @p1 $0x1, s16;
	s20 =	sshll.u32 @p1 s20, $0x4  }
0x23: {  	_ =	strace @p1 $0x80000053;
	s23 =	simm.s32 @p1 $0x0;
	s20 =	sand.u32 @p1 $0x1FFFFFF0, s20  }
0x24: {  	s22 =	sshll.u32 @p1 s21, $0x7;
	s21 =	sadd.s32 @p1 $0x1, s21;
	s20 =	sadd.s32 @p1 s5, s20  }
0x25: {  	[tilespmem:s22], [sflag:s21] =	stream.linear.gather @p1 [hbm4b:s20+s23], $0x80, $0x200038;
	[tilespmem:$0x18100] =	vst v63  }
0x26: {  	s23 =	sand.u32 $0x1, s15;
	_ =	strace @p1 $0x90000053  }
0x27: {  	s20 =	sadd.s32 $0x1, s23;
	_ =	strace $0x80000054  }
0x28: {  	_ =	swait.ge [sflag:s20], $0x80  }
0x29: {  	[sflag:s20] =	ssyncset.done $0x0  }
0x2a: {  	[sflag:s20] =	ssyncadd.s32 $0xFFFFFF80  }
0x2b: {  	s24 =	sshll.u32 s15, $0x7;
	_ =	strace $0x90000054  }
0x2c: {  	s23 =	sand.u32 $0x80, s24;
	_ =	strace $0x80000055  }
0x2d: {  	v3 =	vld [tilespmem:s23+$0x0];
	_ =	sdelay $0x4  }
0x2e: {  	v4 =	vshrl.u32 v3, $0x3  }
0x2f: {  	v4 =	vmul.u32 $0x18, v4  }
0x30: {  	v3 =	vand.u32 $0x7, v3  }
0x31: {  	v3 =	vor.u32 v3, v4  }
0x32: {  	v4 =	vperm.xlane v3, v0;
	_ =	sdelay $0x1  }
0x33: {  	s20 =	sand.u32 $0x1, s18;
	v4 =	vadd.s32 v1, v4  }
0x34: {  	s25 =	smul.u32 $0x30000, s20  }
0x35: {  	v3 =	vperm.xlane v3, v2  }
0x36: {  	s22 =	sshrl.u32 s25, $0x2  }
0x37: {  	s21 =	sor.u32 $0x100, s22;
	v3 =	vadd.s32 v1, v3  }
0x38: {  	[tilespmem:s21], [sflag:$0x5] =	stream.indirect_vreg.gather [hbm4b:s4+s2], $0x80, v4, vm0, $0x2000b8;
	[tilespmem:$0x18100] =	vst v63  }
0x39: {  	s24 =	sor.u32 $0x900, s22  }
0x3a: {  	[tilespmem:s24], [sflag:$0x5] =	stream.indirect_vreg.gather [hbm4b:s8+s2], $0x80, v4, vm1, $0x2000b8;
	[tilespmem:$0x18100] =	vst v63  }
0x3b: {  	s26 =	sor.u32 $0xD00, s22  }
0x3c: {  	[tilespmem:s26], [sflag:$0x5] =	stream.indirect_vreg.gather [hbm4b:s4+s2], $0x80, v3, vm0, $0x2000b8;
	[tilespmem:$0x18100] =	vst v63  }
0x3d: {  	s28 =	sor.u32 $0x1500, s22  }
0x3e: {  	[tilespmem:s28], [sflag:$0x5] =	stream.indirect_vreg.gather [hbm4b:s8+s2], $0x80, v3, vm1, $0x2000b8;
	[tilespmem:$0x18100] =	vst v63  }
0x3f: {  	v3 =	vld [tilespmem:s23+$0x10];
	_ =	sdelay $0x4  }
0x40: {  	v57 =	vshrl.u32 v3, $0x3  }
0x41: {  	v4 =	vmul.u32 $0x18, v57  }
0x42: {  	v3 =	vand.u32 $0x7, v3  }
0x43: {  	v3 =	vor.u32 v3, v4  }
0x44: {  	v4 =	vperm.xlane v3, v0;
	_ =	sdelay $0x1  }
0x45: {  	v4 =	vadd.s32 v1, v4;
	_ =	sdelay $0x1  }
0x46: {  	v3 =	vperm.xlane v3, v2;
	_ =	sdelay $0x1  }
0x47: {  	s29 =	sor.u32 $0x1900, s22;
	v3 =	vadd.s32 v1, v3  }
0x48: {  	[tilespmem:s29], [sflag:$0x5] =	stream.indirect_vreg.gather [hbm4b:s4+s2], $0x80, v4, vm0, $0x2000b8;
	[tilespmem:$0x18100] =	vst v63  }
0x49: {  	s30 =	sor.u32 $0x2100, s22  }
0x4a: {  	[tilespmem:s30], [sflag:$0x5] =	stream.indirect_vreg.gather [hbm4b:s8+s2], $0x80, v4, vm1, $0x2000b8;
	[tilespmem:$0x18100] =	vst v63  }
0x4b: {  	s31 =	sor.u32 $0x2500, s22  }
0x4c: {  	[tilespmem:s31], [sflag:$0x5] =	stream.indirect_vreg.gather [hbm4b:s4+s2], $0x80, v3, vm0, $0x2000b8;
	[tilespmem:$0x18100] =	vst v63  }
0x4d: {  	s25 =	sor.u32 $0x2D00, s22  }
0x4e: {  	[tilespmem:s25], [sflag:$0x5] =	stream.indirect_vreg.gather [hbm4b:s8+s2], $0x80, v3, vm1, $0x2000b8;
	[tilespmem:$0x18100] =	vst v63  }
0x4f: {  	v3 =	vld [tilespmem:s23+$0x20];
	_ =	sdelay $0x4  }
0x50: {  	v58 =	vshrl.u32 v3, $0x3  }
0x51: {  	v4 =	vmul.u32 $0x18, v58  }
0x52: {  	v3 =	vand.u32 $0x7, v3  }
0x53: {  	v3 =	vor.u32 v3, v4  }
0x54: {  	v4 =	vperm.xlane v3, v0;
	_ =	sdelay $0x1  }
0x55: {  	v4 =	vadd.s32 v1, v4;
	_ =	sdelay $0x1  }
0x56: {  	v3 =	vperm.xlane v3, v2;
	_ =	sdelay $0x1  }
0x57: {  	s26 =	sor.u32 $0x3100, s22;
	v3 =	vadd.s32 v1, v3  }
0x58: {  	[tilespmem:s26], [sflag:$0x5] =	stream.indirect_vreg.gather [hbm4b:s4+s2], $0x80, v4, vm0, $0x2000b8;
	[tilespmem:$0x18100] =	vst v63  }
0x59: {  	s28 =	sor.u32 $0x3900, s22  }
0x5a: {  	[tilespmem:s28], [sflag:$0x5] =	stream.indirect_vreg.gather [hbm4b:s8+s2], $0x80, v4, vm1, $0x2000b8;
	[tilespmem:$0x18100] =	vst v63  }
0x5b: {  	s29 =	sor.u32 $0x3D00, s22  }
0x5c: {  	[tilespmem:s29], [sflag:$0x5] =	stream.indirect_vreg.gather [hbm4b:s4+s2], $0x80, v3, vm0, $0x2000b8;
	[tilespmem:$0x18100] =	vst v63  }
0x5d: {  	s30 =	sadd.s32 $0x4500, s22  }
0x5e: {  	[tilespmem:s30], [sflag:$0x5] =	stream.indirect_vreg.gather [hbm4b:s8+s2], $0x80, v3, vm1, $0x2000b8;
	[tilespmem:$0x18100] =	vst v63  }
0x5f: {  	v3 =	vld [tilespmem:s23+$0x30];
	_ =	sdelay $0x4  }
0x60: {  	v59 =	vshrl.u32 v3, $0x3  }
0x61: {  	v4 =	vmul.u32 $0x18, v59  }
0x62: {  	v3 =	vand.u32 $0x7, v3  }
0x63: {  	v3 =	vor.u32 v3, v4  }
0x64: {  	v4 =	vperm.xlane v3, v0;
	_ =	sdelay $0x1  }
0x65: {  	v4 =	vadd.s32 v1, v4;
	_ =	sdelay $0x1  }
0x66: {  	v3 =	vperm.xlane v3, v2;
	_ =	sdelay $0x1  }
0x67: {  	s31 =	sadd.s32 $0x4900, s22;
	v3 =	vadd.s32 v1, v3  }
0x68: {  	[tilespmem:s31], [sflag:$0x5] =	stream.indirect_vreg.gather [hbm4b:s4+s2], $0x80, v4, vm0, $0x2000b8;
	[tilespmem:$0x18100] =	vst v63  }
0x69: {  	s25 =	sadd.s32 $0x5100, s22  }
0x6a: {  	[tilespmem:s25], [sflag:$0x5] =	stream.indirect_vreg.gather [hbm4b:s8+s2], $0x80, v4, vm1, $0x2000b8;
	[tilespmem:$0x18100] =	vst v63  }
0x6b: {  	s26 =	sadd.s32 $0x5500, s22  }
0x6c: {  	[tilespmem:s26], [sflag:$0x5] =	stream.indirect_vreg.gather [hbm4b:s4+s2], $0x80, v3, vm0, $0x2000b8;
	[tilespmem:$0x18100] =	vst v63  }
0x6d: {  	s28 =	sadd.s32 $0x5D00, s22  }
0x6e: {  	[tilespmem:s28], [sflag:$0x5] =	stream.indirect_vreg.gather [hbm4b:s8+s2], $0x80, v3, vm1, $0x2000b8;
	[tilespmem:$0x18100] =	vst v63  }
0x6f: {  	v3 =	vld [tilespmem:s23+$0x40];
	_ =	sdelay $0x4  }
0x70: {  	v60 =	vshrl.u32 v3, $0x3  }
0x71: {  	v4 =	vmul.u32 $0x18, v60  }
0x72: {  	v3 =	vand.u32 $0x7, v3  }
0x73: {  	v3 =	vor.u32 v3, v4  }
0x74: {  	v4 =	vperm.xlane v3, v0;
	_ =	sdelay $0x1  }
0x75: {  	v4 =	vadd.s32 v1, v4;
	_ =	sdelay $0x1  }
0x76: {  	v3 =	vperm.xlane v3, v2;
	_ =	sdelay $0x1  }
0x77: {  	s29 =	sadd.s32 $0x6100, s22;
	v3 =	vadd.s32 v1, v3  }
0x78: {  	[tilespmem:s29], [sflag:$0x5] =	stream.indirect_vreg.gather [hbm4b:s4+s2], $0x80, v4, vm0, $0x2000b8;
	[tilespmem:$0x18100] =	vst v63  }
0x79: {  	s30 =	sadd.s32 $0x6900, s22  }
0x7a: {  	[tilespmem:s30], [sflag:$0x5] =	stream.indirect_vreg.gather [hbm4b:s8+s2], $0x80, v4, vm1, $0x2000b8;
	[tilespmem:$0x18100] =	vst v63  }
0x7b: {  	s31 =	sadd.s32 $0x6D00, s22  }
0x7c: {  	[tilespmem:s31], [sflag:$0x5] =	stream.indirect_vreg.gather [hbm4b:s4+s2], $0x80, v3, vm0, $0x2000b8;
	[tilespmem:$0x18100] =	vst v63  }
0x7d: {  	s25 =	sadd.s32 $0x7500, s22  }
0x7e: {  	[tilespmem:s25], [sflag:$0x5] =	stream.indirect_vreg.gather [hbm4b:s8+s2], $0x80, v3, vm1, $0x2000b8;
	[tilespmem:$0x18100] =	vst v63  }
0x7f: {  	v3 =	vld [tilespmem:s23+$0x50];
	_ =	sdelay $0x4  }
0x80: {  	v61 =	vshrl.u32 v3, $0x3  }
0x81: {  	v4 =	vmul.u32 $0x18, v61  }
0x82: {  	v3 =	vand.u32 $0x7, v3  }
0x83: {  	v3 =	vor.u32 v3, v4  }
0x84: {  	v4 =	vperm.xlane v3, v0;
	_ =	sdelay $0x1  }
0x85: {  	v4 =	vadd.s32 v1, v4;
	_ =	sdelay $0x1  }
0x86: {  	v3 =	vperm.xlane v3, v2;
	_ =	sdelay $0x1  }
0x87: {  	s26 =	sadd.s32 $0x7900, s22;
	v3 =	vadd.s32 v1, v3  }
0x88: {  	[tilespmem:s26], [sflag:$0x5] =	stream.indirect_vreg.gather [hbm4b:s4+s2], $0x80, v4, vm0, $0x2000b8;
	[tilespmem:$0x18100] =	vst v63  }
0x89: {  	s28 =	sadd.s32 $0x8100, s22  }
0x8a: {  	[tilespmem:s28], [sflag:$0x5] =	stream.indirect_vreg.gather [hbm4b:s8+s2], $0x80, v4, vm1, $0x2000b8;
	[tilespmem:$0x18100] =	vst v63  }
0x8b: {  	s29 =	sadd.s32 $0x8500, s22  }
0x8c: {  	[tilespmem:s29], [sflag:$0x5] =	stream.indirect_vreg.gather [hbm4b:s4+s2], $0x80, v3, vm0, $0x2000b8;
	[tilespmem:$0x18100] =	vst v63  }
0x8d: {  	s30 =	sadd.s32 $0x8D00, s22  }
0x8e: {  	[tilespmem:s30], [sflag:$0x5] =	stream.indirect_vreg.gather [hbm4b:s8+s2], $0x80, v3, vm1, $0x2000b8;
	[tilespmem:$0x18100] =	vst v63  }
0x8f: {  	v3 =	vld [tilespmem:s23+$0x60];
	_ =	sdelay $0x4  }
0x90: {  	v62 =	vshrl.u32 v3, $0x3  }
0x91: {  	v4 =	vmul.u32 $0x18, v62  }
0x92: {  	v3 =	vand.u32 $0x7, v3  }
0x93: {  	v3 =	vor.u32 v3, v4  }
0x94: {  	v4 =	vperm.xlane v3, v0;
	_ =	sdelay $0x1  }
0x95: {  	v4 =	vadd.s32 v1, v4;
	_ =	sdelay $0x1  }
0x96: {  	v3 =	vperm.xlane v3, v2;
	_ =	sdelay $0x1  }
0x97: {  	s31 =	sadd.s32 $0x9100, s22;
	v3 =	vadd.s32 v1, v3  }
0x98: {  	[tilespmem:s31], [sflag:$0x5] =	stream.indirect_vreg.gather [hbm4b:s4+s2], $0x80, v4, vm0, $0x2000b8;
	[tilespmem:$0x18100] =	vst v63  }
0x99: {  	s25 =	sadd.s32 $0x9900, s22  }
0x9a: {  	[tilespmem:s25], [sflag:$0x5] =	stream.indirect_vreg.gather [hbm4b:s8+s2], $0x80, v4, vm1, $0x2000b8;
	[tilespmem:$0x18100] =	vst v63  }
0x9b: {  	s26 =	sadd.s32 $0x9D00, s22  }
0x9c: {  	[tilespmem:s26], [sflag:$0x5] =	stream.indirect_vreg.gather [hbm4b:s4+s2], $0x80, v3, vm0, $0x2000b8;
	[tilespmem:$0x18100] =	vst v63  }
0x9d: {  	s28 =	sadd.s32 $0xA500, s22  }
0x9e: {  	[tilespmem:s28], [sflag:$0x5] =	stream.indirect_vreg.gather [hbm4b:s8+s2], $0x80, v3, vm1, $0x2000b8;
	[tilespmem:$0x18100] =	vst v63  }
0x9f: {  	v3 =	vld [tilespmem:s23+$0x70];
	_ =	sdelay $0x4  }
0xa0: {  	v63 =	vshrl.u32 v3, $0x3  }
0xa1: {  	v4 =	vmul.u32 $0x18, v63  }
0xa2: {  	v3 =	vand.u32 $0x7, v3  }
0xa3: {  	v3 =	vor.u32 v3, v4  }
0xa4: {  	v4 =	vperm.xlane v3, v0;
	_ =	sdelay $0x1  }
0xa5: {  	v4 =	vadd.s32 v1, v4;
	_ =	sdelay $0x1  }
0xa6: {  	v3 =	vperm.xlane v3, v2;
	_ =	sdelay $0x1  }
0xa7: {  	s29 =	sadd.s32 $0xA900, s22;
	v3 =	vadd.s32 v1, v3  }
0xa8: {  	[tilespmem:s29], [sflag:$0x5] =	stream.indirect_vreg.gather [hbm4b:s4+s2], $0x80, v4, vm0, $0x2000b8;
	[tilespmem:$0x18100] =	vst v63  }
0xa9: {  	s30 =	sadd.s32 $0xB100, s22  }
0xaa: {  	[tilespmem:s30], [sflag:$0x5] =	stream.indirect_vreg.gather [hbm4b:s8+s2], $0x80, v4, vm1, $0x2000b8;
	[tilespmem:$0x18100] =	vst v63  }
0xab: {  	p2 =	por !p2, !p2;
	p3 =	seq.s32 s19, s14;
	s31 =	sadd.s32 $0xB500, s22  }
0xac: {  	[tilespmem:s31], [sflag:$0x5] =	stream.indirect_vreg.gather [hbm4b:s4+s2], $0x80, v3, vm0, $0x2000b8;
	[tilespmem:$0x18100] =	vst v63  }
0xad: {  	p2 =	por !p2, !p3;
	s22 =	sadd.s32 $0xBD00, s22  }
0xae: {  	[tilespmem:s22], [sflag:$0x5] =	stream.indirect_vreg.gather [hbm4b:s8+s2], $0x80, v3, vm1, $0x2000b8;
	[tilespmem:$0x18100] =	vst v63  }
0xaf: {  	s19 =	sadd.s32 s6, s19;
	p2 =	por !p2, !p2;
	_ =	swait.ge [sflag:s10], $0xC000  }
0xb0: {  	s19 =	smul.u32 @!p2 $0x1800, s19;
	p0 =	por p2, p0;
	[sflag:s10] =	ssyncset.done $0x0  }
.Ltmp2:
0xb1: {  	[sflag:s10] =	ssyncadd.s32 $0xFFFF4000;
	(pc) =	sbr.rel @!p0 .LBB2_4-.Ltmp2, $4  }
0xb2: {  	s19 =	sadd.s32 @!p2 s1, s19;
	_ =	strace $0x90000055  }
0xb3: {  	s20 =	sadd.s32 @!p2 $0x3, s20;
	s22 =	simm.s32 @!p2 $0x0;
	_ =	strace @!p2 $0x80000056  }
0xb4: {  	[hbm4b:s19+s22] =	stream.linear.scatter @!p2 [tilespmem:s21], [sflag:s20], $0xC000, $0x200038;
	[tilespmem:$0x18100] =	vst v63  }
0xb5: {  	_ =	strace @!p2 $0x90000056  }
.Ltmp3:
0xb6: {  	s19 =	simm.s32 $0x1;
	(pc) =	sbr.rel .LBB2_2-.Ltmp3, $4  }
0xb7: {  	s20 =	simm.s32 @!p2 $0x1;
	s13 =	sadd.s32 s17, s13;
	s19 =	simm.s32 @!p1 $0x0  }
0xb8: {  	s17 =	simm.s32 $0x1;
	s16 =	sadd.s32 s19, s16;
	s19 =	sadd.s32 @!p2 $0x1, s18  }
0xb9: {  	p0 =	por $0x0, $0x0;
	s20 =	simm.s32 @p2 $0x0;
	s19 =	smov.u32 @p2 s18  }
0xba: {  	s15 =	sadd.s32 s15, s20;
	p2 =	por $0x1, $0x1;
	s18 =	smov.u32 s19  }
.LBB2_5:
0xbb: {  	_ =	sfence.sel $0x180000  }
0xbc: {  	[bflag:$0x0] =	sbarrier.arrive $0xFFFF  }
0xbd: {  	p0 =	sne.s32 s3, $0x0;
	_ =	strace $0x90000051  }
0xbe: {  	s0 =	sadd.s32 @!p0 $0x100000, s0;
	[bflag:$0x2] =	sbarrier.arrive $0xFFFF  }
0xbf: {  	[sflag:s0] =	ssyncadd.tile.s32 @!p0 $0x1;
	_ =	shalt  }
.Lfunc_end2:
_tile_overlayer_lowered:
.L_overlay_start_2:
0xc0: {  	(tag) =	ssettag $0x2  }
0xc1: {  	s0 =	rddreg [dreg:$0x0];
	s2 =	stileid.u32  }
0xc2: {  	s1 =	rddreg [dreg:$0x1];
	p0 =	sne.s32 s2, $0x0  }
0xc3: {  	s3 =	rddreg [dreg:$0x2];
	[bflag:$0x3] =	sbarrier.arrive $0xFFFF;
	s2 =	simm.s32 @!p0 $0x1C01  }
0xc4: {  	[timem:s3], [sflag:s2] =	dma.local @!p0 [hbm:s0], s1  }
0xc5: {  	s0 =	simm.s32 @!p0 $0x1  }
0xc6: {  	_ =	swait.ge @!p0 [sflag:s0], s1  }
0xc7: {  	s1 =	ssub.s32 @!p0 $0x0, s1;
	[sflag:s0] =	ssyncset.done @!p0 $0x0  }
0xc8: {  	[sflag:s0] =	ssyncadd.s32 @!p0 s1  }
0xc9: {  	[bflag:$0x3] =	sbarrier.arrive $0xFFFF  }
0xca: {  	_ =	shalt  }

</sc_bundles>
